<compile_context>
chip_gen: v7x
topology: tpu7x:2x2x1
jax: 0.10.2.dev20260603
libtpu: 0.0.44.dev20260713+nightly
codegen_flags: <defaults>
</compile_context>

<pallas_src>
import functools
import math

import jax
import jax.numpy as jnp
from jax import lax
from jax.experimental import pallas as pl
from jax.experimental.pallas import tpu as pltpu
from jax.experimental.pallas import tpu_sc as plsc

_N = 20000
_NUM_CLASSES = 21
_NC = _NUM_CLASSES - 1
_IMG_H, _IMG_W = 800.0, 1216.0
_SCORE_THRESH = 0.05
_NMS_THRESH = 0.5
_NUM_DETECTIONS = 100
_MIN_SIZE = 1.0
_K_PRE = 1000
_KP = 1024
_B = 128
_BBOX_XFORM_CLIP = math.log(1000.0 / 16.0)


def _prep_kernel(l_ref, dx_ref, dy_ref, dw_ref, dh_ref, p_ref,
                 s_ref, x1_ref, y1_ref, x2_ref, y2_ref, t_ref, k_ref):
    l = l_ref[...]
    m = jnp.max(l, axis=0, keepdims=True)
    e = jnp.exp(l - m)
    denom = jnp.sum(e, axis=0, keepdims=True)
    score = e[1:, :] / denom

    px1 = p_ref[0:1, :]
    py1 = p_ref[1:2, :]
    px2 = p_ref[2:3, :]
    py2 = p_ref[3:4, :]
    w = px2 - px1
    h = py2 - py1
    cx = px1 + 0.5 * w
    cy = py1 + 0.5 * h

    dx = dx_ref[...] / 10.0
    dy = dy_ref[...] / 10.0
    dw = jnp.minimum(dw_ref[...] / 5.0, _BBOX_XFORM_CLIP)
    dh = jnp.minimum(dh_ref[...] / 5.0, _BBOX_XFORM_CLIP)

    pcx = dx * w + cx
    pcy = dy * h + cy
    pw = jnp.exp(dw) * w
    ph = jnp.exp(dh) * h

    x1 = jnp.clip(pcx - 0.5 * pw, 0.0, _IMG_W)
    y1 = jnp.clip(pcy - 0.5 * ph, 0.0, _IMG_H)
    x2 = jnp.clip(pcx + 0.5 * pw, 0.0, _IMG_W)
    y2 = jnp.clip(pcy + 0.5 * ph, 0.0, _IMG_H)

    bw = x2 - x1
    bh = y2 - y1
    valid = (score >= _SCORE_THRESH) & (bw >= _MIN_SIZE) & (bh >= _MIN_SIZE)
    s = jnp.where(valid, score, -1.0)
    s_ref[...] = s
    x1_ref[...] = x1
    y1_ref[...] = y1
    x2_ref[...] = x2
    y2_ref[...] = y2

    keys = jnp.where(s < 0.0, jnp.int32(-1),
                     lax.bitcast_convert_type(s, jnp.int32))
    k_ref[...] = keys
    lo0 = jnp.full((_NC, 1), -1, jnp.int32)
    hi0 = jnp.full((_NC, 1), 0x3F800001, jnp.int32)

    def bs_body(_, st):
        lo, hi = st
        mid = lo + (hi - lo) // 2
        cnt = jnp.sum((keys >= mid).astype(jnp.int32), axis=1, keepdims=True)
        pred = cnt >= _K_PRE
        return jnp.where(pred, mid, lo), jnp.where(pred, hi, mid)

    lo, hi = lax.fori_loop(0, 31, bs_body, (lo0, hi0))
    t_ref[...] = lo


def _make_compact_sc():
    mesh = plsc.VectorSubcoreMesh(core_axis_name="c", subcore_axis_name="s")

    @functools.partial(
        pl.kernel, mesh=mesh,
        compiler_params=pltpu.CompilerParams(needs_layout_passes=False),
        out_type=[jax.ShapeDtypeStruct((_NC * _KP,), jnp.int32),
                  jax.ShapeDtypeStruct((_NC * _KP,), jnp.int32),
                  jax.ShapeDtypeStruct((_NC * 16,), jnp.int32)],
        scratch_types=[pltpu.VMEM((_N,), jnp.int32),
                       pltpu.VMEM((16,), jnp.int32),
                       pltpu.VMEM((_KP,), jnp.int32),
                       pltpu.VMEM((_KP,), jnp.int32),
                       pltpu.VMEM((16,), jnp.int32)],
    )
    def compact(keys_hbm, thr_hbm, gt_hbm, eq_hbm, cnt_hbm,
                keys_v, thr_v, gt_v, eq_v, cnt_v):
        wid = lax.axis_index("s") * 2 + lax.axis_index("c")
        cls = jnp.minimum(wid, _NC - 1)
        pltpu.sync_copy(keys_hbm.at[pl.ds(cls * _N, _N)], keys_v)
        pltpu.sync_copy(thr_hbm.at[pl.ds(cls * 16, 16)], thr_v)
        thr = thr_v[...]
        lane = lax.iota(jnp.int32, 16)

        def step(i, st):
            off_gt, off_eq = st
            kv = keys_v[pl.ds(i * 16, 16)]
            gidx = lane + i * 16
            m_gt = kv > thr
            m_eq = kv == thr
            pos_gt = off_gt + plsc.cumsum(m_gt.astype(jnp.int32))
            pos_eq = off_eq + plsc.cumsum(m_eq.astype(jnp.int32))
            plsc.store_scatter(gt_v, [pos_gt - 1], gidx,
                               mask=m_gt & (pos_gt <= _KP))
            plsc.store_scatter(eq_v, [pos_eq - 1], gidx,
                               mask=m_eq & (pos_eq <= _KP))
            return (off_gt + plsc.all_reduce_population_count(m_gt),
                    off_eq + plsc.all_reduce_population_count(m_eq))

        zero = jnp.zeros((16,), jnp.int32)
        cnt_gt, cnt_eq = lax.fori_loop(0, _N // 16, step, (zero, zero))
        cnt_v[...] = jnp.where(lane == 0, cnt_gt,
                               jnp.where(lane == 1, cnt_eq, 0))
        pltpu.sync_copy(gt_v, gt_hbm.at[pl.ds(cls * _KP, _KP)])
        pltpu.sync_copy(eq_v, eq_hbm.at[pl.ds(cls * _KP, _KP)])
        pltpu.sync_copy(cnt_v, cnt_hbm.at[pl.ds(cls * 16, 16)])

    return compact


_compact_sc = _make_compact_sc()


def _nms_kernel(s_ref, x1r_ref, y1r_ref, x2r_ref, y2r_ref,
                x1c_ref, y1c_ref, x2c_ref, y2c_ref, s2_ref):
    s_row = s_ref[0]
    x1r = x1r_ref[0]
    y1r = y1r_ref[0]
    x2r = x2r_ref[0]
    y2r = y2r_ref[0]
    x1c = x1c_ref[0]
    y1c = y1c_ref[0]
    x2c = x2c_ref[0]
    y2c = y2c_ref[0]

    area_r = (x2r - x1r) * (y2r - y1r)
    area_c = (x2c - x1c) * (y2c - y1c)
    ltx = jnp.maximum(x1c, x1r)
    lty = jnp.maximum(y1c, y1r)
    rbx = jnp.minimum(x2c, x2r)
    rby = jnp.minimum(y2c, y2r)
    iw = jnp.clip(rbx - ltx, 0.0, None)
    ih = jnp.clip(rby - lty, 0.0, None)
    inter = iw * ih
    union = area_c + area_r - inter
    iou = inter / jnp.maximum(union, 1e-9)
    sup = (iou > _NMS_THRESH).astype(jnp.float32)

    validf = (s_row > 0.0).astype(jnp.float32)

    ii = lax.broadcasted_iota(jnp.int32, (_B, _B), 0)
    jj = lax.broadcasted_iota(jnp.int32, (_B, _B), 1)
    tri = (ii < jj).astype(jnp.float32)

    supp_cnt = jnp.zeros((1, _KP), jnp.float32)
    kept_blocks = []
    for b in range(_KP // _B):
        lo = b * _B
        d = sup[lo:lo + _B, lo:lo + _B] * tri
        vblk = validf[:, lo:lo + _B] * (supp_cnt[:, lo:lo + _B] == 0.0)

        def body(st):
            k, _, it = st
            cnt = jnp.dot(k, d, preferred_element_type=jnp.float32)
            knew = vblk * (cnt == 0.0)
            return knew, k, it + 1

        def cond(st):
            k, prev, it = st
            return jnp.logical_and(it < _B, jnp.any(k != prev))

        k0 = vblk
        kfin, _, _ = lax.while_loop(cond, body, (k0, -jnp.ones_like(k0), 0))
        kept_blocks.append(kfin)
        supp_cnt = supp_cnt + jnp.dot(kfin, sup[lo:lo + _B, :],
                                      preferred_element_type=jnp.float32)

    kept = jnp.concatenate(kept_blocks, axis=1)
    s2_ref[...] = jnp.where(kept > 0.0, s_row, -1.0)[None]


def kernel(class_logit, box_regression, proposal):
    lT = class_logit.T
    deltas = box_regression.reshape(_N, _NUM_CLASSES, 4)[:, 1:, :]
    dT = deltas.transpose(1, 2, 0)
    pT = proposal.T

    out_sd = [jax.ShapeDtypeStruct((_NC, _N), jnp.float32)] * 5 + [
        jax.ShapeDtypeStruct((_NC, 1), jnp.int32),
        jax.ShapeDtypeStruct((_NC, _N), jnp.int32)]
    s, bx1, by1, bx2, by2, tkey, keys = pl.pallas_call(
        _prep_kernel,
        out_shape=out_sd,
    )(lT, dT[:, 0], dT[:, 1], dT[:, 2], dT[:, 3], pT)

    thrb = jnp.broadcast_to(tkey, (_NC, 16)).reshape(-1)
    idx_gt, idx_eq, cnts = _compact_sc(keys.reshape(-1), thrb)
    idx_gt = idx_gt.reshape(_NC, _KP)
    idx_eq = idx_eq.reshape(_NC, _KP)
    cnts = cnts.reshape(_NC, 16)
    cnt_gt = cnts[:, 0:1]
    cnt_eq = cnts[:, 1:2]
    slot = jnp.arange(_KP, dtype=jnp.int32)[None]
    cand_idx = jnp.concatenate([idx_gt, idx_eq], axis=1)
    cand_ok = jnp.concatenate([slot < cnt_gt, slot < cnt_eq], axis=1)
    cand_s = jnp.where(cand_ok,
                       jnp.take_along_axis(s, cand_idx, axis=1, mode="clip"),
                       -2.0)
    neg_sorted, idx_sorted = lax.sort((-cand_s, cand_idx), num_keys=2)
    top_s = -neg_sorted[:, :_K_PRE]
    top_i = idx_sorted[:, :_K_PRE]
    gx1 = jnp.take_along_axis(bx1, top_i, axis=1)
    gy1 = jnp.take_along_axis(by1, top_i, axis=1)
    gx2 = jnp.take_along_axis(bx2, top_i, axis=1)
    gy2 = jnp.take_along_axis(by2, top_i, axis=1)

    pad = _KP - _K_PRE
    sp = jnp.pad(top_s, ((0, 0), (0, pad)), constant_values=-1.0)
    px1 = jnp.pad(gx1, ((0, 0), (0, pad)))
    py1 = jnp.pad(gy1, ((0, 0), (0, pad)))
    px2 = jnp.pad(gx2, ((0, 0), (0, pad)))
    py2 = jnp.pad(gy2, ((0, 0), (0, pad)))

    row = lambda a: a.reshape(_NC, 1, _KP)
    col = lambda a: a.reshape(_NC, _KP, 1)
    rspec = pl.BlockSpec((1, 1, _KP), lambda c: (c, 0, 0))
    cspec = pl.BlockSpec((1, _KP, 1), lambda c: (c, 0, 0))

    s2 = pl.pallas_call(
        _nms_kernel,
        grid=(_NC,),
        in_specs=[rspec, rspec, rspec, rspec, rspec,
                  cspec, cspec, cspec, cspec],
        out_specs=rspec,
        out_shape=jax.ShapeDtypeStruct((_NC, 1, _KP), jnp.float32),
    )(row(sp), row(px1), row(py1), row(px2), row(py2),
      col(px1), col(py1), col(px2), col(py2))

    s2 = s2.reshape(_NC, _KP)
    det_s, det_i = lax.top_k(s2, _NUM_DETECTIONS)
    dx1 = jnp.take_along_axis(px1, det_i, axis=1)
    dy1 = jnp.take_along_axis(py1, det_i, axis=1)
    dx2 = jnp.take_along_axis(px2, det_i, axis=1)
    dy2 = jnp.take_along_axis(py2, det_i, axis=1)
    det_box = jnp.stack([dx1, dy1, dx2, dy2], axis=-1)

    det_valid = det_s > 0.0
    det_box = jnp.where(det_valid[:, :, None], det_box, 0.0)
    det_s = jnp.where(det_valid, det_s, 0.0)
    labels = jnp.broadcast_to(jnp.arange(1, _NUM_CLASSES)[:, None],
                              (_NC, _NUM_DETECTIONS))
    labels = jnp.where(det_valid, labels, 0).astype(jnp.float32)
    det = jnp.concatenate([det_box.reshape(-1, 4),
                           det_s.reshape(-1, 1),
                           labels.reshape(-1, 1)], axis=1)
    return det

# --- scband reference (transcript-rebuilt; emitter-appended) ---
"""Pipeline reference for scband-ro-iheads-24807731102261 (READ-ONLY COPY).

The authoritative reference and input builder live on the scoring server;
editing this copy changes nothing except your own understanding.
"""

import jax, jax.numpy as jnp
import numpy as np
from jax import lax
import math

N = 20000
NUM_CLASSES = 21
IMG_H, IMG_W = 800.0, 1216.0
SCORE_THRESH = 0.05
NMS_THRESH = 0.5
NUM_DETECTIONS = 100
MIN_SIZE = 1.0
K_PRE = 1000
REG_WEIGHTS = (10.0, 10.0, 5.0, 5.0)
BBOX_XFORM_CLIP = math.log(1000.0 / 16.0)


def _decode(delta, boxes):
    wx, wy, ww, wh = REG_WEIGHTS
    widths = boxes[:, 2] - boxes[:, 0]
    heights = boxes[:, 3] - boxes[:, 1]
    ctr_x = boxes[:, 0] + 0.5 * widths
    ctr_y = boxes[:, 1] + 0.5 * heights
    dx = delta[:, 0] / wx
    dy = delta[:, 1] / wy
    dw = jnp.minimum(delta[:, 2] / ww, BBOX_XFORM_CLIP)
    dh = jnp.minimum(delta[:, 3] / wh, BBOX_XFORM_CLIP)
    pred_ctr_x = dx * widths + ctr_x
    pred_ctr_y = dy * heights + ctr_y
    pred_w = jnp.exp(dw) * widths
    pred_h = jnp.exp(dh) * heights
    x1 = pred_ctr_x - 0.5 * pred_w
    y1 = pred_ctr_y - 0.5 * pred_h
    x2 = pred_ctr_x + 0.5 * pred_w
    y2 = pred_ctr_y + 0.5 * pred_h
    return jnp.stack([x1, y1, x2, y2], axis=1)


def _box_iou(a, b):
    area_a = (a[:, 2] - a[:, 0]) * (a[:, 3] - a[:, 1])
    area_b = (b[:, 2] - b[:, 0]) * (b[:, 3] - b[:, 1])
    lt = jnp.maximum(a[:, None, :2], b[None, :, :2])
    rb = jnp.minimum(a[:, None, 2:], b[None, :, 2:])
    wh = jnp.clip(rb - lt, 0.0, None)
    inter = wh[..., 0] * wh[..., 1]
    union = area_a[:, None] + area_b[None, :] - inter
    return inter / jnp.maximum(union, 1e-9)


def _nms_keep(iou):
    K = iou.shape[0]
    idx = jnp.arange(K)

    def body(i, keep):
        cur = keep[i]
        suppress = (iou[i] > NMS_THRESH) & (idx > i) & cur
        return keep & jnp.logical_not(suppress)

    return lax.fori_loop(0, K, body, jnp.ones((K,), dtype=bool))


def _forward(class_logit, box_regression, proposal):
    pred_score = jax.nn.softmax(class_logit, axis=-1)
    box_reg = box_regression.reshape(class_logit.shape[0], NUM_CLASSES, 4)

    def per_class(score_l, delta_l):
        box = _decode(delta_l, proposal)
        x1 = jnp.clip(box[:, 0], 0.0, IMG_W)
        y1 = jnp.clip(box[:, 1], 0.0, IMG_H)
        x2 = jnp.clip(box[:, 2], 0.0, IMG_W)
        y2 = jnp.clip(box[:, 3], 0.0, IMG_H)
        box = jnp.stack([x1, y1, x2, y2], axis=1)
        w = x2 - x1
        h = y2 - y1
        valid = (score_l >= SCORE_THRESH) & (w >= MIN_SIZE) & (h >= MIN_SIZE)
        s = jnp.where(valid, score_l, -1.0)
        top_s, top_i = lax.top_k(s, K_PRE)
        top_box = box[top_i]
        iou = _box_iou(top_box, top_box)
        keep = _nms_keep(lax.stop_gradient(iou)) & (top_s > 0.0)
        s2 = jnp.where(keep, top_s, -1.0)
        det_s, det_i = lax.top_k(s2, NUM_DETECTIONS)
        det_box = top_box[det_i]
        det_valid = det_s > 0.0
        det_box = jnp.where(det_valid[:, None], det_box, 0.0)
        det_s = jnp.where(det_valid, det_s, 0.0)
        return det_box, det_s, det_valid

    scores_cl = jnp.swapaxes(pred_score[:, 1:], 0, 1)
    deltas_cl = jnp.swapaxes(box_reg[:, 1:, :], 0, 1)
    det_box, det_s, det_valid = jax.vmap(per_class)(scores_cl, deltas_cl)
    labels = jnp.broadcast_to(jnp.arange(1, NUM_CLASSES)[:, None], (NUM_CLASSES - 1, NUM_DETECTIONS))
    labels = jnp.where(det_valid, labels, 0).astype(jnp.float32)
    det = jnp.concatenate([det_box.reshape(-1, 4), det_s.reshape(-1, 1), labels.reshape(-1, 1)], axis=1)
    return det


def setup_inputs(seed: int = 0):
    key = jax.random.key(seed)
    k1, k2, k3 = jax.random.split(key, 3)
    class_logit = jax.random.normal(k1, (N, NUM_CLASSES), dtype=jnp.float32)
    box_regression = 0.5 * jax.random.normal(k2, (N, NUM_CLASSES * 4), dtype=jnp.float32)
    raw = jax.random.uniform(k3, (N, 4), dtype=jnp.float32)
    px1 = raw[:, 0] * (IMG_W - 1.0)
    py1 = raw[:, 1] * (IMG_H - 1.0)
    px2 = jnp.minimum(px1 + raw[:, 2] * 256.0 + 1.0, IMG_W)
    py2 = jnp.minimum(py1 + raw[:, 3] * 256.0 + 1.0, IMG_H)
    proposal = jnp.stack([px1, py1, px2, py2], axis=1)
    return {"class_logit": class_logit, "box_regression": box_regression, "proposal": proposal}


def reference(class_logit, box_regression, proposal):
    return _forward(class_logit, box_regression, proposal)

if __name__ == "__main__":
    import jax
    _d = setup_inputs()
    print(jax.jit(kernel)(*tuple(_d.values())))

</pallas_src>

<mosaic_0001>
#map = affine_map<(d0, d1) -> (0)>
module attributes {stable_mosaic.version = 14 : i64} {
  func.func @compact(%arg0: i32, %arg1: i32, %arg2: memref<400000xi32, #tpu.memory_space<hbm>>, %arg3: memref<320xi32, #tpu.memory_space<hbm>>, %arg4: memref<20480xi32, #tpu.memory_space<hbm>>, %arg5: memref<20480xi32, #tpu.memory_space<hbm>>, %arg6: memref<320xi32, #tpu.memory_space<hbm>>, %arg7: memref<20000xi32, #tpu.memory_space<vmem>>, %arg8: memref<16xi32, #tpu.memory_space<vmem>>, %arg9: memref<1024xi32, #tpu.memory_space<vmem>>, %arg10: memref<1024xi32, #tpu.memory_space<vmem>>, %arg11: memref<16xi32, #tpu.memory_space<vmem>>) attributes {dimension_semantics = [#tpu.dimension_semantics<core_parallel>, #tpu.dimension_semantics<subcore_parallel>], iteration_bounds = array<i64: 2, 16>, scalar_prefetch = 0 : i64, scratch_operands = 5 : i64, tpu.core_type = #tpu.core_type<sc_vector_subcore>, window_params = [{transform_indices = #map}, {transform_indices = #map}, {transform_indices = #map}, {transform_indices = #map}, {transform_indices = #map}]} {
    %mul3A = arith.constant 2 : i32
    %mul3A_0 = arith.muli %arg1, %mul3A : i32
    %add3A = arith.addi %mul3A_0, %arg0 : i32
    %min3A = arith.constant 19 : i32
    %min3A_1 = arith.minsi %add3A, %min3A : i32
    %mul3A_2 = arith.constant 20000 : i32
    %mul3A_3 = arith.muli %min3A_1, %mul3A_2 : i32
    "tpu.region"() ({
      %run_scoped3A = tpu.sem_alloc : memref<!tpu.dma_semaphore, #tpu.memory_space<semaphore_mem>>
      %dma_start3A = tpu.memref_slice %arg2[%mul3A_3] : memref<400000xi32, #tpu.memory_space<hbm>> -> memref<20000xi32, #tpu.memory_space<hbm>>
      %dma_start3A_27 = tpu.memref_slice %arg2[%mul3A_3] : memref<400000xi32, #tpu.memory_space<hbm>> -> memref<20000xi32, #tpu.memory_space<hbm>>
      tpu.enqueue_dma source(%dma_start3A_27 : memref<20000xi32, #tpu.memory_space<hbm>>) target(%arg7 : memref<20000xi32, #tpu.memory_space<vmem>>) target_semaphore(%run_scoped3A : memref<!tpu.dma_semaphore, #tpu.memory_space<semaphore_mem>>)
      %dma_wait3A = tpu.memref_slice %arg2[%mul3A_3] : memref<400000xi32, #tpu.memory_space<hbm>> -> memref<20000xi32, #tpu.memory_space<hbm>>
      %dma_wait3A_28 = tpu.memref_slice %arg2[%mul3A_3] : memref<400000xi32, #tpu.memory_space<hbm>> -> memref<20000xi32, #tpu.memory_space<hbm>>
      tpu.wait_dma2 semaphore(%run_scoped3A : memref<!tpu.dma_semaphore, #tpu.memory_space<semaphore_mem>>) src(%dma_wait3A_28 : memref<20000xi32, #tpu.memory_space<hbm>>) dst(%arg7 : memref<20000xi32, #tpu.memory_space<vmem>>)
      tpu.yield
    }) : () -> ()
    %mul3A_4 = arith.constant 16 : i32
    %mul3A_5 = arith.muli %min3A_1, %mul3A_4 : i32
    "tpu.region"() ({
      %run_scoped3A = tpu.sem_alloc : memref<!tpu.dma_semaphore, #tpu.memory_space<semaphore_mem>>
      %dma_start3A = tpu.memref_slice %arg3[%mul3A_5] : memref<320xi32, #tpu.memory_space<hbm>> -> memref<16xi32, #tpu.memory_space<hbm>>
      %dma_start3A_27 = tpu.memref_slice %arg3[%mul3A_5] : memref<320xi32, #tpu.memory_space<hbm>> -> memref<16xi32, #tpu.memory_space<hbm>>
      tpu.enqueue_dma source(%dma_start3A_27 : memref<16xi32, #tpu.memory_space<hbm>>) target(%arg8 : memref<16xi32, #tpu.memory_space<vmem>>) target_semaphore(%run_scoped3A : memref<!tpu.dma_semaphore, #tpu.memory_space<semaphore_mem>>)
      %dma_wait3A = tpu.memref_slice %arg3[%mul3A_5] : memref<320xi32, #tpu.memory_space<hbm>> -> memref<16xi32, #tpu.memory_space<hbm>>
      %dma_wait3A_28 = tpu.memref_slice %arg3[%mul3A_5] : memref<320xi32, #tpu.memory_space<hbm>> -> memref<16xi32, #tpu.memory_space<hbm>>
      tpu.wait_dma2 semaphore(%run_scoped3A : memref<!tpu.dma_semaphore, #tpu.memory_space<semaphore_mem>>) src(%dma_wait3A_28 : memref<16xi32, #tpu.memory_space<hbm>>) dst(%arg8 : memref<16xi32, #tpu.memory_space<vmem>>)
      tpu.yield
    }) : () -> ()
    %get3A = arith.constant 0 : index
    %get3A_6 = tpu.vector_load %arg8[%get3A] {strides = array<i32>} : memref<16xi32, #tpu.memory_space<vmem>>, vector<16xi32>,
    %iota3A = tpu.iota {dimensions = array<i32: 0>} : vector<16xi32>
    %broadcast_in_dim3A = arith.constant 0 : i32
    %broadcast_in_dim3A_7 = vector.broadcast %broadcast_in_dim3A : i32 to vector<16xi32>
    %scan3A = arith.constant 0 : i32
    %scan3A_8 = arith.constant 1250 : i32
    %scan3A_9 = arith.addi %scan3A, %scan3A_8 : i32
    %scan3A_10 = arith.constant 1 : i32
    %scan3A_11:2 = scf.for %scan3A_27 = %scan3A to %scan3A_9 step %scan3A_10 iter_args(%scan3A_28 = %broadcast_in_dim3A_7, %scan3A_29 = %broadcast_in_dim3A_7) -> (vector<16xi32>, vector<16xi32>)  : i32 {
      %mul3A_30 = arith.constant 16 : i32
      %mul3A_31 = arith.muli %scan3A_27, %mul3A_30 : i32
      %get3A_32 = arith.index_cast %mul3A_31 : i32 to index
      %get3A_33 = tpu.vector_load %arg7[%get3A_32] {strides = array<i32>} : memref<20000xi32, #tpu.memory_space<vmem>>, vector<16xi32>,
      %mul3A_34 = arith.constant 16 : i32
      %mul3A_35 = arith.muli %scan3A_27, %mul3A_34 : i32
      %add3A_36 = vector.broadcast %mul3A_35 : i32 to vector<16xi32>
      %add3A_37 = arith.addi %iota3A, %add3A_36 : vector<16xi32>
      %gt3A = arith.cmpi sgt, %get3A_33, %get3A_6 : vector<16xi32>
      %eq3A_38 = arith.cmpi eq, %get3A_33, %get3A_6 : vector<16xi32>
      %convert_element_type3A = arith.extui %gt3A : vector<16xi1> to vector<16xi32>
      %broadcast_in_dim3A_39 = arith.constant true
      %broadcast_in_dim3A_40 = vector.broadcast %broadcast_in_dim3A_39 : i1 to vector<16xi1>
      %masked_cumsum3A = tpu.scan <sum>, %convert_element_type3A masked %broadcast_in_dim3A_40 : vector<16xi32>, vector<16xi1> -> vector<16xi32>
      %add3A_41 = arith.addi %scan3A_28, %masked_cumsum3A : vector<16xi32>
      %convert_element_type3A_42 = arith.extui %eq3A_38 : vector<16xi1> to vector<16xi32>
      %broadcast_in_dim3A_43 = arith.constant true
      %broadcast_in_dim3A_44 = vector.broadcast %broadcast_in_dim3A_43 : i1 to vector<16xi1>
      %masked_cumsum3A_45 = tpu.scan <sum>, %convert_element_type3A_42 masked %broadcast_in_dim3A_44 : vector<16xi32>, vector<16xi1> -> vector<16xi32>
      %add3A_46 = arith.addi %scan3A_29, %masked_cumsum3A_45 : vector<16xi32>
      %sub3A = arith.constant 1 : i32
      %sub3A_47 = vector.broadcast %sub3A : i32 to vector<16xi32>
      %sub3A_48 = arith.subi %add3A_41, %sub3A_47 : vector<16xi32>
      %le3A = arith.constant 1024 : i32
      %le3A_49 = vector.broadcast %le3A : i32 to vector<16xi32>
      %le3A_50 = arith.cmpi sle, %add3A_41, %le3A_49 : vector<16xi32>
      %and3A = arith.andi %gt3A, %le3A_50 : vector<16xi1>
      tpu.vector_store_idx %arg9[%sub3A_48], %add3A_37 masked %and3A : memref<1024xi32, #tpu.memory_space<vmem>>[vector<16xi32>], vector<16xi32>, vector<16xi1>
      %sub3A_51 = arith.constant 1 : i32
      %sub3A_52 = vector.broadcast %sub3A_51 : i32 to vector<16xi32>
      %sub3A_53 = arith.subi %add3A_46, %sub3A_52 : vector<16xi32>
      %le3A_54 = arith.constant 1024 : i32
      %le3A_55 = vector.broadcast %le3A_54 : i32 to vector<16xi32>
      %le3A_56 = arith.cmpi sle, %add3A_46, %le3A_55 : vector<16xi32>
      %and3A_57 = arith.andi %eq3A_38, %le3A_56 : vector<16xi1>
      tpu.vector_store_idx %arg10[%sub3A_53], %add3A_37 masked %and3A_57 : memref<1024xi32, #tpu.memory_space<vmem>>[vector<16xi32>], vector<16xi32>, vector<16xi1>
      %all_reduce_population_count3A = tpu.all_reduce %gt3A {dim = 0 : i64, kind = #tpu.reduction_kind<sum>} : vector<16xi1> -> vector<16xi32>
      %add3A_58 = arith.addi %scan3A_28, %all_reduce_population_count3A : vector<16xi32>
      %all_reduce_population_count3A_59 = tpu.all_reduce %eq3A_38 {dim = 0 : i64, kind = #tpu.reduction_kind<sum>} : vector<16xi1> -> vector<16xi32>
      %add3A_60 = arith.addi %scan3A_29, %all_reduce_population_count3A_59 : vector<16xi32>
      scf.yield %add3A_58, %add3A_60 : vector<16xi32>, vector<16xi32>
    }
    %scan3A_12 = arith.constant 1250 : i32
    %eq3A = arith.constant 0 : i32
    %eq3A_13 = vector.broadcast %eq3A : i32 to vector<16xi32>
    %eq3A_14 = arith.cmpi eq, %iota3A, %eq3A_13 : vector<16xi32>
    %eq3A_15 = arith.constant 1 : i32
    %eq3A_16 = vector.broadcast %eq3A_15 : i32 to vector<16xi32>
    %eq3A_17 = arith.cmpi eq, %iota3A, %eq3A_16 : vector<16xi32>
    %jit3A = arith.constant 0 : i32
    %broadcast_in_dim3A_18 = vector.broadcast %jit3A : i32 to vector<16xi32>
    %select_n3A = arith.select %eq3A_17, %scan3A_11#1, %broadcast_in_dim3A_18 : vector<16xi1>, vector<16xi32>
    %select_n3A_19 = arith.select %eq3A_14, %scan3A_11#0, %select_n3A : vector<16xi1>, vector<16xi32>
    %swap3A = arith.constant 0 : index
    %swap3A_20 = tpu.vector_load %arg11[%swap3A] {strides = array<i32>} : memref<16xi32, #tpu.memory_space<vmem>>, vector<16xi32>,
    tpu.vector_store %arg11[%swap3A], %select_n3A_19 {strides = array<i32>} : memref<16xi32, #tpu.memory_space<vmem>>, vector<16xi32>,
    %mul3A_21 = arith.constant 1024 : i32
    %mul3A_22 = arith.muli %min3A_1, %mul3A_21 : i32
    "tpu.region"() ({
      %run_scoped3A = tpu.sem_alloc : memref<!tpu.dma_semaphore, #tpu.memory_space<semaphore_mem>>
      %dma_start3A = tpu.memref_slice %arg4[%mul3A_22] : memref<20480xi32, #tpu.memory_space<hbm>> -> memref<1024xi32, #tpu.memory_space<hbm>>
      %dma_start3A_27 = tpu.memref_slice %arg4[%mul3A_22] : memref<20480xi32, #tpu.memory_space<hbm>> -> memref<1024xi32, #tpu.memory_space<hbm>>
      tpu.enqueue_dma source(%arg9 : memref<1024xi32, #tpu.memory_space<vmem>>) target(%dma_start3A_27 : memref<1024xi32, #tpu.memory_space<hbm>>) target_semaphore(%run_scoped3A : memref<!tpu.dma_semaphore, #tpu.memory_space<semaphore_mem>>)
      %dma_wait3A = tpu.memref_slice %arg4[%mul3A_22] : memref<20480xi32, #tpu.memory_space<hbm>> -> memref<1024xi32, #tpu.memory_space<hbm>>
      %dma_wait3A_28 = tpu.memref_slice %arg4[%mul3A_22] : memref<20480xi32, #tpu.memory_space<hbm>> -> memref<1024xi32, #tpu.memory_space<hbm>>
      tpu.wait_dma2 semaphore(%run_scoped3A : memref<!tpu.dma_semaphore, #tpu.memory_space<semaphore_mem>>) src(%arg9 : memref<1024xi32, #tpu.memory_space<vmem>>) dst(%dma_wait3A_28 : memref<1024xi32, #tpu.memory_space<hbm>>)
      tpu.yield
    }) : () -> ()
    %mul3A_23 = arith.constant 1024 : i32
    %mul3A_24 = arith.muli %min3A_1, %mul3A_23 : i32
    "tpu.region"() ({
      %run_scoped3A = tpu.sem_alloc : memref<!tpu.dma_semaphore, #tpu.memory_space<semaphore_mem>>
      %dma_start3A = tpu.memref_slice %arg5[%mul3A_24] : memref<20480xi32, #tpu.memory_space<hbm>> -> memref<1024xi32, #tpu.memory_space<hbm>>
      %dma_start3A_27 = tpu.memref_slice %arg5[%mul3A_24] : memref<20480xi32, #tpu.memory_space<hbm>> -> memref<1024xi32, #tpu.memory_space<hbm>>
      tpu.enqueue_dma source(%arg10 : memref<1024xi32, #tpu.memory_space<vmem>>) target(%dma_start3A_27 : memref<1024xi32, #tpu.memory_space<hbm>>) target_semaphore(%run_scoped3A : memref<!tpu.dma_semaphore, #tpu.memory_space<semaphore_mem>>)
      %dma_wait3A = tpu.memref_slice %arg5[%mul3A_24] : memref<20480xi32, #tpu.memory_space<hbm>> -> memref<1024xi32, #tpu.memory_space<hbm>>
      %dma_wait3A_28 = tpu.memref_slice %arg5[%mul3A_24] : memref<20480xi32, #tpu.memory_space<hbm>> -> memref<1024xi32, #tpu.memory_space<hbm>>
      tpu.wait_dma2 semaphore(%run_scoped3A : memref<!tpu.dma_semaphore, #tpu.memory_space<semaphore_mem>>) src(%arg10 : memref<1024xi32, #tpu.memory_space<vmem>>) dst(%dma_wait3A_28 : memref<1024xi32, #tpu.memory_space<hbm>>)
      tpu.yield
    }) : () -> ()
    %mul3A_25 = arith.constant 16 : i32
    %mul3A_26 = arith.muli %min3A_1, %mul3A_25 : i32
    "tpu.region"() ({
      %run_scoped3A = tpu.sem_alloc : memref<!tpu.dma_semaphore, #tpu.memory_space<semaphore_mem>>
      %dma_start3A = tpu.memref_slice %arg6[%mul3A_26] : memref<320xi32, #tpu.memory_space<hbm>> -> memref<16xi32, #tpu.memory_space<hbm>>
      %dma_start3A_27 = tpu.memref_slice %arg6[%mul3A_26] : memref<320xi32, #tpu.memory_space<hbm>> -> memref<16xi32, #tpu.memory_space<hbm>>
      tpu.enqueue_dma source(%arg11 : memref<16xi32, #tpu.memory_space<vmem>>) target(%dma_start3A_27 : memref<16xi32, #tpu.memory_space<hbm>>) target_semaphore(%run_scoped3A : memref<!tpu.dma_semaphore, #tpu.memory_space<semaphore_mem>>)
      %dma_wait3A = tpu.memref_slice %arg6[%mul3A_26] : memref<320xi32, #tpu.memory_space<hbm>> -> memref<16xi32, #tpu.memory_space<hbm>>
      %dma_wait3A_28 = tpu.memref_slice %arg6[%mul3A_26] : memref<320xi32, #tpu.memory_space<hbm>> -> memref<16xi32, #tpu.memory_space<hbm>>
      tpu.wait_dma2 semaphore(%run_scoped3A : memref<!tpu.dma_semaphore, #tpu.memory_space<semaphore_mem>>) src(%arg11 : memref<16xi32, #tpu.memory_space<vmem>>) dst(%dma_wait3A_28 : memref<16xi32, #tpu.memory_space<hbm>>)
      tpu.yield
    }) : () -> ()
    return
  }
}

module attributes {stable_mosaic.version = 14 : i64} {
  func.func @_prep_kernel(%arg0: memref<21x20000xf32, #tpu.memory_space<vmem>>, %arg1: memref<20x20000xf32, #tpu.memory_space<vmem>>, %arg2: memref<20x20000xf32, #tpu.memory_space<vmem>>, %arg3: memref<20x20000xf32, #tpu.memory_space<vmem>>, %arg4: memref<20x20000xf32, #tpu.memory_space<vmem>>, %arg5: memref<4x20000xf32, #tpu.memory_space<vmem>>, %arg6: memref<20x20000xf32, #tpu.memory_space<vmem>>, %arg7: memref<20x20000xf32, #tpu.memory_space<vmem>>, %arg8: memref<20x20000xf32, #tpu.memory_space<vmem>>, %arg9: memref<20x20000xf32, #tpu.memory_space<vmem>>, %arg10: memref<20x20000xf32, #tpu.memory_space<vmem>>, %arg11: memref<20x1xi32, #tpu.memory_space<vmem>>, %arg12: memref<20x20000xi32, #tpu.memory_space<vmem>>) attributes {dimension_semantics = [], scalar_prefetch = 0 : i64, scratch_operands = 0 : i64, tpu.core_type = #tpu.core_type<tc>} {
    %get3A = arith.constant 0 : index
    %get3A_0 = arith.constant 0 : index
    %get3A_1 = vector.load %arg0[%get3A, %get3A_0] : memref<21x20000xf32, #tpu.memory_space<vmem>>, vector<21x20000xf32>
    %reduce_max3A = arith.constant dense<0xFF800000> : vector<20000xf32>
    %reduce_max3A_2 = vector.multi_reduction <maximumf>, %get3A_1, %reduce_max3A [0] : vector<21x20000xf32> to vector<20000xf32>
    %broadcast_in_dim3A = vector.shape_cast %reduce_max3A_2 : vector<20000xf32> to vector<1x20000xf32>
    %sub3A = vector.broadcast %broadcast_in_dim3A : vector<1x20000xf32> to vector<21x20000xf32>
    %sub3A_3 = arith.subf %get3A_1, %sub3A : vector<21x20000xf32>
    %exp3A = math.exp %sub3A_3 : vector<21x20000xf32>
    %reduce_sum3A = arith.constant dense<0.000000e+00> : vector<20000xf32>
    %reduce_sum3A_4 = vector.multi_reduction <add>, %exp3A, %reduce_sum3A [0] : vector<21x20000xf32> to vector<20000xf32>
    %broadcast_in_dim3A_5 = vector.shape_cast %reduce_sum3A_4 : vector<20000xf32> to vector<1x20000xf32>
    %slice3A = vector.extract_strided_slice %exp3A {offsets = [1, 0], sizes = [20, 20000], strides = [1, 1]} : vector<21x20000xf32> to vector<20x20000xf32>
    %div3A = vector.broadcast %broadcast_in_dim3A_5 : vector<1x20000xf32> to vector<20x20000xf32>
    %div3A_6 = arith.divf %slice3A, %div3A : vector<20x20000xf32>
    %get3A_7 = arith.constant 0 : index
    %get3A_8 = arith.constant 0 : index
    %get3A_9 = vector.load %arg5[%get3A_7, %get3A_8] : memref<4x20000xf32, #tpu.memory_space<vmem>>, vector<1x20000xf32>
    %get3A_10 = arith.constant 1 : index
    %get3A_11 = arith.constant 0 : index
    %get3A_12 = vector.load %arg5[%get3A_10, %get3A_11] : memref<4x20000xf32, #tpu.memory_space<vmem>>, vector<1x20000xf32>
    %get3A_13 = arith.constant 2 : index
    %get3A_14 = arith.constant 0 : index
    %get3A_15 = vector.load %arg5[%get3A_13, %get3A_14] : memref<4x20000xf32, #tpu.memory_space<vmem>>, vector<1x20000xf32>
    %get3A_16 = arith.constant 3 : index
    %get3A_17 = arith.constant 0 : index
    %get3A_18 = vector.load %arg5[%get3A_16, %get3A_17] : memref<4x20000xf32, #tpu.memory_space<vmem>>, vector<1x20000xf32>
    %sub3A_19 = arith.subf %get3A_15, %get3A_9 : vector<1x20000xf32>
    %sub3A_20 = arith.subf %get3A_18, %get3A_12 : vector<1x20000xf32>
    %mul3A = arith.constant 5.000000e-01 : f32
    %mul3A_21 = vector.broadcast %mul3A : f32 to vector<1x20000xf32>
    %mul3A_22 = arith.mulf %mul3A_21, %sub3A_19 : vector<1x20000xf32>
    %add3A = arith.addf %get3A_9, %mul3A_22 : vector<1x20000xf32>
    %mul3A_23 = arith.constant 5.000000e-01 : f32
    %mul3A_24 = vector.broadcast %mul3A_23 : f32 to vector<1x20000xf32>
    %mul3A_25 = arith.mulf %mul3A_24, %sub3A_20 : vector<1x20000xf32>
    %add3A_26 = arith.addf %get3A_12, %mul3A_25 : vector<1x20000xf32>
    %get3A_27 = arith.constant 0 : index
    %get3A_28 = arith.constant 0 : index
    %get3A_29 = vector.load %arg1[%get3A_27, %get3A_28] : memref<20x20000xf32, #tpu.memory_space<vmem>>, vector<20x20000xf32>
    %div3A_30 = arith.constant 1.000000e+01 : f32
    %div3A_31 = vector.broadcast %div3A_30 : f32 to vector<20x20000xf32>
    %div3A_32 = arith.divf %get3A_29, %div3A_31 : vector<20x20000xf32>
    %get3A_33 = arith.constant 0 : index
    %get3A_34 = arith.constant 0 : index
    %get3A_35 = vector.load %arg2[%get3A_33, %get3A_34] : memref<20x20000xf32, #tpu.memory_space<vmem>>, vector<20x20000xf32>
    %div3A_36 = arith.constant 1.000000e+01 : f32
    %div3A_37 = vector.broadcast %div3A_36 : f32 to vector<20x20000xf32>
    %div3A_38 = arith.divf %get3A_35, %div3A_37 : vector<20x20000xf32>
    %get3A_39 = arith.constant 0 : index
    %get3A_40 = arith.constant 0 : index
    %get3A_41 = vector.load %arg3[%get3A_39, %get3A_40] : memref<20x20000xf32, #tpu.memory_space<vmem>>, vector<20x20000xf32>
    %div3A_42 = arith.constant 5.000000e+00 : f32
    %div3A_43 = vector.broadcast %div3A_42 : f32 to vector<20x20000xf32>
    %div3A_44 = arith.divf %get3A_41, %div3A_43 : vector<20x20000xf32>
    %min3A = arith.constant 4.13516665 : f32
    %min3A_45 = vector.broadcast %min3A : f32 to vector<20x20000xf32>
    %min3A_46 = arith.minimumf %div3A_44, %min3A_45 : vector<20x20000xf32>
    %get3A_47 = arith.constant 0 : index
    %get3A_48 = arith.constant 0 : index
    %get3A_49 = vector.load %arg4[%get3A_47, %get3A_48] : memref<20x20000xf32, #tpu.memory_space<vmem>>, vector<20x20000xf32>
    %div3A_50 = arith.constant 5.000000e+00 : f32
    %div3A_51 = vector.broadcast %div3A_50 : f32 to vector<20x20000xf32>
    %div3A_52 = arith.divf %get3A_49, %div3A_51 : vector<20x20000xf32>
    %min3A_53 = arith.constant 4.13516665 : f32
    %min3A_54 = vector.broadcast %min3A_53 : f32 to vector<20x20000xf32>
    %min3A_55 = arith.minimumf %div3A_52, %min3A_54 : vector<20x20000xf32>
    %mul3A_56 = vector.broadcast %sub3A_19 : vector<1x20000xf32> to vector<20x20000xf32>
    %mul3A_57 = arith.mulf %div3A_32, %mul3A_56 : vector<20x20000xf32>
    %add3A_58 = vector.broadcast %add3A : vector<1x20000xf32> to vector<20x20000xf32>
    %add3A_59 = arith.addf %mul3A_57, %add3A_58 : vector<20x20000xf32>
    %mul3A_60 = vector.broadcast %sub3A_20 : vector<1x20000xf32> to vector<20x20000xf32>
    %mul3A_61 = arith.mulf %div3A_38, %mul3A_60 : vector<20x20000xf32>
    %add3A_62 = vector.broadcast %add3A_26 : vector<1x20000xf32> to vector<20x20000xf32>
    %add3A_63 = arith.addf %mul3A_61, %add3A_62 : vector<20x20000xf32>
    %exp3A_64 = math.exp %min3A_46 : vector<20x20000xf32>
    %mul3A_65 = vector.broadcast %sub3A_19 : vector<1x20000xf32> to vector<20x20000xf32>
    %mul3A_66 = arith.mulf %exp3A_64, %mul3A_65 : vector<20x20000xf32>
    %exp3A_67 = math.exp %min3A_55 : vector<20x20000xf32>
    %mul3A_68 = vector.broadcast %sub3A_20 : vector<1x20000xf32> to vector<20x20000xf32>
    %mul3A_69 = arith.mulf %exp3A_67, %mul3A_68 : vector<20x20000xf32>
    %mul3A_70 = arith.constant 5.000000e-01 : f32
    %mul3A_71 = vector.broadcast %mul3A_70 : f32 to vector<20x20000xf32>
    %mul3A_72 = arith.mulf %mul3A_71, %mul3A_66 : vector<20x20000xf32>
    %sub3A_73 = arith.subf %add3A_59, %mul3A_72 : vector<20x20000xf32>
    %jit3A = arith.constant 0.000000e+00 : f32
    %jit3A_74 = arith.constant 1.216000e+03 : f32
    %max3A = vector.broadcast %jit3A : f32 to vector<20x20000xf32>
    %max3A_75 = arith.maximumf %max3A, %sub3A_73 : vector<20x20000xf32>
    %min3A_76 = vector.broadcast %jit3A_74 : f32 to vector<20x20000xf32>
    %min3A_77 = arith.minimumf %min3A_76, %max3A_75 : vector<20x20000xf32>
    %mul3A_78 = arith.constant 5.000000e-01 : f32
    %mul3A_79 = vector.broadcast %mul3A_78 : f32 to vector<20x20000xf32>
    %mul3A_80 = arith.mulf %mul3A_79, %mul3A_69 : vector<20x20000xf32>
    %sub3A_81 = arith.subf %add3A_63, %mul3A_80 : vector<20x20000xf32>
    %jit3A_82 = arith.constant 0.000000e+00 : f32
    %jit3A_83 = arith.constant 8.000000e+02 : f32
    %max3A_84 = vector.broadcast %jit3A_82 : f32 to vector<20x20000xf32>
    %max3A_85 = arith.maximumf %max3A_84, %sub3A_81 : vector<20x20000xf32>
    %min3A_86 = vector.broadcast %jit3A_83 : f32 to vector<20x20000xf32>
    %min3A_87 = arith.minimumf %min3A_86, %max3A_85 : vector<20x20000xf32>
    %mul3A_88 = arith.constant 5.000000e-01 : f32
    %mul3A_89 = vector.broadcast %mul3A_88 : f32 to vector<20x20000xf32>
    %mul3A_90 = arith.mulf %mul3A_89, %mul3A_66 : vector<20x20000xf32>
    %add3A_91 = arith.addf %add3A_59, %mul3A_90 : vector<20x20000xf32>
    %jit3A_92 = arith.constant 0.000000e+00 : f32
    %jit3A_93 = arith.constant 1.216000e+03 : f32
    %max3A_94 = vector.broadcast %jit3A_92 : f32 to vector<20x20000xf32>
    %max3A_95 = arith.maximumf %max3A_94, %add3A_91 : vector<20x20000xf32>
    %min3A_96 = vector.broadcast %jit3A_93 : f32 to vector<20x20000xf32>
    %min3A_97 = arith.minimumf %min3A_96, %max3A_95 : vector<20x20000xf32>
    %mul3A_98 = arith.constant 5.000000e-01 : f32
    %mul3A_99 = vector.broadcast %mul3A_98 : f32 to vector<20x20000xf32>
    %mul3A_100 = arith.mulf %mul3A_99, %mul3A_69 : vector<20x20000xf32>
    %add3A_101 = arith.addf %add3A_63, %mul3A_100 : vector<20x20000xf32>
    %jit3A_102 = arith.constant 0.000000e+00 : f32
    %jit3A_103 = arith.constant 8.000000e+02 : f32
    %max3A_104 = vector.broadcast %jit3A_102 : f32 to vector<20x20000xf32>
    %max3A_105 = arith.maximumf %max3A_104, %add3A_101 : vector<20x20000xf32>
    %min3A_106 = vector.broadcast %jit3A_103 : f32 to vector<20x20000xf32>
    %min3A_107 = arith.minimumf %min3A_106, %max3A_105 : vector<20x20000xf32>
    %sub3A_108 = arith.subf %min3A_97, %min3A_77 : vector<20x20000xf32>
    %sub3A_109 = arith.subf %min3A_107, %min3A_87 : vector<20x20000xf32>
    %ge3A = arith.constant 5.000000e-02 : f32
    %ge3A_110 = vector.broadcast %ge3A : f32 to vector<20x20000xf32>
    %ge3A_111 = arith.cmpf oge, %div3A_6, %ge3A_110 : vector<20x20000xf32>
    %ge3A_112 = arith.constant 1.000000e+00 : f32
    %ge3A_113 = vector.broadcast %ge3A_112 : f32 to vector<20x20000xf32>
    %ge3A_114 = arith.cmpf oge, %sub3A_108, %ge3A_113 : vector<20x20000xf32>
    %and3A = arith.andi %ge3A_111, %ge3A_114 : vector<20x20000xi1>
    %ge3A_115 = arith.constant 1.000000e+00 : f32
    %ge3A_116 = vector.broadcast %ge3A_115 : f32 to vector<20x20000xf32>
    %ge3A_117 = arith.cmpf oge, %sub3A_109, %ge3A_116 : vector<20x20000xf32>
    %and3A_118 = arith.andi %and3A, %ge3A_117 : vector<20x20000xi1>
    %jit3A_119 = arith.constant -1.000000e+00 : f32
    %broadcast_in_dim3A_120 = vector.broadcast %jit3A_119 : f32 to vector<20x20000xf32>
    %select_n3A = arith.select %and3A_118, %div3A_6, %broadcast_in_dim3A_120 : vector<20x20000xi1>, vector<20x20000xf32>
    %swap3A = arith.constant 0 : index
    %swap3A_121 = arith.constant 0 : index
    %swap3A_122 = vector.load %arg6[%swap3A, %swap3A_121] : memref<20x20000xf32, #tpu.memory_space<vmem>>, vector<20x20000xf32>
    tpu.vector_store %arg6[%swap3A, %swap3A_121], %select_n3A {strides = array<i32>} : memref<20x20000xf32, #tpu.memory_space<vmem>>, vector<20x20000xf32>,
    %swap3A_123 = arith.constant 0 : index
    %swap3A_124 = arith.constant 0 : index
    %swap3A_125 = vector.load %arg7[%swap3A_123, %swap3A_124] : memref<20x20000xf32, #tpu.memory_space<vmem>>, vector<20x20000xf32>
    tpu.vector_store %arg7[%swap3A_123, %swap3A_124], %min3A_77 {strides = array<i32>} : memref<20x20000xf32, #tpu.memory_space<vmem>>, vector<20x20000xf32>,
    %swap3A_126 = arith.constant 0 : index
    %swap3A_127 = arith.constant 0 : index
    %swap3A_128 = vector.load %arg8[%swap3A_126, %swap3A_127] : memref<20x20000xf32, #tpu.memory_space<vmem>>, vector<20x20000xf32>
    tpu.vector_store %arg8[%swap3A_126, %swap3A_127], %min3A_87 {strides = array<i32>} : memref<20x20000xf32, #tpu.memory_space<vmem>>, vector<20x20000xf32>,
    %swap3A_129 = arith.constant 0 : index
    %swap3A_130 = arith.constant 0 : index
    %swap3A_131 = vector.load %arg9[%swap3A_129, %swap3A_130] : memref<20x20000xf32, #tpu.memory_space<vmem>>, vector<20x20000xf32>
    tpu.vector_store %arg9[%swap3A_129, %swap3A_130], %min3A_97 {strides = array<i32>} : memref<20x20000xf32, #tpu.memory_space<vmem>>, vector<20x20000xf32>,
    %swap3A_132 = arith.constant 0 : index
    %swap3A_133 = arith.constant 0 : index
    %swap3A_134 = vector.load %arg10[%swap3A_132, %swap3A_133] : memref<20x20000xf32, #tpu.memory_space<vmem>>, vector<20x20000xf32>
    tpu.vector_store %arg10[%swap3A_132, %swap3A_133], %min3A_107 {strides = array<i32>} : memref<20x20000xf32, #tpu.memory_space<vmem>>, vector<20x20000xf32>,
    %lt3A = arith.constant 0.000000e+00 : f32
    %lt3A_135 = vector.broadcast %lt3A : f32 to vector<20x20000xf32>
    %lt3A_136 = arith.cmpf olt, %select_n3A, %lt3A_135 : vector<20x20000xf32>
    %bitcast_convert_type3A = tpu.bitcast %select_n3A : vector<20x20000xf32> -> vector<20x20000xi32>
    %jit3A_137 = arith.constant -1 : i32
    %broadcast_in_dim3A_138 = vector.broadcast %jit3A_137 : i32 to vector<20x20000xi32>
    %select_n3A_139 = arith.select %lt3A_136, %broadcast_in_dim3A_138, %bitcast_convert_type3A : vector<20x20000xi1>, vector<20x20000xi32>
    %swap3A_140 = arith.constant 0 : index
    %swap3A_141 = arith.constant 0 : index
    %swap3A_142 = vector.load %arg12[%swap3A_140, %swap3A_141] : memref<20x20000xi32, #tpu.memory_space<vmem>>, vector<20x20000xi32>
    tpu.vector_store %arg12[%swap3A_140, %swap3A_141], %select_n3A_139 {strides = array<i32>} : memref<20x20000xi32, #tpu.memory_space<vmem>>, vector<20x20000xi32>,
    %broadcast_in_dim3A_143 = arith.constant -1 : i32
    %broadcast_in_dim3A_144 = vector.broadcast %broadcast_in_dim3A_143 : i32 to vector<20x1xi32>
    %broadcast_in_dim3A_145 = arith.constant 1065353217 : i32
    %broadcast_in_dim3A_146 = vector.broadcast %broadcast_in_dim3A_145 : i32 to vector<20x1xi32>
    %scan3A = arith.constant 0 : i32
    %scan3A_147 = arith.constant 31 : i32
    %scan3A_148 = arith.addi %scan3A, %scan3A_147 : i32
    %scan3A_149 = arith.constant 1 : i32
    %scan3A_150:2 = scf.for %scan3A_154 = %scan3A to %scan3A_148 step %scan3A_149 iter_args(%scan3A_155 = %broadcast_in_dim3A_144, %scan3A_156 = %broadcast_in_dim3A_146) -> (vector<20x1xi32>, vector<20x1xi32>)  : i32 {
      %sub3A_157 = arith.subi %scan3A_156, %scan3A_155 : vector<20x1xi32>
      %jit3A_158 = arith.constant 2 : i32
      %div3A_159 = vector.broadcast %jit3A_158 : i32 to vector<20x1xi32>
      %div3A_160 = arith.divsi %sub3A_157, %div3A_159 : vector<20x1xi32>
      %sign3A = arith.constant 0 : i32
      %sign3A_161 = vector.broadcast %sign3A : i32 to vector<20x1xi32>
      %sign3A_162 = arith.cmpi sgt, %sub3A_157, %sign3A_161 : vector<20x1xi32>
      %sign3A_163 = arith.extui %sign3A_162 : vector<20x1xi1> to vector<20x1xi32>
      %sign3A_164 = arith.constant 0 : i32
      %sign3A_165 = vector.broadcast %sign3A_164 : i32 to vector<20x1xi32>
      %sign3A_166 = arith.cmpi slt, %sub3A_157, %sign3A_165 : vector<20x1xi32>
      %sign3A_167 = arith.extui %sign3A_166 : vector<20x1xi1> to vector<20x1xi32>
      %sign3A_168 = arith.subi %sign3A_163, %sign3A_167 : vector<20x1xi32>
      %sign3A_169 = arith.constant 0 : i32
      %sign3A_170 = arith.cmpi sgt, %jit3A_158, %sign3A_169 : i32
      %sign3A_171 = arith.extui %sign3A_170 : i1 to i32
      %sign3A_172 = arith.constant 0 : i32
      %sign3A_173 = arith.cmpi slt, %jit3A_158, %sign3A_172 : i32
      %sign3A_174 = arith.extui %sign3A_173 : i1 to i32
      %sign3A_175 = arith.subi %sign3A_171, %sign3A_174 : i32
      %ne3A = vector.broadcast %sign3A_175 : i32 to vector<20x1xi32>
      %ne3A_176 = arith.cmpi ne, %sign3A_168, %ne3A : vector<20x1xi32>
      %rem3A = vector.broadcast %jit3A_158 : i32 to vector<20x1xi32>
      %rem3A_177 = arith.remsi %sub3A_157, %rem3A : vector<20x1xi32>
      %ne3A_178 = arith.constant 0 : i32
      %ne3A_179 = vector.broadcast %ne3A_178 : i32 to vector<20x1xi32>
      %ne3A_180 = arith.cmpi ne, %rem3A_177, %ne3A_179 : vector<20x1xi32>
      %and3A_181 = arith.andi %ne3A_176, %ne3A_180 : vector<20x1xi1>
      %sub3A_182 = arith.constant 1 : i32
      %sub3A_183 = vector.broadcast %sub3A_182 : i32 to vector<20x1xi32>
      %sub3A_184 = arith.subi %div3A_160, %sub3A_183 : vector<20x1xi32>
      %select_n3A_185 = arith.select %and3A_181, %sub3A_184, %div3A_160 : vector<20x1xi1>, vector<20x1xi32>
      %add3A_186 = arith.addi %scan3A_155, %select_n3A_185 : vector<20x1xi32>
      %ge3A_187 = vector.broadcast %add3A_186 : vector<20x1xi32> to vector<20x20000xi32>
      %ge3A_188 = arith.cmpi sge, %select_n3A_139, %ge3A_187 : vector<20x20000xi32>
      %convert_element_type3A = arith.extui %ge3A_188 : vector<20x20000xi1> to vector<20x20000xi32>
      %reduce_sum3A_189 = arith.constant dense<0> : vector<20xi32>
      %reduce_sum3A_190 = vector.multi_reduction <add>, %convert_element_type3A, %reduce_sum3A_189 [1] : vector<20x20000xi32> to vector<20xi32>
      %broadcast_in_dim3A_191 = vector.shape_cast %reduce_sum3A_190 : vector<20xi32> to vector<20x1xi32>
      %ge3A_192 = arith.constant 1000 : i32
      %ge3A_193 = vector.broadcast %ge3A_192 : i32 to vector<20x1xi32>
      %ge3A_194 = arith.cmpi sge, %broadcast_in_dim3A_191, %ge3A_193 : vector<20x1xi32>
      %select_n3A_195 = arith.select %ge3A_194, %add3A_186, %scan3A_155 : vector<20x1xi1>, vector<20x1xi32>
      %select_n3A_196 = arith.select %ge3A_194, %scan3A_156, %add3A_186 : vector<20x1xi1>, vector<20x1xi32>
      scf.yield %select_n3A_195, %select_n3A_196 : vector<20x1xi32>, vector<20x1xi32>
    }
    %swap3A_151 = arith.constant 0 : index
    %swap3A_152 = arith.constant 0 : index
    %swap3A_153 = vector.load %arg11[%swap3A_151, %swap3A_152] : memref<20x1xi32, #tpu.memory_space<vmem>>, vector<20x1xi32>
    tpu.vector_store %arg11[%swap3A_151, %swap3A_152], %scan3A_150#0 {strides = array<i32>} : memref<20x1xi32, #tpu.memory_space<vmem>>, vector<20x1xi32>,
    return
  }
}

module attributes {stable_mosaic.version = 14 : i64} {
  func.func @_nms_kernel(%arg0: i32, %arg1: memref<1x1x1024xf32, #tpu.memory_space<vmem>>, %arg2: memref<1x1x1024xf32, #tpu.memory_space<vmem>>, %arg3: memref<1x1x1024xf32, #tpu.memory_space<vmem>>, %arg4: memref<1x1x1024xf32, #tpu.memory_space<vmem>>, %arg5: memref<1x1x1024xf32, #tpu.memory_space<vmem>>, %arg6: memref<1x1024x1xf32, #tpu.memory_space<vmem>>, %arg7: memref<1x1024x1xf32, #tpu.memory_space<vmem>>, %arg8: memref<1x1024x1xf32, #tpu.memory_space<vmem>>, %arg9: memref<1x1024x1xf32, #tpu.memory_space<vmem>>, %arg10: memref<1x1x1024xf32, #tpu.memory_space<vmem>>) attributes {dimension_semantics = [#tpu.dimension_semantics<arbitrary>], iteration_bounds = array<i64: 20>, scalar_prefetch = 0 : i64, scratch_operands = 0 : i64, tpu.core_type = #tpu.core_type<tc>, window_params = [{transform_indices = @transform_0, window_bounds = array<i64: 1, 1, 1024>}, {transform_indices = @transform_1, window_bounds = array<i64: 1, 1, 1024>}, {transform_indices = @transform_2, window_bounds = array<i64: 1, 1, 1024>}, {transform_indices = @transform_3, window_bounds = array<i64: 1, 1, 1024>}, {transform_indices = @transform_4, window_bounds = array<i64: 1, 1, 1024>}, {transform_indices = @transform_5, window_bounds = array<i64: 1, 1024, 1>}, {transform_indices = @transform_6, window_bounds = array<i64: 1, 1024, 1>}, {transform_indices = @transform_7, window_bounds = array<i64: 1, 1024, 1>}, {transform_indices = @transform_8, window_bounds = array<i64: 1, 1024, 1>}, {transform_indices = @transform_9, window_bounds = array<i64: 1, 1, 1024>}]} {
    %get3A = arith.constant 0 : index
    %get3A_0 = arith.constant 0 : index
    %get3A_1 = arith.constant 0 : index
    %get3A_2 = vector.load %arg1[%get3A, %get3A_0, %get3A_1] : memref<1x1x1024xf32, #tpu.memory_space<vmem>>, vector<1x1x1024xf32>
    %get3A_3 = vector.shape_cast %get3A_2 : vector<1x1x1024xf32> to vector<1x1024xf32>
    %get3A_4 = arith.constant 0 : index
    %get3A_5 = arith.constant 0 : index
    %get3A_6 = arith.constant 0 : index
    %get3A_7 = vector.load %arg2[%get3A_4, %get3A_5, %get3A_6] : memref<1x1x1024xf32, #tpu.memory_space<vmem>>, vector<1x1x1024xf32>
    %get3A_8 = vector.shape_cast %get3A_7 : vector<1x1x1024xf32> to vector<1x1024xf32>
    %get3A_9 = arith.constant 0 : index
    %get3A_10 = arith.constant 0 : index
    %get3A_11 = arith.constant 0 : index
    %get3A_12 = vector.load %arg3[%get3A_9, %get3A_10, %get3A_11] : memref<1x1x1024xf32, #tpu.memory_space<vmem>>, vector<1x1x1024xf32>
    %get3A_13 = vector.shape_cast %get3A_12 : vector<1x1x1024xf32> to vector<1x1024xf32>
    %get3A_14 = arith.constant 0 : index
    %get3A_15 = arith.constant 0 : index
    %get3A_16 = arith.constant 0 : index
    %get3A_17 = vector.load %arg4[%get3A_14, %get3A_15, %get3A_16] : memref<1x1x1024xf32, #tpu.memory_space<vmem>>, vector<1x1x1024xf32>
    %get3A_18 = vector.shape_cast %get3A_17 : vector<1x1x1024xf32> to vector<1x1024xf32>
    %get3A_19 = arith.constant 0 : index
    %get3A_20 = arith.constant 0 : index
    %get3A_21 = arith.constant 0 : index
    %get3A_22 = vector.load %arg5[%get3A_19, %get3A_20, %get3A_21] : memref<1x1x1024xf32, #tpu.memory_space<vmem>>, vector<1x1x1024xf32>
    %get3A_23 = vector.shape_cast %get3A_22 : vector<1x1x1024xf32> to vector<1x1024xf32>
    %get3A_24 = arith.constant 0 : index
    %get3A_25 = arith.constant 0 : index
    %get3A_26 = arith.constant 0 : index
    %get3A_27 = vector.load %arg6[%get3A_24, %get3A_25, %get3A_26] : memref<1x1024x1xf32, #tpu.memory_space<vmem>>, vector<1x1024x1xf32>
    %get3A_28 = vector.shape_cast %get3A_27 : vector<1x1024x1xf32> to vector<1024x1xf32>
    %get3A_29 = arith.constant 0 : index
    %get3A_30 = arith.constant 0 : index
    %get3A_31 = arith.constant 0 : index
    %get3A_32 = vector.load %arg7[%get3A_29, %get3A_30, %get3A_31] : memref<1x1024x1xf32, #tpu.memory_space<vmem>>, vector<1x1024x1xf32>
    %get3A_33 = vector.shape_cast %get3A_32 : vector<1x1024x1xf32> to vector<1024x1xf32>
    %get3A_34 = arith.constant 0 : index
    %get3A_35 = arith.constant 0 : index
    %get3A_36 = arith.constant 0 : index
    %get3A_37 = vector.load %arg8[%get3A_34, %get3A_35, %get3A_36] : memref<1x1024x1xf32, #tpu.memory_space<vmem>>, vector<1x1024x1xf32>
    %get3A_38 = vector.shape_cast %get3A_37 : vector<1x1024x1xf32> to vector<1024x1xf32>
    %get3A_39 = arith.constant 0 : index
    %get3A_40 = arith.constant 0 : index
    %get3A_41 = arith.constant 0 : index
    %get3A_42 = vector.load %arg9[%get3A_39, %get3A_40, %get3A_41] : memref<1x1024x1xf32, #tpu.memory_space<vmem>>, vector<1x1024x1xf32>
    %get3A_43 = vector.shape_cast %get3A_42 : vector<1x1024x1xf32> to vector<1024x1xf32>
    %sub3A = arith.subf %get3A_18, %get3A_8 : vector<1x1024xf32>
    %sub3A_44 = arith.subf %get3A_23, %get3A_13 : vector<1x1024xf32>
    %mul3A = arith.mulf %sub3A, %sub3A_44 : vector<1x1024xf32>
    %sub3A_45 = arith.subf %get3A_38, %get3A_28 : vector<1024x1xf32>
    %sub3A_46 = arith.subf %get3A_43, %get3A_33 : vector<1024x1xf32>
    %mul3A_47 = arith.mulf %sub3A_45, %sub3A_46 : vector<1024x1xf32>
    %max3A = vector.broadcast %get3A_28 : vector<1024x1xf32> to vector<1024x1024xf32>
    %max3A_48 = vector.broadcast %get3A_8 : vector<1x1024xf32> to vector<1024x1024xf32>
    %max3A_49 = arith.maximumf %max3A, %max3A_48 : vector<1024x1024xf32>
    %max3A_50 = vector.broadcast %get3A_33 : vector<1024x1xf32> to vector<1024x1024xf32>
    %max3A_51 = vector.broadcast %get3A_13 : vector<1x1024xf32> to vector<1024x1024xf32>
    %max3A_52 = arith.maximumf %max3A_50, %max3A_51 : vector<1024x1024xf32>
    %min3A = vector.broadcast %get3A_38 : vector<1024x1xf32> to vector<1024x1024xf32>
    %min3A_53 = vector.broadcast %get3A_18 : vector<1x1024xf32> to vector<1024x1024xf32>
    %min3A_54 = arith.minimumf %min3A, %min3A_53 : vector<1024x1024xf32>
    %min3A_55 = vector.broadcast %get3A_43 : vector<1024x1xf32> to vector<1024x1024xf32>
    %min3A_56 = vector.broadcast %get3A_23 : vector<1x1024xf32> to vector<1024x1024xf32>
    %min3A_57 = arith.minimumf %min3A_55, %min3A_56 : vector<1024x1024xf32>
    %sub3A_58 = arith.subf %min3A_54, %max3A_49 : vector<1024x1024xf32>
    %jit3A = arith.constant 0.000000e+00 : f32
    %max3A_59 = vector.broadcast %jit3A : f32 to vector<1024x1024xf32>
    %max3A_60 = arith.maximumf %max3A_59, %sub3A_58 : vector<1024x1024xf32>
    %sub3A_61 = arith.subf %min3A_57, %max3A_52 : vector<1024x1024xf32>
    %jit3A_62 = arith.constant 0.000000e+00 : f32
    %max3A_63 = vector.broadcast %jit3A_62 : f32 to vector<1024x1024xf32>
    %max3A_64 = arith.maximumf %max3A_63, %sub3A_61 : vector<1024x1024xf32>
    %mul3A_65 = arith.mulf %max3A_60, %max3A_64 : vector<1024x1024xf32>
    %add3A = vector.broadcast %mul3A_47 : vector<1024x1xf32> to vector<1024x1024xf32>
    %add3A_66 = vector.broadcast %mul3A : vector<1x1024xf32> to vector<1024x1024xf32>
    %add3A_67 = arith.addf %add3A, %add3A_66 : vector<1024x1024xf32>
    %sub3A_68 = arith.subf %add3A_67, %mul3A_65 : vector<1024x1024xf32>
    %max3A_69 = arith.constant 9.99999971E-10 : f32
    %max3A_70 = vector.broadcast %max3A_69 : f32 to vector<1024x1024xf32>
    %max3A_71 = arith.maximumf %sub3A_68, %max3A_70 : vector<1024x1024xf32>
    %div3A = arith.divf %mul3A_65, %max3A_71 : vector<1024x1024xf32>
    %gt3A = arith.constant 5.000000e-01 : f32
    %gt3A_72 = vector.broadcast %gt3A : f32 to vector<1024x1024xf32>
    %gt3A_73 = arith.cmpf ogt, %div3A, %gt3A_72 : vector<1024x1024xf32>
    %convert_element_type3A = arith.extui %gt3A_73 : vector<1024x1024xi1> to vector<1024x1024xi32>
    %convert_element_type3A_74 = arith.sitofp %convert_element_type3A : vector<1024x1024xi32> to vector<1024x1024xf32>
    %gt3A_75 = arith.constant 0.000000e+00 : f32
    %gt3A_76 = vector.broadcast %gt3A_75 : f32 to vector<1x1024xf32>
    %gt3A_77 = arith.cmpf ogt, %get3A_3, %gt3A_76 : vector<1x1024xf32>
    %convert_element_type3A_78 = arith.extui %gt3A_77 : vector<1x1024xi1> to vector<1x1024xi32>
    %convert_element_type3A_79 = arith.sitofp %convert_element_type3A_78 : vector<1x1024xi32> to vector<1x1024xf32>
    %iota3A = tpu.iota {dimensions = array<i32: 0>} : vector<128x128xi32>
    %iota3A_80 = tpu.iota {dimensions = array<i32: 1>} : vector<128x128xi32>
    %lt3A = arith.cmpi slt, %iota3A, %iota3A_80 : vector<128x128xi32>
    %convert_element_type3A_81 = arith.extui %lt3A : vector<128x128xi1> to vector<128x128xi32>
    %convert_element_type3A_82 = arith.sitofp %convert_element_type3A_81 : vector<128x128xi32> to vector<128x128xf32>
    %broadcast_in_dim3A = arith.constant 0.000000e+00 : f32
    %broadcast_in_dim3A_83 = vector.broadcast %broadcast_in_dim3A : f32 to vector<1x1024xf32>
    %slice3A = vector.extract_strided_slice %convert_element_type3A_74 {offsets = [0, 0], sizes = [128, 128], strides = [1, 1]} : vector<1024x1024xf32> to vector<128x128xf32>
    %mul3A_84 = arith.mulf %slice3A, %convert_element_type3A_82 : vector<128x128xf32>
    %slice3A_85 = vector.extract_strided_slice %convert_element_type3A_79 {offsets = [0, 0], sizes = [1, 128], strides = [1, 1]} : vector<1x1024xf32> to vector<1x128xf32>
    %slice3A_86 = vector.extract_strided_slice %broadcast_in_dim3A_83 {offsets = [0, 0], sizes = [1, 128], strides = [1, 1]} : vector<1x1024xf32> to vector<1x128xf32>
    %eq3A = arith.constant 0.000000e+00 : f32
    %eq3A_87 = vector.broadcast %eq3A : f32 to vector<1x128xf32>
    %eq3A_88 = arith.cmpf oeq, %slice3A_86, %eq3A_87 : vector<1x128xf32>
    %convert_element_type3A_89 = arith.extui %eq3A_88 : vector<1x128xi1> to vector<1x128xi32>
    %convert_element_type3A_90 = arith.sitofp %convert_element_type3A_89 : vector<1x128xi32> to vector<1x128xf32>
    %mul3A_91 = arith.mulf %slice3A_85, %convert_element_type3A_90 : vector<1x128xf32>
    %broadcast_in_dim3A_92 = arith.constant 1.000000e+00 : f32
    %broadcast_in_dim3A_93 = vector.broadcast %broadcast_in_dim3A_92 : f32 to vector<1x128xf32>
    %neg3A = arith.constant 0.000000e+00 : f32
    %neg3A_94 = vector.broadcast %neg3A : f32 to vector<1x128xf32>
    %neg3A_95 = arith.subf %neg3A_94, %broadcast_in_dim3A_93 : vector<1x128xf32>
    %while3A = arith.constant 0 : i32
    %while3A_96:3 = scf.while (%while3A_252 = %mul3A_91, %while3A_253 = %neg3A_95, %while3A_254 = %while3A) : (vector<1x128xf32>, vector<1x128xf32>, i32) -> (vector<1x128xf32>, vector<1x128xf32>, i32) {
      %lt3A_255 = arith.constant 128 : i32
      %lt3A_256 = arith.cmpi slt, %while3A_254, %lt3A_255 : i32
      %ne3A = arith.cmpf one, %while3A_252, %while3A_253 : vector<1x128xf32>
      %reduce_or3A = arith.constant 1.000000e+00 : f32
      %reduce_or3A_257 = arith.constant 0.000000e+00 : f32
      %reduce_or3A_258 = vector.broadcast %reduce_or3A : f32 to vector<1x128xf32>
      %reduce_or3A_259 = vector.broadcast %reduce_or3A_257 : f32 to vector<1x128xf32>
      %reduce_or3A_260 = arith.select %ne3A, %reduce_or3A_258, %reduce_or3A_259 : vector<1x128xi1>, vector<1x128xf32>
      %reduce_or3A_261 = vector.shape_cast %reduce_or3A_260 : vector<1x128xf32> to vector<1x1x128xf32>
      %reduce_or3A_262 = arith.constant dense<0xFF800000> : vector<1xf32>
      %reduce_or3A_263 = vector.multi_reduction <maximumf>, %reduce_or3A_261, %reduce_or3A_262 [1, 2] : vector<1x1x128xf32> to vector<1xf32>
      %reduce_or3A_264 = vector.shape_cast %reduce_or3A_263 : vector<1xf32> to vector<1x1x1xf32>
      %reduce_or3A_265 = vector.extract %reduce_or3A_264[0, 0, 0] : f32 from vector<1x1x1xf32>
      %reduce_or3A_266 = arith.constant 0.000000e+00 : f32
      %reduce_or3A_267 = arith.cmpf ogt, %reduce_or3A_265, %reduce_or3A_266 : f32
      %and3A = arith.andi %lt3A_256, %reduce_or3A_267 : i1
      scf.condition(%and3A) %while3A_252, %while3A_253, %while3A_254 : vector<1x128xf32>, vector<1x128xf32>, i32
    } do {
    ^bb0(%while3A_252: vector<1x128xf32>, %while3A_253: vector<1x128xf32>, %while3A_254: i32):
      %dot_general3A_255 = arith.constant dense<0.000000e+00> : vector<1x128xf32>
      %dot_general3A_256 = tpu.matmul %while3A_252, %mul3A_84, %dot_general3A_255 {dimension_numbers = #tpu.dot_dimension_numbers<[1], [0], [0], [1], [0, 0, 1, 1], [], []>, transpose_lhs_hint = false} : vector<1x128xf32>, vector<128x128xf32>, vector<1x128xf32> -> vector<1x128xf32>
      %eq3A_257 = arith.constant 0.000000e+00 : f32
      %eq3A_258 = vector.broadcast %eq3A_257 : f32 to vector<1x128xf32>
      %eq3A_259 = arith.cmpf oeq, %dot_general3A_256, %eq3A_258 : vector<1x128xf32>
      %convert_element_type3A_260 = arith.extui %eq3A_259 : vector<1x128xi1> to vector<1x128xi32>
      %convert_element_type3A_261 = arith.sitofp %convert_element_type3A_260 : vector<1x128xi32> to vector<1x128xf32>
      %mul3A_262 = arith.mulf %mul3A_91, %convert_element_type3A_261 : vector<1x128xf32>
      %add3A_263 = arith.constant 1 : i32
      %add3A_264 = arith.addi %while3A_254, %add3A_263 : i32
      scf.yield %mul3A_262, %while3A_252, %add3A_264 : vector<1x128xf32>, vector<1x128xf32>, i32
    }
    %slice3A_97 = vector.extract_strided_slice %convert_element_type3A_74 {offsets = [0, 0], sizes = [128, 1024], strides = [1, 1]} : vector<1024x1024xf32> to vector<128x1024xf32>
    %dot_general3A = arith.constant dense<0.000000e+00> : vector<1x1024xf32>
    %dot_general3A_98 = tpu.matmul %while3A_96#0, %slice3A_97, %dot_general3A {dimension_numbers = #tpu.dot_dimension_numbers<[1], [0], [0], [1], [0, 0, 1, 1], [], []>, transpose_lhs_hint = false} : vector<1x128xf32>, vector<128x1024xf32>, vector<1x1024xf32> -> vector<1x1024xf32>
    %add3A_99 = arith.addf %broadcast_in_dim3A_83, %dot_general3A_98 : vector<1x1024xf32>
    %slice3A_100 = vector.extract_strided_slice %convert_element_type3A_74 {offsets = [128, 128], sizes = [128, 128], strides = [1, 1]} : vector<1024x1024xf32> to vector<128x128xf32>
    %mul3A_101 = arith.mulf %slice3A_100, %convert_element_type3A_82 : vector<128x128xf32>
    %slice3A_102 = vector.extract_strided_slice %convert_element_type3A_79 {offsets = [0, 128], sizes = [1, 128], strides = [1, 1]} : vector<1x1024xf32> to vector<1x128xf32>
    %slice3A_103 = vector.extract_strided_slice %add3A_99 {offsets = [0, 128], sizes = [1, 128], strides = [1, 1]} : vector<1x1024xf32> to vector<1x128xf32>
    %eq3A_104 = arith.constant 0.000000e+00 : f32
    %eq3A_105 = vector.broadcast %eq3A_104 : f32 to vector<1x128xf32>
    %eq3A_106 = arith.cmpf oeq, %slice3A_103, %eq3A_105 : vector<1x128xf32>
    %convert_element_type3A_107 = arith.extui %eq3A_106 : vector<1x128xi1> to vector<1x128xi32>
    %convert_element_type3A_108 = arith.sitofp %convert_element_type3A_107 : vector<1x128xi32> to vector<1x128xf32>
    %mul3A_109 = arith.mulf %slice3A_102, %convert_element_type3A_108 : vector<1x128xf32>
    %broadcast_in_dim3A_110 = arith.constant 1.000000e+00 : f32
    %broadcast_in_dim3A_111 = vector.broadcast %broadcast_in_dim3A_110 : f32 to vector<1x128xf32>
    %neg3A_112 = arith.constant 0.000000e+00 : f32
    %neg3A_113 = vector.broadcast %neg3A_112 : f32 to vector<1x128xf32>
    %neg3A_114 = arith.subf %neg3A_113, %broadcast_in_dim3A_111 : vector<1x128xf32>
    %while3A_115 = arith.constant 0 : i32
    %while3A_116:3 = scf.while (%while3A_252 = %mul3A_109, %while3A_253 = %neg3A_114, %while3A_254 = %while3A_115) : (vector<1x128xf32>, vector<1x128xf32>, i32) -> (vector<1x128xf32>, vector<1x128xf32>, i32) {
      %lt3A_255 = arith.constant 128 : i32
      %lt3A_256 = arith.cmpi slt, %while3A_254, %lt3A_255 : i32
      %ne3A = arith.cmpf one, %while3A_252, %while3A_253 : vector<1x128xf32>
      %reduce_or3A = arith.constant 1.000000e+00 : f32
      %reduce_or3A_257 = arith.constant 0.000000e+00 : f32
      %reduce_or3A_258 = vector.broadcast %reduce_or3A : f32 to vector<1x128xf32>
      %reduce_or3A_259 = vector.broadcast %reduce_or3A_257 : f32 to vector<1x128xf32>
      %reduce_or3A_260 = arith.select %ne3A, %reduce_or3A_258, %reduce_or3A_259 : vector<1x128xi1>, vector<1x128xf32>
      %reduce_or3A_261 = vector.shape_cast %reduce_or3A_260 : vector<1x128xf32> to vector<1x1x128xf32>
      %reduce_or3A_262 = arith.constant dense<0xFF800000> : vector<1xf32>
      %reduce_or3A_263 = vector.multi_reduction <maximumf>, %reduce_or3A_261, %reduce_or3A_262 [1, 2] : vector<1x1x128xf32> to vector<1xf32>
      %reduce_or3A_264 = vector.shape_cast %reduce_or3A_263 : vector<1xf32> to vector<1x1x1xf32>
      %reduce_or3A_265 = vector.extract %reduce_or3A_264[0, 0, 0] : f32 from vector<1x1x1xf32>
      %reduce_or3A_266 = arith.constant 0.000000e+00 : f32
      %reduce_or3A_267 = arith.cmpf ogt, %reduce_or3A_265, %reduce_or3A_266 : f32
      %and3A = arith.andi %lt3A_256, %reduce_or3A_267 : i1
      scf.condition(%and3A) %while3A_252, %while3A_253, %while3A_254 : vector<1x128xf32>, vector<1x128xf32>, i32
    } do {
    ^bb0(%while3A_252: vector<1x128xf32>, %while3A_253: vector<1x128xf32>, %while3A_254: i32):
      %dot_general3A_255 = arith.constant dense<0.000000e+00> : vector<1x128xf32>
      %dot_general3A_256 = tpu.matmul %while3A_252, %mul3A_101, %dot_general3A_255 {dimension_numbers = #tpu.dot_dimension_numbers<[1], [0], [0], [1], [0, 0, 1, 1], [], []>, transpose_lhs_hint = false} : vector<1x128xf32>, vector<128x128xf32>, vector<1x128xf32> -> vector<1x128xf32>
      %eq3A_257 = arith.constant 0.000000e+00 : f32
      %eq3A_258 = vector.broadcast %eq3A_257 : f32 to vector<1x128xf32>
      %eq3A_259 = arith.cmpf oeq, %dot_general3A_256, %eq3A_258 : vector<1x128xf32>
      %convert_element_type3A_260 = arith.extui %eq3A_259 : vector<1x128xi1> to vector<1x128xi32>
      %convert_element_type3A_261 = arith.sitofp %convert_element_type3A_260 : vector<1x128xi32> to vector<1x128xf32>
      %mul3A_262 = arith.mulf %mul3A_109, %convert_element_type3A_261 : vector<1x128xf32>
      %add3A_263 = arith.constant 1 : i32
      %add3A_264 = arith.addi %while3A_254, %add3A_263 : i32
      scf.yield %mul3A_262, %while3A_252, %add3A_264 : vector<1x128xf32>, vector<1x128xf32>, i32
    }
    %slice3A_117 = vector.extract_strided_slice %convert_element_type3A_74 {offsets = [128, 0], sizes = [128, 1024], strides = [1, 1]} : vector<1024x1024xf32> to vector<128x1024xf32>
    %dot_general3A_118 = arith.constant dense<0.000000e+00> : vector<1x1024xf32>
    %dot_general3A_119 = tpu.matmul %while3A_116#0, %slice3A_117, %dot_general3A_118 {dimension_numbers = #tpu.dot_dimension_numbers<[1], [0], [0], [1], [0, 0, 1, 1], [], []>, transpose_lhs_hint = false} : vector<1x128xf32>, vector<128x1024xf32>, vector<1x1024xf32> -> vector<1x1024xf32>
    %add3A_120 = arith.addf %add3A_99, %dot_general3A_119 : vector<1x1024xf32>
    %slice3A_121 = vector.extract_strided_slice %convert_element_type3A_74 {offsets = [256, 256], sizes = [128, 128], strides = [1, 1]} : vector<1024x1024xf32> to vector<128x128xf32>
    %mul3A_122 = arith.mulf %slice3A_121, %convert_element_type3A_82 : vector<128x128xf32>
    %slice3A_123 = vector.extract_strided_slice %convert_element_type3A_79 {offsets = [0, 256], sizes = [1, 128], strides = [1, 1]} : vector<1x1024xf32> to vector<1x128xf32>
    %slice3A_124 = vector.extract_strided_slice %add3A_120 {offsets = [0, 256], sizes = [1, 128], strides = [1, 1]} : vector<1x1024xf32> to vector<1x128xf32>
    %eq3A_125 = arith.constant 0.000000e+00 : f32
    %eq3A_126 = vector.broadcast %eq3A_125 : f32 to vector<1x128xf32>
    %eq3A_127 = arith.cmpf oeq, %slice3A_124, %eq3A_126 : vector<1x128xf32>
    %convert_element_type3A_128 = arith.extui %eq3A_127 : vector<1x128xi1> to vector<1x128xi32>
    %convert_element_type3A_129 = arith.sitofp %convert_element_type3A_128 : vector<1x128xi32> to vector<1x128xf32>
    %mul3A_130 = arith.mulf %slice3A_123, %convert_element_type3A_129 : vector<1x128xf32>
    %broadcast_in_dim3A_131 = arith.constant 1.000000e+00 : f32
    %broadcast_in_dim3A_132 = vector.broadcast %broadcast_in_dim3A_131 : f32 to vector<1x128xf32>
    %neg3A_133 = arith.constant 0.000000e+00 : f32
    %neg3A_134 = vector.broadcast %neg3A_133 : f32 to vector<1x128xf32>
    %neg3A_135 = arith.subf %neg3A_134, %broadcast_in_dim3A_132 : vector<1x128xf32>
    %while3A_136 = arith.constant 0 : i32
    %while3A_137:3 = scf.while (%while3A_252 = %mul3A_130, %while3A_253 = %neg3A_135, %while3A_254 = %while3A_136) : (vector<1x128xf32>, vector<1x128xf32>, i32) -> (vector<1x128xf32>, vector<1x128xf32>, i32) {
      %lt3A_255 = arith.constant 128 : i32
      %lt3A_256 = arith.cmpi slt, %while3A_254, %lt3A_255 : i32
      %ne3A = arith.cmpf one, %while3A_252, %while3A_253 : vector<1x128xf32>
      %reduce_or3A = arith.constant 1.000000e+00 : f32
      %reduce_or3A_257 = arith.constant 0.000000e+00 : f32
      %reduce_or3A_258 = vector.broadcast %reduce_or3A : f32 to vector<1x128xf32>
      %reduce_or3A_259 = vector.broadcast %reduce_or3A_257 : f32 to vector<1x128xf32>
      %reduce_or3A_260 = arith.select %ne3A, %reduce_or3A_258, %reduce_or3A_259 : vector<1x128xi1>, vector<1x128xf32>
      %reduce_or3A_261 = vector.shape_cast %reduce_or3A_260 : vector<1x128xf32> to vector<1x1x128xf32>
      %reduce_or3A_262 = arith.constant dense<0xFF800000> : vector<1xf32>
      %reduce_or3A_263 = vector.multi_reduction <maximumf>, %reduce_or3A_261, %reduce_or3A_262 [1, 2] : vector<1x1x128xf32> to vector<1xf32>
      %reduce_or3A_264 = vector.shape_cast %reduce_or3A_263 : vector<1xf32> to vector<1x1x1xf32>
      %reduce_or3A_265 = vector.extract %reduce_or3A_264[0, 0, 0] : f32 from vector<1x1x1xf32>
      %reduce_or3A_266 = arith.constant 0.000000e+00 : f32
      %reduce_or3A_267 = arith.cmpf ogt, %reduce_or3A_265, %reduce_or3A_266 : f32
      %and3A = arith.andi %lt3A_256, %reduce_or3A_267 : i1
      scf.condition(%and3A) %while3A_252, %while3A_253, %while3A_254 : vector<1x128xf32>, vector<1x128xf32>, i32
    } do {
    ^bb0(%while3A_252: vector<1x128xf32>, %while3A_253: vector<1x128xf32>, %while3A_254: i32):
      %dot_general3A_255 = arith.constant dense<0.000000e+00> : vector<1x128xf32>
      %dot_general3A_256 = tpu.matmul %while3A_252, %mul3A_122, %dot_general3A_255 {dimension_numbers = #tpu.dot_dimension_numbers<[1], [0], [0], [1], [0, 0, 1, 1], [], []>, transpose_lhs_hint = false} : vector<1x128xf32>, vector<128x128xf32>, vector<1x128xf32> -> vector<1x128xf32>
      %eq3A_257 = arith.constant 0.000000e+00 : f32
      %eq3A_258 = vector.broadcast %eq3A_257 : f32 to vector<1x128xf32>
      %eq3A_259 = arith.cmpf oeq, %dot_general3A_256, %eq3A_258 : vector<1x128xf32>
      %convert_element_type3A_260 = arith.extui %eq3A_259 : vector<1x128xi1> to vector<1x128xi32>
      %convert_element_type3A_261 = arith.sitofp %convert_element_type3A_260 : vector<1x128xi32> to vector<1x128xf32>
      %mul3A_262 = arith.mulf %mul3A_130, %convert_element_type3A_261 : vector<1x128xf32>
      %add3A_263 = arith.constant 1 : i32
      %add3A_264 = arith.addi %while3A_254, %add3A_263 : i32
      scf.yield %mul3A_262, %while3A_252, %add3A_264 : vector<1x128xf32>, vector<1x128xf32>, i32
    }
    %slice3A_138 = vector.extract_strided_slice %convert_element_type3A_74 {offsets = [256, 0], sizes = [128, 1024], strides = [1, 1]} : vector<1024x1024xf32> to vector<128x1024xf32>
    %dot_general3A_139 = arith.constant dense<0.000000e+00> : vector<1x1024xf32>
    %dot_general3A_140 = tpu.matmul %while3A_137#0, %slice3A_138, %dot_general3A_139 {dimension_numbers = #tpu.dot_dimension_numbers<[1], [0], [0], [1], [0, 0, 1, 1], [], []>, transpose_lhs_hint = false} : vector<1x128xf32>, vector<128x1024xf32>, vector<1x1024xf32> -> vector<1x1024xf32>
    %add3A_141 = arith.addf %add3A_120, %dot_general3A_140 : vector<1x1024xf32>
    %slice3A_142 = vector.extract_strided_slice %convert_element_type3A_74 {offsets = [384, 384], sizes = [128, 128], strides = [1, 1]} : vector<1024x1024xf32> to vector<128x128xf32>
    %mul3A_143 = arith.mulf %slice3A_142, %convert_element_type3A_82 : vector<128x128xf32>
    %slice3A_144 = vector.extract_strided_slice %convert_element_type3A_79 {offsets = [0, 384], sizes = [1, 128], strides = [1, 1]} : vector<1x1024xf32> to vector<1x128xf32>
    %slice3A_145 = vector.extract_strided_slice %add3A_141 {offsets = [0, 384], sizes = [1, 128], strides = [1, 1]} : vector<1x1024xf32> to vector<1x128xf32>
    %eq3A_146 = arith.constant 0.000000e+00 : f32
    %eq3A_147 = vector.broadcast %eq3A_146 : f32 to vector<1x128xf32>
    %eq3A_148 = arith.cmpf oeq, %slice3A_145, %eq3A_147 : vector<1x128xf32>
    %convert_element_type3A_149 = arith.extui %eq3A_148 : vector<1x128xi1> to vector<1x128xi32>
    %convert_element_type3A_150 = arith.sitofp %convert_element_type3A_149 : vector<1x128xi32> to vector<1x128xf32>
    %mul3A_151 = arith.mulf %slice3A_144, %convert_element_type3A_150 : vector<1x128xf32>
    %broadcast_in_dim3A_152 = arith.constant 1.000000e+00 : f32
    %broadcast_in_dim3A_153 = vector.broadcast %broadcast_in_dim3A_152 : f32 to vector<1x128xf32>
    %neg3A_154 = arith.constant 0.000000e+00 : f32
    %neg3A_155 = vector.broadcast %neg3A_154 : f32 to vector<1x128xf32>
    %neg3A_156 = arith.subf %neg3A_155, %broadcast_in_dim3A_153 : vector<1x128xf32>
    %while3A_157 = arith.constant 0 : i32
    %while3A_158:3 = scf.while (%while3A_252 = %mul3A_151, %while3A_253 = %neg3A_156, %while3A_254 = %while3A_157) : (vector<1x128xf32>, vector<1x128xf32>, i32) -> (vector<1x128xf32>, vector<1x128xf32>, i32) {
      %lt3A_255 = arith.constant 128 : i32
      %lt3A_256 = arith.cmpi slt, %while3A_254, %lt3A_255 : i32
      %ne3A = arith.cmpf one, %while3A_252, %while3A_253 : vector<1x128xf32>
      %reduce_or3A = arith.constant 1.000000e+00 : f32
      %reduce_or3A_257 = arith.constant 0.000000e+00 : f32
      %reduce_or3A_258 = vector.broadcast %reduce_or3A : f32 to vector<1x128xf32>
      %reduce_or3A_259 = vector.broadcast %reduce_or3A_257 : f32 to vector<1x128xf32>
      %reduce_or3A_260 = arith.select %ne3A, %reduce_or3A_258, %reduce_or3A_259 : vector<1x128xi1>, vector<1x128xf32>
      %reduce_or3A_261 = vector.shape_cast %reduce_or3A_260 : vector<1x128xf32> to vector<1x1x128xf32>
      %reduce_or3A_262 = arith.constant dense<0xFF800000> : vector<1xf32>
      %reduce_or3A_263 = vector.multi_reduction <maximumf>, %reduce_or3A_261, %reduce_or3A_262 [1, 2] : vector<1x1x128xf32> to vector<1xf32>
      %reduce_or3A_264 = vector.shape_cast %reduce_or3A_263 : vector<1xf32> to vector<1x1x1xf32>
      %reduce_or3A_265 = vector.extract %reduce_or3A_264[0, 0, 0] : f32 from vector<1x1x1xf32>
      %reduce_or3A_266 = arith.constant 0.000000e+00 : f32
      %reduce_or3A_267 = arith.cmpf ogt, %reduce_or3A_265, %reduce_or3A_266 : f32
      %and3A = arith.andi %lt3A_256, %reduce_or3A_267 : i1
      scf.condition(%and3A) %while3A_252, %while3A_253, %while3A_254 : vector<1x128xf32>, vector<1x128xf32>, i32
    } do {
    ^bb0(%while3A_252: vector<1x128xf32>, %while3A_253: vector<1x128xf32>, %while3A_254: i32):
      %dot_general3A_255 = arith.constant dense<0.000000e+00> : vector<1x128xf32>
      %dot_general3A_256 = tpu.matmul %while3A_252, %mul3A_143, %dot_general3A_255 {dimension_numbers = #tpu.dot_dimension_numbers<[1], [0], [0], [1], [0, 0, 1, 1], [], []>, transpose_lhs_hint = false} : vector<1x128xf32>, vector<128x128xf32>, vector<1x128xf32> -> vector<1x128xf32>
      %eq3A_257 = arith.constant 0.000000e+00 : f32
      %eq3A_258 = vector.broadcast %eq3A_257 : f32 to vector<1x128xf32>
      %eq3A_259 = arith.cmpf oeq, %dot_general3A_256, %eq3A_258 : vector<1x128xf32>
      %convert_element_type3A_260 = arith.extui %eq3A_259 : vector<1x128xi1> to vector<1x128xi32>
      %convert_element_type3A_261 = arith.sitofp %convert_element_type3A_260 : vector<1x128xi32> to vector<1x128xf32>
      %mul3A_262 = arith.mulf %mul3A_151, %convert_element_type3A_261 : vector<1x128xf32>
      %add3A_263 = arith.constant 1 : i32
      %add3A_264 = arith.addi %while3A_254, %add3A_263 : i32
      scf.yield %mul3A_262, %while3A_252, %add3A_264 : vector<1x128xf32>, vector<1x128xf32>, i32
    }
    %slice3A_159 = vector.extract_strided_slice %convert_element_type3A_74 {offsets = [384, 0], sizes = [128, 1024], strides = [1, 1]} : vector<1024x1024xf32> to vector<128x1024xf32>
    %dot_general3A_160 = arith.constant dense<0.000000e+00> : vector<1x1024xf32>
    %dot_general3A_161 = tpu.matmul %while3A_158#0, %slice3A_159, %dot_general3A_160 {dimension_numbers = #tpu.dot_dimension_numbers<[1], [0], [0], [1], [0, 0, 1, 1], [], []>, transpose_lhs_hint = false} : vector<1x128xf32>, vector<128x1024xf32>, vector<1x1024xf32> -> vector<1x1024xf32>
    %add3A_162 = arith.addf %add3A_141, %dot_general3A_161 : vector<1x1024xf32>
    %slice3A_163 = vector.extract_strided_slice %convert_element_type3A_74 {offsets = [512, 512], sizes = [128, 128], strides = [1, 1]} : vector<1024x1024xf32> to vector<128x128xf32>
    %mul3A_164 = arith.mulf %slice3A_163, %convert_element_type3A_82 : vector<128x128xf32>
    %slice3A_165 = vector.extract_strided_slice %convert_element_type3A_79 {offsets = [0, 512], sizes = [1, 128], strides = [1, 1]} : vector<1x1024xf32> to vector<1x128xf32>
    %slice3A_166 = vector.extract_strided_slice %add3A_162 {offsets = [0, 512], sizes = [1, 128], strides = [1, 1]} : vector<1x1024xf32> to vector<1x128xf32>
    %eq3A_167 = arith.constant 0.000000e+00 : f32
    %eq3A_168 = vector.broadcast %eq3A_167 : f32 to vector<1x128xf32>
    %eq3A_169 = arith.cmpf oeq, %slice3A_166, %eq3A_168 : vector<1x128xf32>
    %convert_element_type3A_170 = arith.extui %eq3A_169 : vector<1x128xi1> to vector<1x128xi32>
    %convert_element_type3A_171 = arith.sitofp %convert_element_type3A_170 : vector<1x128xi32> to vector<1x128xf32>
    %mul3A_172 = arith.mulf %slice3A_165, %convert_element_type3A_171 : vector<1x128xf32>
    %broadcast_in_dim3A_173 = arith.constant 1.000000e+00 : f32
    %broadcast_in_dim3A_174 = vector.broadcast %broadcast_in_dim3A_173 : f32 to vector<1x128xf32>
    %neg3A_175 = arith.constant 0.000000e+00 : f32
    %neg3A_176 = vector.broadcast %neg3A_175 : f32 to vector<1x128xf32>
    %neg3A_177 = arith.subf %neg3A_176, %broadcast_in_dim3A_174 : vector<1x128xf32>
    %while3A_178 = arith.constant 0 : i32
    %while3A_179:3 = scf.while (%while3A_252 = %mul3A_172, %while3A_253 = %neg3A_177, %while3A_254 = %while3A_178) : (vector<1x128xf32>, vector<1x128xf32>, i32) -> (vector<1x128xf32>, vector<1x128xf32>, i32) {
      %lt3A_255 = arith.constant 128 : i32
      %lt3A_256 = arith.cmpi slt, %while3A_254, %lt3A_255 : i32
      %ne3A = arith.cmpf one, %while3A_252, %while3A_253 : vector<1x128xf32>
      %reduce_or3A = arith.constant 1.000000e+00 : f32
      %reduce_or3A_257 = arith.constant 0.000000e+00 : f32
      %reduce_or3A_258 = vector.broadcast %reduce_or3A : f32 to vector<1x128xf32>
      %reduce_or3A_259 = vector.broadcast %reduce_or3A_257 : f32 to vector<1x128xf32>
      %reduce_or3A_260 = arith.select %ne3A, %reduce_or3A_258, %reduce_or3A_259 : vector<1x128xi1>, vector<1x128xf32>
      %reduce_or3A_261 = vector.shape_cast %reduce_or3A_260 : vector<1x128xf32> to vector<1x1x128xf32>
      %reduce_or3A_262 = arith.constant dense<0xFF800000> : vector<1xf32>
      %reduce_or3A_263 = vector.multi_reduction <maximumf>, %reduce_or3A_261, %reduce_or3A_262 [1, 2] : vector<1x1x128xf32> to vector<1xf32>
      %reduce_or3A_264 = vector.shape_cast %reduce_or3A_263 : vector<1xf32> to vector<1x1x1xf32>
      %reduce_or3A_265 = vector.extract %reduce_or3A_264[0, 0, 0] : f32 from vector<1x1x1xf32>
      %reduce_or3A_266 = arith.constant 0.000000e+00 : f32
      %reduce_or3A_267 = arith.cmpf ogt, %reduce_or3A_265, %reduce_or3A_266 : f32
      %and3A = arith.andi %lt3A_256, %reduce_or3A_267 : i1
      scf.condition(%and3A) %while3A_252, %while3A_253, %while3A_254 : vector<1x128xf32>, vector<1x128xf32>, i32
    } do {
    ^bb0(%while3A_252: vector<1x128xf32>, %while3A_253: vector<1x128xf32>, %while3A_254: i32):
      %dot_general3A_255 = arith.constant dense<0.000000e+00> : vector<1x128xf32>
      %dot_general3A_256 = tpu.matmul %while3A_252, %mul3A_164, %dot_general3A_255 {dimension_numbers = #tpu.dot_dimension_numbers<[1], [0], [0], [1], [0, 0, 1, 1], [], []>, transpose_lhs_hint = false} : vector<1x128xf32>, vector<128x128xf32>, vector<1x128xf32> -> vector<1x128xf32>
      %eq3A_257 = arith.constant 0.000000e+00 : f32
      %eq3A_258 = vector.broadcast %eq3A_257 : f32 to vector<1x128xf32>
      %eq3A_259 = arith.cmpf oeq, %dot_general3A_256, %eq3A_258 : vector<1x128xf32>
      %convert_element_type3A_260 = arith.extui %eq3A_259 : vector<1x128xi1> to vector<1x128xi32>
      %convert_element_type3A_261 = arith.sitofp %convert_element_type3A_260 : vector<1x128xi32> to vector<1x128xf32>
      %mul3A_262 = arith.mulf %mul3A_172, %convert_element_type3A_261 : vector<1x128xf32>
      %add3A_263 = arith.constant 1 : i32
      %add3A_264 = arith.addi %while3A_254, %add3A_263 : i32
      scf.yield %mul3A_262, %while3A_252, %add3A_264 : vector<1x128xf32>, vector<1x128xf32>, i32
    }
    %slice3A_180 = vector.extract_strided_slice %convert_element_type3A_74 {offsets = [512, 0], sizes = [128, 1024], strides = [1, 1]} : vector<1024x1024xf32> to vector<128x1024xf32>
    %dot_general3A_181 = arith.constant dense<0.000000e+00> : vector<1x1024xf32>
    %dot_general3A_182 = tpu.matmul %while3A_179#0, %slice3A_180, %dot_general3A_181 {dimension_numbers = #tpu.dot_dimension_numbers<[1], [0], [0], [1], [0, 0, 1, 1], [], []>, transpose_lhs_hint = false} : vector<1x128xf32>, vector<128x1024xf32>, vector<1x1024xf32> -> vector<1x1024xf32>
    %add3A_183 = arith.addf %add3A_162, %dot_general3A_182 : vector<1x1024xf32>
    %slice3A_184 = vector.extract_strided_slice %convert_element_type3A_74 {offsets = [640, 640], sizes = [128, 128], strides = [1, 1]} : vector<1024x1024xf32> to vector<128x128xf32>
    %mul3A_185 = arith.mulf %slice3A_184, %convert_element_type3A_82 : vector<128x128xf32>
    %slice3A_186 = vector.extract_strided_slice %convert_element_type3A_79 {offsets = [0, 640], sizes = [1, 128], strides = [1, 1]} : vector<1x1024xf32> to vector<1x128xf32>
    %slice3A_187 = vector.extract_strided_slice %add3A_183 {offsets = [0, 640], sizes = [1, 128], strides = [1, 1]} : vector<1x1024xf32> to vector<1x128xf32>
    %eq3A_188 = arith.constant 0.000000e+00 : f32
    %eq3A_189 = vector.broadcast %eq3A_188 : f32 to vector<1x128xf32>
    %eq3A_190 = arith.cmpf oeq, %slice3A_187, %eq3A_189 : vector<1x128xf32>
    %convert_element_type3A_191 = arith.extui %eq3A_190 : vector<1x128xi1> to vector<1x128xi32>
    %convert_element_type3A_192 = arith.sitofp %convert_element_type3A_191 : vector<1x128xi32> to vector<1x128xf32>
    %mul3A_193 = arith.mulf %slice3A_186, %convert_element_type3A_192 : vector<1x128xf32>
    %broadcast_in_dim3A_194 = arith.constant 1.000000e+00 : f32
    %broadcast_in_dim3A_195 = vector.broadcast %broadcast_in_dim3A_194 : f32 to vector<1x128xf32>
    %neg3A_196 = arith.constant 0.000000e+00 : f32
    %neg3A_197 = vector.broadcast %neg3A_196 : f32 to vector<1x128xf32>
    %neg3A_198 = arith.subf %neg3A_197, %broadcast_in_dim3A_195 : vector<1x128xf32>
    %while3A_199 = arith.constant 0 : i32
    %while3A_200:3 = scf.while (%while3A_252 = %mul3A_193, %while3A_253 = %neg3A_198, %while3A_254 = %while3A_199) : (vector<1x128xf32>, vector<1x128xf32>, i32) -> (vector<1x128xf32>, vector<1x128xf32>, i32) {
      %lt3A_255 = arith.constant 128 : i32
      %lt3A_256 = arith.cmpi slt, %while3A_254, %lt3A_255 : i32
      %ne3A = arith.cmpf one, %while3A_252, %while3A_253 : vector<1x128xf32>
      %reduce_or3A = arith.constant 1.000000e+00 : f32
      %reduce_or3A_257 = arith.constant 0.000000e+00 : f32
      %reduce_or3A_258 = vector.broadcast %reduce_or3A : f32 to vector<1x128xf32>
      %reduce_or3A_259 = vector.broadcast %reduce_or3A_257 : f32 to vector<1x128xf32>
      %reduce_or3A_260 = arith.select %ne3A, %reduce_or3A_258, %reduce_or3A_259 : vector<1x128xi1>, vector<1x128xf32>
      %reduce_or3A_261 = vector.shape_cast %reduce_or3A_260 : vector<1x128xf32> to vector<1x1x128xf32>
      %reduce_or3A_262 = arith.constant dense<0xFF800000> : vector<1xf32>
      %reduce_or3A_263 = vector.multi_reduction <maximumf>, %reduce_or3A_261, %reduce_or3A_262 [1, 2] : vector<1x1x128xf32> to vector<1xf32>
      %reduce_or3A_264 = vector.shape_cast %reduce_or3A_263 : vector<1xf32> to vector<1x1x1xf32>
      %reduce_or3A_265 = vector.extract %reduce_or3A_264[0, 0, 0] : f32 from vector<1x1x1xf32>
      %reduce_or3A_266 = arith.constant 0.000000e+00 : f32
      %reduce_or3A_267 = arith.cmpf ogt, %reduce_or3A_265, %reduce_or3A_266 : f32
      %and3A = arith.andi %lt3A_256, %reduce_or3A_267 : i1
      scf.condition(%and3A) %while3A_252, %while3A_253, %while3A_254 : vector<1x128xf32>, vector<1x128xf32>, i32
    } do {
    ^bb0(%while3A_252: vector<1x128xf32>, %while3A_253: vector<1x128xf32>, %while3A_254: i32):
      %dot_general3A_255 = arith.constant dense<0.000000e+00> : vector<1x128xf32>
      %dot_general3A_256 = tpu.matmul %while3A_252, %mul3A_185, %dot_general3A_255 {dimension_numbers = #tpu.dot_dimension_numbers<[1], [0], [0], [1], [0, 0, 1, 1], [], []>, transpose_lhs_hint = false} : vector<1x128xf32>, vector<128x128xf32>, vector<1x128xf32> -> vector<1x128xf32>
      %eq3A_257 = arith.constant 0.000000e+00 : f32
      %eq3A_258 = vector.broadcast %eq3A_257 : f32 to vector<1x128xf32>
      %eq3A_259 = arith.cmpf oeq, %dot_general3A_256, %eq3A_258 : vector<1x128xf32>
      %convert_element_type3A_260 = arith.extui %eq3A_259 : vector<1x128xi1> to vector<1x128xi32>
      %convert_element_type3A_261 = arith.sitofp %convert_element_type3A_260 : vector<1x128xi32> to vector<1x128xf32>
      %mul3A_262 = arith.mulf %mul3A_193, %convert_element_type3A_261 : vector<1x128xf32>
      %add3A_263 = arith.constant 1 : i32
      %add3A_264 = arith.addi %while3A_254, %add3A_263 : i32
      scf.yield %mul3A_262, %while3A_252, %add3A_264 : vector<1x128xf32>, vector<1x128xf32>, i32
    }
    %slice3A_201 = vector.extract_strided_slice %convert_element_type3A_74 {offsets = [640, 0], sizes = [128, 1024], strides = [1, 1]} : vector<1024x1024xf32> to vector<128x1024xf32>
    %dot_general3A_202 = arith.constant dense<0.000000e+00> : vector<1x1024xf32>
    %dot_general3A_203 = tpu.matmul %while3A_200#0, %slice3A_201, %dot_general3A_202 {dimension_numbers = #tpu.dot_dimension_numbers<[1], [0], [0], [1], [0, 0, 1, 1], [], []>, transpose_lhs_hint = false} : vector<1x128xf32>, vector<128x1024xf32>, vector<1x1024xf32> -> vector<1x1024xf32>
    %add3A_204 = arith.addf %add3A_183, %dot_general3A_203 : vector<1x1024xf32>
    %slice3A_205 = vector.extract_strided_slice %convert_element_type3A_74 {offsets = [768, 768], sizes = [128, 128], strides = [1, 1]} : vector<1024x1024xf32> to vector<128x128xf32>
    %mul3A_206 = arith.mulf %slice3A_205, %convert_element_type3A_82 : vector<128x128xf32>
    %slice3A_207 = vector.extract_strided_slice %convert_element_type3A_79 {offsets = [0, 768], sizes = [1, 128], strides = [1, 1]} : vector<1x1024xf32> to vector<1x128xf32>
    %slice3A_208 = vector.extract_strided_slice %add3A_204 {offsets = [0, 768], sizes = [1, 128], strides = [1, 1]} : vector<1x1024xf32> to vector<1x128xf32>
    %eq3A_209 = arith.constant 0.000000e+00 : f32
    %eq3A_210 = vector.broadcast %eq3A_209 : f32 to vector<1x128xf32>
    %eq3A_211 = arith.cmpf oeq, %slice3A_208, %eq3A_210 : vector<1x128xf32>
    %convert_element_type3A_212 = arith.extui %eq3A_211 : vector<1x128xi1> to vector<1x128xi32>
    %convert_element_type3A_213 = arith.sitofp %convert_element_type3A_212 : vector<1x128xi32> to vector<1x128xf32>
    %mul3A_214 = arith.mulf %slice3A_207, %convert_element_type3A_213 : vector<1x128xf32>
    %broadcast_in_dim3A_215 = arith.constant 1.000000e+00 : f32
    %broadcast_in_dim3A_216 = vector.broadcast %broadcast_in_dim3A_215 : f32 to vector<1x128xf32>
    %neg3A_217 = arith.constant 0.000000e+00 : f32
    %neg3A_218 = vector.broadcast %neg3A_217 : f32 to vector<1x128xf32>
    %neg3A_219 = arith.subf %neg3A_218, %broadcast_in_dim3A_216 : vector<1x128xf32>
    %while3A_220 = arith.constant 0 : i32
    %while3A_221:3 = scf.while (%while3A_252 = %mul3A_214, %while3A_253 = %neg3A_219, %while3A_254 = %while3A_220) : (vector<1x128xf32>, vector<1x128xf32>, i32) -> (vector<1x128xf32>, vector<1x128xf32>, i32) {
      %lt3A_255 = arith.constant 128 : i32
      %lt3A_256 = arith.cmpi slt, %while3A_254, %lt3A_255 : i32
      %ne3A = arith.cmpf one, %while3A_252, %while3A_253 : vector<1x128xf32>
      %reduce_or3A = arith.constant 1.000000e+00 : f32
      %reduce_or3A_257 = arith.constant 0.000000e+00 : f32
      %reduce_or3A_258 = vector.broadcast %reduce_or3A : f32 to vector<1x128xf32>
      %reduce_or3A_259 = vector.broadcast %reduce_or3A_257 : f32 to vector<1x128xf32>
      %reduce_or3A_260 = arith.select %ne3A, %reduce_or3A_258, %reduce_or3A_259 : vector<1x128xi1>, vector<1x128xf32>
      %reduce_or3A_261 = vector.shape_cast %reduce_or3A_260 : vector<1x128xf32> to vector<1x1x128xf32>
      %reduce_or3A_262 = arith.constant dense<0xFF800000> : vector<1xf32>
      %reduce_or3A_263 = vector.multi_reduction <maximumf>, %reduce_or3A_261, %reduce_or3A_262 [1, 2] : vector<1x1x128xf32> to vector<1xf32>
      %reduce_or3A_264 = vector.shape_cast %reduce_or3A_263 : vector<1xf32> to vector<1x1x1xf32>
      %reduce_or3A_265 = vector.extract %reduce_or3A_264[0, 0, 0] : f32 from vector<1x1x1xf32>
      %reduce_or3A_266 = arith.constant 0.000000e+00 : f32
      %reduce_or3A_267 = arith.cmpf ogt, %reduce_or3A_265, %reduce_or3A_266 : f32
      %and3A = arith.andi %lt3A_256, %reduce_or3A_267 : i1
      scf.condition(%and3A) %while3A_252, %while3A_253, %while3A_254 : vector<1x128xf32>, vector<1x128xf32>, i32
    } do {
    ^bb0(%while3A_252: vector<1x128xf32>, %while3A_253: vector<1x128xf32>, %while3A_254: i32):
      %dot_general3A_255 = arith.constant dense<0.000000e+00> : vector<1x128xf32>
      %dot_general3A_256 = tpu.matmul %while3A_252, %mul3A_206, %dot_general3A_255 {dimension_numbers = #tpu.dot_dimension_numbers<[1], [0], [0], [1], [0, 0, 1, 1], [], []>, transpose_lhs_hint = false} : vector<1x128xf32>, vector<128x128xf32>, vector<1x128xf32> -> vector<1x128xf32>
      %eq3A_257 = arith.constant 0.000000e+00 : f32
      %eq3A_258 = vector.broadcast %eq3A_257 : f32 to vector<1x128xf32>
      %eq3A_259 = arith.cmpf oeq, %dot_general3A_256, %eq3A_258 : vector<1x128xf32>
      %convert_element_type3A_260 = arith.extui %eq3A_259 : vector<1x128xi1> to vector<1x128xi32>
      %convert_element_type3A_261 = arith.sitofp %convert_element_type3A_260 : vector<1x128xi32> to vector<1x128xf32>
      %mul3A_262 = arith.mulf %mul3A_214, %convert_element_type3A_261 : vector<1x128xf32>
      %add3A_263 = arith.constant 1 : i32
      %add3A_264 = arith.addi %while3A_254, %add3A_263 : i32
      scf.yield %mul3A_262, %while3A_252, %add3A_264 : vector<1x128xf32>, vector<1x128xf32>, i32
    }
    %slice3A_222 = vector.extract_strided_slice %convert_element_type3A_74 {offsets = [768, 0], sizes = [128, 1024], strides = [1, 1]} : vector<1024x1024xf32> to vector<128x1024xf32>
    %dot_general3A_223 = arith.constant dense<0.000000e+00> : vector<1x1024xf32>
    %dot_general3A_224 = tpu.matmul %while3A_221#0, %slice3A_222, %dot_general3A_223 {dimension_numbers = #tpu.dot_dimension_numbers<[1], [0], [0], [1], [0, 0, 1, 1], [], []>, transpose_lhs_hint = false} : vector<1x128xf32>, vector<128x1024xf32>, vector<1x1024xf32> -> vector<1x1024xf32>
    %add3A_225 = arith.addf %add3A_204, %dot_general3A_224 : vector<1x1024xf32>
    %slice3A_226 = vector.extract_strided_slice %convert_element_type3A_74 {offsets = [896, 896], sizes = [128, 128], strides = [1, 1]} : vector<1024x1024xf32> to vector<128x128xf32>
    %mul3A_227 = arith.mulf %slice3A_226, %convert_element_type3A_82 : vector<128x128xf32>
    %slice3A_228 = vector.extract_strided_slice %convert_element_type3A_79 {offsets = [0, 896], sizes = [1, 128], strides = [1, 1]} : vector<1x1024xf32> to vector<1x128xf32>
    %slice3A_229 = vector.extract_strided_slice %add3A_225 {offsets = [0, 896], sizes = [1, 128], strides = [1, 1]} : vector<1x1024xf32> to vector<1x128xf32>
    %eq3A_230 = arith.constant 0.000000e+00 : f32
    %eq3A_231 = vector.broadcast %eq3A_230 : f32 to vector<1x128xf32>
    %eq3A_232 = arith.cmpf oeq, %slice3A_229, %eq3A_231 : vector<1x128xf32>
    %convert_element_type3A_233 = arith.extui %eq3A_232 : vector<1x128xi1> to vector<1x128xi32>
    %convert_element_type3A_234 = arith.sitofp %convert_element_type3A_233 : vector<1x128xi32> to vector<1x128xf32>
    %mul3A_235 = arith.mulf %slice3A_228, %convert_element_type3A_234 : vector<1x128xf32>
    %broadcast_in_dim3A_236 = arith.constant 1.000000e+00 : f32
    %broadcast_in_dim3A_237 = vector.broadcast %broadcast_in_dim3A_236 : f32 to vector<1x128xf32>
    %neg3A_238 = arith.constant 0.000000e+00 : f32
    %neg3A_239 = vector.broadcast %neg3A_238 : f32 to vector<1x128xf32>
    %neg3A_240 = arith.subf %neg3A_239, %broadcast_in_dim3A_237 : vector<1x128xf32>
    %while3A_241 = arith.constant 0 : i32
    %while3A_242:3 = scf.while (%while3A_252 = %mul3A_235, %while3A_253 = %neg3A_240, %while3A_254 = %while3A_241) : (vector<1x128xf32>, vector<1x128xf32>, i32) -> (vector<1x128xf32>, vector<1x128xf32>, i32) {
      %lt3A_255 = arith.constant 128 : i32
      %lt3A_256 = arith.cmpi slt, %while3A_254, %lt3A_255 : i32
      %ne3A = arith.cmpf one, %while3A_252, %while3A_253 : vector<1x128xf32>
      %reduce_or3A = arith.constant 1.000000e+00 : f32
      %reduce_or3A_257 = arith.constant 0.000000e+00 : f32
      %reduce_or3A_258 = vector.broadcast %reduce_or3A : f32 to vector<1x128xf32>
      %reduce_or3A_259 = vector.broadcast %reduce_or3A_257 : f32 to vector<1x128xf32>
      %reduce_or3A_260 = arith.select %ne3A, %reduce_or3A_258, %reduce_or3A_259 : vector<1x128xi1>, vector<1x128xf32>
      %reduce_or3A_261 = vector.shape_cast %reduce_or3A_260 : vector<1x128xf32> to vector<1x1x128xf32>
      %reduce_or3A_262 = arith.constant dense<0xFF800000> : vector<1xf32>
      %reduce_or3A_263 = vector.multi_reduction <maximumf>, %reduce_or3A_261, %reduce_or3A_262 [1, 2] : vector<1x1x128xf32> to vector<1xf32>
      %reduce_or3A_264 = vector.shape_cast %reduce_or3A_263 : vector<1xf32> to vector<1x1x1xf32>
      %reduce_or3A_265 = vector.extract %reduce_or3A_264[0, 0, 0] : f32 from vector<1x1x1xf32>
      %reduce_or3A_266 = arith.constant 0.000000e+00 : f32
      %reduce_or3A_267 = arith.cmpf ogt, %reduce_or3A_265, %reduce_or3A_266 : f32
      %and3A = arith.andi %lt3A_256, %reduce_or3A_267 : i1
      scf.condition(%and3A) %while3A_252, %while3A_253, %while3A_254 : vector<1x128xf32>, vector<1x128xf32>, i32
    } do {
    ^bb0(%while3A_252: vector<1x128xf32>, %while3A_253: vector<1x128xf32>, %while3A_254: i32):
      %dot_general3A_255 = arith.constant dense<0.000000e+00> : vector<1x128xf32>
      %dot_general3A_256 = tpu.matmul %while3A_252, %mul3A_227, %dot_general3A_255 {dimension_numbers = #tpu.dot_dimension_numbers<[1], [0], [0], [1], [0, 0, 1, 1], [], []>, transpose_lhs_hint = false} : vector<1x128xf32>, vector<128x128xf32>, vector<1x128xf32> -> vector<1x128xf32>
      %eq3A_257 = arith.constant 0.000000e+00 : f32
      %eq3A_258 = vector.broadcast %eq3A_257 : f32 to vector<1x128xf32>
      %eq3A_259 = arith.cmpf oeq, %dot_general3A_256, %eq3A_258 : vector<1x128xf32>
      %convert_element_type3A_260 = arith.extui %eq3A_259 : vector<1x128xi1> to vector<1x128xi32>
      %convert_element_type3A_261 = arith.sitofp %convert_element_type3A_260 : vector<1x128xi32> to vector<1x128xf32>
      %mul3A_262 = arith.mulf %mul3A_235, %convert_element_type3A_261 : vector<1x128xf32>
      %add3A_263 = arith.constant 1 : i32
      %add3A_264 = arith.addi %while3A_254, %add3A_263 : i32
      scf.yield %mul3A_262, %while3A_252, %add3A_264 : vector<1x128xf32>, vector<1x128xf32>, i32
    }
    %concatenate3A = tpu.concatenate %while3A_96#0, %while3A_116#0, %while3A_137#0, %while3A_158#0, %while3A_179#0, %while3A_200#0, %while3A_221#0, %while3A_242#0 in 1 : vector<1x128xf32>, vector<1x128xf32>, vector<1x128xf32>, vector<1x128xf32>, vector<1x128xf32>, vector<1x128xf32>, vector<1x128xf32>, vector<1x128xf32> -> vector<1x1024xf32>
    %gt3A_243 = arith.constant 0.000000e+00 : f32
    %gt3A_244 = vector.broadcast %gt3A_243 : f32 to vector<1x1024xf32>
    %gt3A_245 = arith.cmpf ogt, %concatenate3A, %gt3A_244 : vector<1x1024xf32>
    %jit3A_246 = arith.constant -1.000000e+00 : f32
    %broadcast_in_dim3A_247 = vector.broadcast %jit3A_246 : f32 to vector<1x1024xf32>
    %select_n3A = arith.select %gt3A_245, %get3A_3, %broadcast_in_dim3A_247 : vector<1x1024xi1>, vector<1x1024xf32>
    %broadcast_in_dim3A_248 = vector.shape_cast %select_n3A : vector<1x1024xf32> to vector<1x1x1024xf32>
    %swap3A = arith.constant 0 : index
    %swap3A_249 = arith.constant 0 : index
    %swap3A_250 = arith.constant 0 : index
    %swap3A_251 = vector.load %arg10[%swap3A, %swap3A_249, %swap3A_250] : memref<1x1x1024xf32, #tpu.memory_space<vmem>>, vector<1x1x1024xf32>
    tpu.vector_store %arg10[%swap3A, %swap3A_249, %swap3A_250], %broadcast_in_dim3A_248 {strides = array<i32>} : memref<1x1x1024xf32, #tpu.memory_space<vmem>>, vector<1x1x1024xf32>,
    return
  }
  func.func @transform_0(%arg0: i32) -> (i32, i32, i32) {
    %c0_i32 = arith.constant 0 : i32
    %c0_i32_0 = arith.constant 0 : i32
    %c0_i32_1 = arith.constant 0 : i32
    return %arg0, %c0_i32, %c0_i32_0 : i32, i32, i32
  }
  func.func @transform_1(%arg0: i32) -> (i32, i32, i32) {
    %c0_i32 = arith.constant 0 : i32
    %c0_i32_0 = arith.constant 0 : i32
    %c0_i32_1 = arith.constant 0 : i32
    return %arg0, %c0_i32, %c0_i32_0 : i32, i32, i32
  }
  func.func @transform_2(%arg0: i32) -> (i32, i32, i32) {
    %c0_i32 = arith.constant 0 : i32
    %c0_i32_0 = arith.constant 0 : i32
    %c0_i32_1 = arith.constant 0 : i32
    return %arg0, %c0_i32, %c0_i32_0 : i32, i32, i32
  }
  func.func @transform_3(%arg0: i32) -> (i32, i32, i32) {
    %c0_i32 = arith.constant 0 : i32
    %c0_i32_0 = arith.constant 0 : i32
    %c0_i32_1 = arith.constant 0 : i32
    return %arg0, %c0_i32, %c0_i32_0 : i32, i32, i32
  }
  func.func @transform_4(%arg0: i32) -> (i32, i32, i32) {
    %c0_i32 = arith.constant 0 : i32
    %c0_i32_0 = arith.constant 0 : i32
    %c0_i32_1 = arith.constant 0 : i32
    return %arg0, %c0_i32, %c0_i32_0 : i32, i32, i32
  }
  func.func @transform_5(%arg0: i32) -> (i32, i32, i32) {
    %c0_i32 = arith.constant 0 : i32
    %c0_i32_0 = arith.constant 0 : i32
    %c0_i32_1 = arith.constant 0 : i32
    return %arg0, %c0_i32, %c0_i32_0 : i32, i32, i32
  }
  func.func @transform_6(%arg0: i32) -> (i32, i32, i32) {
    %c0_i32 = arith.constant 0 : i32
    %c0_i32_0 = arith.constant 0 : i32
    %c0_i32_1 = arith.constant 0 : i32
    return %arg0, %c0_i32, %c0_i32_0 : i32, i32, i32
  }
  func.func @transform_7(%arg0: i32) -> (i32, i32, i32) {
    %c0_i32 = arith.constant 0 : i32
    %c0_i32_0 = arith.constant 0 : i32
    %c0_i32_1 = arith.constant 0 : i32
    return %arg0, %c0_i32, %c0_i32_0 : i32, i32, i32
  }
  func.func @transform_8(%arg0: i32) -> (i32, i32, i32) {
    %c0_i32 = arith.constant 0 : i32
    %c0_i32_0 = arith.constant 0 : i32
    %c0_i32_1 = arith.constant 0 : i32
    return %arg0, %c0_i32, %c0_i32_0 : i32, i32, i32
  }
  func.func @transform_9(%arg0: i32) -> (i32, i32, i32) {
    %c0_i32 = arith.constant 0 : i32
    %c0_i32_0 = arith.constant 0 : i32
    %c0_i32_1 = arith.constant 0 : i32
    return %arg0, %c0_i32, %c0_i32_0 : i32, i32, i32
  }
}

</mosaic_0001>

<sc_bundles>
// kernel: gather_offload_async_start.1
scs
__scs_entry_jumppad:
0x0: {  	(pc) =	sbr.rel $0x88, $3  }
0x1: {  	(tag) =	ssettag $0x0;
	lr =	simm.s32 $0x1  }
0x2: {  	[smem:$0x3F9E] =	sst lr;
	_ =	strace $0xD0000000  }
0x3: {  	_ = 	snop  }
0x4: {  	_ = 	snop  }
0x5: {  	_ = 	snop  }
0x6: {  	_ = 	snop  }
0x7: {  	_ = 	snop  }
__scs_overlays_trampoline_lowered:
0x8: {  	[smem:$0x3FAD] =	sst s0  }
0x9: {  	[smem:$0x3FAE] =	sst s1  }
0xa: {  	[smem:$0x3FAF] =	sst s2  }
0xb: {  	[smem:$0x3FB0] =	sst s3  }
0xc: {  	[smem:$0x3FB1] =	sst s4  }
0xd: {  	[smem:$0x3FB2] =	sst s5  }
0xe: {  	[smem:$0x3FB3] =	sst s6  }
0xf: {  	[smem:$0x3FB4] =	sst s7  }
0x10: {  	[smem:$0x3FB5] =	sst s8  }
0x11: {  	[smem:$0x3FB6] =	sst s9;
	s0 =	simm.s32 @!p0 $0x0  }
0x12: {  	s1 =	sld [smem:$0x3F9C];
	s0 =	simm.s32 @p0 $0x1  }
0x13: {  	[smem:$0x3FB7] =	sst s0;
	s0 =	simm.s32 @!p1 $0x0  }
0x14: {  	s2 =	sld [smem:$0x3F9B];
	s0 =	simm.s32 @p1 $0x1  }
0x15: {  	[smem:$0x3FB8] =	sst s0;
	s0 =	simm.s32 @!p2 $0x0  }
0x16: {  	s3 =	sld [smem:$0x3FDB];
	s0 =	simm.s32 @p2 $0x1  }
0x17: {  	s4 =	simm.s32 $0x1BF5;
	[smem:$0x3FBA] =	sst s0  }
0x18: {  	s0 =	sld [smem:$0x3F9D];
	_ =	swait.ge [sflag:s4], $0x0  }
0x19: {  	s7 =	sld [smem:$0x3F9E]  }
0x1a: {  	s8 =	sadd.s32 $0xFFFFE003, lr  }
0x1b: {  	s9 =	sadd.s32 $0xFFFFFEF7, lr;
	s5 =	simm.s32 $0xFFFFFFFF;
	p2 =	slt.u32 s8, $0xFFFFF086  }
0x1c: {  	p1 =	slt.u32 s9, $0xF7A;
	s5 =	simm.s32 @!p2 $0x0  }
0x1d: {  	s5 =	simm.s32 @p1 $0x1;
	p0 =	seq.s32 s7, s2  }
0x1e: {  	s7 =	smul.u32 @!p0 $0xF7A, s2;
	p2 =	seq.s32 @!p0 s5, $0x0  }
0x1f: {  	s9 =	smul.u32 $0xF7A, s1;
	s8 =	simm.s32 @!p0 $0x1BF5;
	p2 =	por !p2, p0  }
0x20: {  	[sflag:s8] =	ssyncset.s32 @!p0 $0xFFFFF086;
	s6 =	sadd.s32 @!p0 s3, s7;
	s7 =	simm.s32 @!p0 $0x108  }
0x21: {  	s3 =	sadd.s32 s3, s9;
	s6 =	sadd.s32 @!p0 $0x88, s6;
	s7 =	simm.s32 @p2 $0x1082  }
0x22: {  	[simem:s7], [sflag:s8] =	dma.local @!p0 [hbm:s6], $0xF7A  }
0x23: {  	s9 =	sor.u32 $0xD0000000, s2;
	s6 =	simm.s32 $0x108;
	_ =	swait.ge @!p0 [sflag:s8], $0x0  }
0x24: {  	s3 =	sadd.s32 $0x88, s3;
	s6 =	simm.s32 @!p1 $0x1082;
	[sflag:s4] =	ssyncset.s32 $0xFFFFF086  }
0x25: {  	[simem:s6], [sflag:s4] =	dma.local [hbm:s3], $0xF7A  }
0x26: {  	[smem:$0x3F9E] =	sst s1;
	(tag) =	ssettag s2;
	_ =	strace s9  }
0x27: {  	s1 =	sld [smem:$0x3FAE]  }
0x28: {  	s2 =	sld [smem:$0x3FAF]  }
0x29: {  	s4 =	sld [smem:$0x3FB1]  }
0x2a: {  	p0 =	seq.s32 s5, $0x0;
	s5 =	sld [smem:$0x3FB2]  }
0x2b: {  	s6 =	sld [smem:$0x3FB3]  }
0x2c: {  	s7 =	sld [smem:$0x3FB4]  }
0x2d: {  	s3 =	simm.s32 $0x108;
	s8 =	sld [smem:$0x3FB5]  }
0x2e: {  	s3 =	simm.s32 @!p0 $0x1082;
	s9 =	sld [smem:$0x3FB6]  }
0x2f: {  	lr =	sadd.s32 s0, s3;
	s0 =	sld [smem:$0x3FAD]  }
0x30: {  	s3 =	sld [smem:$0x3FB0]  }
0x31: {  	[smem:$0x3FB9] =	sst s10  }
0x32: {  	s10 =	sld [smem:$0x3FB7];
	_ =	sdelay $0x3  }
0x33: {  	p0 =	seq.s32 s10, $0x1;
	s10 =	sld [smem:$0x3FB9];
	_ =	sdelay $0x3  }
0x34: {  	[smem:$0x3FB9] =	sst s10  }
0x35: {  	s10 =	sld [smem:$0x3FB8];
	_ =	sdelay $0x3  }
0x36: {  	p1 =	seq.s32 s10, $0x1;
	s10 =	sld [smem:$0x3FB9];
	_ =	sdelay $0x3  }
0x37: {  	[smem:$0x3FB9] =	sst s10  }
0x38: {  	s10 =	sld [smem:$0x3FBA]  }
0x39: {  	_ = 	snop;
	(pc) =	sbr.ind lr, $3  }
0x3a: {  	_ = 	snop  }
0x3b: {  	_ = 	snop  }
0x3c: {  	p2 =	seq.s32 s10, $0x1;
	s10 =	sld [smem:$0x3FB9]  }
0x3d: {  	_ =	shalt  }
0x3e: {  	_ =	shalt  }
0x3f: {  	_ =	shalt  }
0x40: {  	_ =	shalt  }
0x41: {  	_ =	shalt  }
0x42: {  	_ =	shalt  }
0x43: {  	_ =	shalt  }
0x44: {  	_ =	shalt  }
0x45: {  	_ =	shalt  }
0x46: {  	_ =	shalt  }
0x47: {  	_ =	shalt  }
0x48: {  	_ =	shalt  }
0x49: {  	_ =	shalt  }
0x4a: {  	_ =	shalt  }
0x4b: {  	_ =	shalt  }
0x4c: {  	_ =	shalt  }
0x4d: {  	_ =	shalt  }
0x4e: {  	_ =	shalt  }
0x4f: {  	_ =	shalt  }
0x50: {  	_ =	shalt  }
0x51: {  	_ =	shalt  }
0x52: {  	_ =	shalt  }
0x53: {  	_ =	shalt  }
0x54: {  	_ =	shalt  }
0x55: {  	_ =	shalt  }
0x56: {  	_ =	shalt  }
0x57: {  	_ =	shalt  }
0x58: {  	_ =	shalt  }
0x59: {  	_ =	shalt  }
0x5a: {  	_ =	shalt  }
0x5b: {  	_ =	shalt  }
0x5c: {  	_ =	shalt  }
0x5d: {  	_ =	shalt  }
0x5e: {  	_ =	shalt  }
0x5f: {  	_ =	shalt  }
0x60: {  	_ =	shalt  }
0x61: {  	_ =	shalt  }
0x62: {  	_ =	shalt  }
0x63: {  	_ =	shalt  }
0x64: {  	_ =	shalt  }
0x65: {  	_ =	shalt  }
0x66: {  	_ =	shalt  }
0x67: {  	_ =	shalt  }
0x68: {  	_ =	shalt  }
0x69: {  	_ =	shalt  }
0x6a: {  	_ =	shalt  }
0x6b: {  	_ =	shalt  }
0x6c: {  	_ =	shalt  }
0x6d: {  	_ =	shalt  }
0x6e: {  	_ =	shalt  }
0x6f: {  	_ =	shalt  }
0x70: {  	_ =	shalt  }
0x71: {  	_ =	shalt  }
0x72: {  	_ =	shalt  }
0x73: {  	_ =	shalt  }
0x74: {  	_ =	shalt  }
0x75: {  	_ =	shalt  }
0x76: {  	_ =	shalt  }
0x77: {  	_ =	shalt  }
0x78: {  	_ =	shalt  }
0x79: {  	_ =	shalt  }
0x7a: {  	_ =	shalt  }
0x7b: {  	_ =	shalt  }
0x7c: {  	_ =	shalt  }
0x7d: {  	_ =	shalt  }
0x7e: {  	_ =	shalt  }
0x7f: {  	_ =	shalt  }
0x80: {  	_ =	shalt  }
0x81: {  	_ =	shalt  }
0x82: {  	_ =	shalt  }
0x83: {  	_ =	shalt  }
0x84: {  	_ =	shalt  }
0x85: {  	_ =	shalt  }
0x86: {  	_ =	shalt  }
0x87: {  	_ =	shalt  }
.Lfunc_end0:
.L_simem_size_0:
called_computation.1_lowered:
.L_overlay_start_0:
0x88: {  	s2 =	sld [smem:$0x3FD9]  }
0x89: {  	s3 =	sld [smem:$0x3FFE];
	_ =	sdelay $0x1  }
0x8a: {  	s1 =	srdreg.scid  }
0x8b: {  	s0 =	sand.u32 $0x1, s1  }
0x8c: {  	s17 =	sshll.u32 s0, $0xA;
	s2 =	sadd.s32 s3, s2  }
0x8d: {  	s2 =	sadd.s32 s2, s17  }
0x8e: {  	[smem:$0x3FC5] =	sst s2  }
0x8f: {  	_ = 	snop  }
0x90: {  	(tm) =	ssettm $0x1  }
0x91: {  	s18 =	sld [smem:$0x3FFB];
	_ =	sdelay $0x3  }
0x92: {  	_ =	strace s18  }
0x93: {  	s2 =	sld [smem:$0x3FFC];
	_ =	sdelay $0x3  }
0x94: {  	_ =	strace s2  }
0x95: {  	s2 =	sld [smem:$0x3FFD];
	_ =	sdelay $0x3  }
0x96: {  	_ =	strace s2  }
0x97: {  	_ =	strace $0x8FFFFFFF  }
0x98: {  	s19 =	sld [smem:$0x3FDB];
	_ =	sdelay $0x1  }
0x99: {  	s20 =	simm.s32 $_scs_section_size  }
0x9a: {  	s4 =	simm.s32 $_size__tile_overlayer_lowered;
	s5 =	simm.s32 $_tile_overlayer_lowered  }
0x9b: {  	s6 =	simm.s32 $0x1BFF;
	s21 =	sshll.u32 s5, $0x1;
	s3 =	sadd.s32 s20, s19  }
0x9c: {  	s22 =	simm.s32 $0x0;
	s4 =	sshll.u32 s4, $0x1;
	s5 =	sadd.s32 s21, s3  }
0x9d: {  	[timem:s22], [sflag:s6] =	dma.local [hbm:s5], s4  }
0x9e: {  	_ =	swait.ge [sflag:s6], s4  }
0x9f: {  	s4 =	ssub.s32 $0x0, s4;
	[sflag:s6] =	ssyncset.done $0x0  }
0xa0: {  	[sflag:s6] =	ssyncadd.s32 s4;
	_ =	sdelay $0x1  }
0xa1: {  	s23 =	simm.s32 $0x1B8B  }
0xa2: {  	_ =	swait.ge [sflag:s23], $0x1  }
0xa3: {  	[sflag:s23] =	ssyncset.done $0x0  }
0xa4: {  	[sflag:s23] =	ssyncadd.s32 $0xFFFFFFFF  }
0xa5: {  	s4 =	sld [smem:$0x0]  }
0xa6: {  	s5 =	sand.u32 $0xFFFFFFFE, s1  }
0xa7: {  	p0 =	sne.s32 s1, s5  }
0xa8: {  	s5 =	sshll.u32 @p0 s5, $0xE  }
0xa9: {  	s5 =	sadd.s32 @p0 $0x11B8D, s5;
	s6 =	sshll.u32 @p0 s4, $0x11  }
0xaa: {  	s5 =	sor.u32 @p0 s6, s5  }
0xab: {  	[sflag:s5] =	ssyncadd.remote.s32 @p0 $0x1;
	_ =	sdelay $0x1  }
0xac: {  	s5 =	simm.s32 @p0 $0x1B8D  }
0xad: {  	_ =	swait.eq @p0 [sflag:s5], $0x1  }
0xae: {  	[sflag:s5] =	ssyncadd.s32 @p0 $0xFFFFFFFF  }
0xaf: {  	s6 =	sshll.u32 @!p0 s1, $0xE  }
0xb0: {  	s6 =	sor.u32 @!p0 $0x4000, s6;
	s5 =	simm.s32 @!p0 $0x1B8D  }
0xb1: {  	s4 =	sshll.u32 @!p0 s4, $0x11;
	s6 =	sadd.s32 @!p0 $0x11B8D, s6;
	_ =	swait.eq @!p0 [sflag:s5], $0x1  }
0xb2: {  	s4 =	sor.u32 @!p0 s4, s6;
	[sflag:s5] =	ssyncadd.s32 @!p0 $0xFFFFFFFF  }
0xb3: {  	s25 =	simm.s32 $0x1B8E;
	s24 =	sld [smem:$0x3FFE];
	[sflag:s4] =	ssyncadd.remote.s32 @!p0 $0x1  }
0xb4: {  	s26 =	simm.s32 $execute0_lowered;
	[smem:$0x3FD2] =	sst s25  }
0xb5: {  	s5 =	sshll.u32 s26, $0x1;
	_ =	strace $0x80000055;
	[dreg:$0x1] =	wrdreg $0xFFFFFFFF  }
0xb6: {  	s28 =	simm.s32 $_size_execute0_lowered;
	s3 =	sadd.s32 s3, s5;
	[dreg:$0x0] =	wrdreg $0x0  }
0xb7: {  	s5 =	sshll.u32 s28, $0x1;
	[dreg:$0x2] =	wrdreg s3  }
0xb8: {  	[dreg:$0x3] =	wrdreg s5  }
0xb9: {  	[dreg:$0x4] =	wrdreg $0xC0  }
0xba: {  	_ =	task [dreg:s22], $0x5FFFF  }
0xbb: {  	[dreg:$0x1] =	wrdreg $0xFFFFFFFF  }
0xbc: {  	[dreg:$0x0] =	wrdreg $0x60  }
0xbd: {  	[dreg:$0x2] =	wrdreg s24  }
0xbe: {  	[dreg:$0x3] =	wrdreg $0x9  }
0xbf: {  	_ =	task.clear_ibuf [dreg:s22], $0x4FFFF;
	_ =	strace $0x90000055  }
0xc0: {  	s29 =	simm.s32 $0x9;
	_ =	strace $0x80000057  }
0xc1: {  	_ =	swait.ge [sflag:s29], $0x1  }
0xc2: {  	[sflag:s29] =	ssyncadd.s32 $0xFFFFFFFF  }
0xc3: {  	_ =	strace $0x90000057  }
0xc4: {  	_ =	sfence  }
0xc5: {  	s30 =	sld [smem:$0x0];
	_ =	sdelay $0x2  }
0xc6: {  	s31 =	sshll.u32 s1, $0xD;
	s1 =	sshrl.u32 s1, $0x2  }
0xc7: {  	s4 =	sand.u32 $0x4000, s31;
	s1 =	sadd.s32 s1, s30  }
0xc8: {  	s0 =	sor.u32 s4, s0;
	s1 =	sshll.u32 s1, $0x11  }
0xc9: {  	s0 =	sor.u32 s1, s0  }
0xca: {  	s0 =	sadd.s32 $0x8F2B, s0  }
0xcb: {  	[sflag:s0] =	ssyncadd.remote.s32 $0x1  }
0xcc: {  	_ =	sfence.sel $0xFFFF  }
0xcd: {  	[dreg:$0x0] =	wrdreg $0xFFFFFFFF;
	(pc) =	sbr.abs _section_cstart, $3  }
0xce: {  	[dreg:$0x1] =	wrdreg $0xFFFFFFFF  }
0xcf: {  	_ =	task.clear_ibuf [dreg:s22], $0x2FFFF;
	_ =	strace $0x9FFFFFFF  }
0xd0: {  	(tm) =	ssettm $0x7FFFFFFF  }
0xd1: {  	_ =	shalt  }
tec
execute0_lowered:
.L_overlay_start_1:
0x0: {  	(tag) =	ssettag $0x1  }
0x1: {  	s8 =	rddreg [dreg:$0x0]  }
0x2: {  	s0 =	rddreg [dreg:$0x1];
	_ =	strace $0x80000056;
	s1 =	stileid.u32  }
0x3: {  	s3 =	srdreg.scid;
	s4 =	simm.s32 $0x1;
	s7 =	simm.s32 $0x1  }
0x4: {  	s9 =	simm.s32 $0x1;
	s10 =	simm.s32 $0x3;
	s13 =	simm.s32 $0x0  }
0x5: {  	s12 =	simm.s32 $0x0;
	s5 =	sand.u32 $0x1, s3;
	s6 =	sshll.u32 s1, $0x1  }
0x6: {  	s2 =	sadd.s32 $0xEC00, s8;
	s3 =	sadd.s32 $0x4BE00, s8;
	s5 =	sor.u32 s6, s5  }
.Ltmp0:
0x7: {  	[sflag:s4] =	ssyncpa.u1 $0x0;
	p0 =	slt.u32 s5, $0x13;
	(pc) =	sbr.rel .LBB2_1-.Ltmp0, $4  }
0x8: {  	s6 =	simm.s32 $0x2;
	s7 =	simm.s32 @!p0 $0x0;
	p0 =	sne.s32 s5, $0x12  }
0x9: {  	[sflag:s6] =	ssyncpa.u1 $0x0;
	s5 =	smul.u32 $0x190, s5;
	s9 =	simm.s32 @!p0 $0x0  }
0xa: {  	s8 =	sadd.s32 $0x4EA00, s8;
	[sflag:s10] =	ssyncpa.u1 $0x0;
	s7 =	sadd.s32 s9, s7  }
0xb: {  	vm0 =	vmmov $0xffff;
	s10 =	simm.s32 $0x0;
	s11 =	smov.u32 s5;
	s9 =	sadd.s32 $0x1, s7  }
.LBB2_4:
0xc: {  	vm1 =	veq.s32 v4, $0x80000000;
	v56 =	vand.u32 $0x1F, v4;
	v6 =	vand.u32 $0x7FFF, v6  }
0xd: {  	v2 =	vor.u32 v2, v5;
	v59 =	vshrl.u32 v1, $0x5;
	v60 =	vand.u32 $0x1F, v1  }
0xe: {  	v4 =	vsel vm1, $0xFFFFFFFF, v56;
	v6 =	vsel vm1, $0xFFFFFFFF, v6;
	v2 =	vor.u32 v3, v2  }
0xf: {  	vm1 =	veq.s32 v1, $0x80000000;
	v5 =	vand.u32 $0x7FFF, v59;
	v7 =	vshrl.u32 v4, $0x3  }
0x10: {  	v57 =	vshll.u32 v6, $0x3;
	v4 =	vshll.u32 v4, $0x7;
	v1 =	vsel vm1, $0xFFFFFFFF, v60  }
0x11: {  	v5 =	vsel vm1, $0xFFFFFFFF, v5;
	v6 =	vand.u32 $0x7F, v6;
	v7 =	vmul.u32 $0x27400, v7  }
0x12: {  	v58 =	vand.u32 $0xFFFFFC00, v57;
	v4 =	vand.u32 $0x380, v4;
	v61 =	vshrl.u32 v1, $0x3  }
0x13: {  	v62 =	vshll.u32 v5, $0x3;
	v3 =	vadd.s32 v7, v58;
	v7 =	vmul.u32 $0x27400, v61  }
0x14: {  	v1 =	vshll.u32 v1, $0x7;
	v3 =	vor.u32 v4, v3;
	v4 =	vand.u32 $0xFFFFFC00, v62  }
0x15: {  	v1 =	vand.u32 $0x380, v1;
	v3 =	vor.u32 v6, v3;
	v4 =	vadd.s32 v7, v4  }
0x16: {  	[tilespmem:s16], [sflag:$0x1] =	stream.indirect_vreg.gather [hbm4b:s2+s10], $0x1, v0, vm0, $0x4038;
	v63 =	vand.u32 $0x7F, v5;
	v1 =	vor.u32 v1, v4;
	[tilespmem:$0x640] =	vst v63  }
0x17: {  	s15 =	sadd.s32 $0x10, s15;
	(ifvalue) =	ssetifvalue $0x7FFFFFFF;
	v0 =	vor.u32 v63, v1  }
0x18: {  	[tilespmem:s15], [sflag:$0x1] =	stream.indirect_vreg.gather [hbm4b:s2+s10], $0x1, v2, vm0, $0x4038;
	[tilespmem:$0x640] =	vst v63  }
0x19: {  	s15 =	sadd.s32 $0x10, s15;
	(ifvalue) =	ssetifvalue $0x7FFFFFFF  }
0x1a: {  	[tilespmem:s15], [sflag:$0x1] =	stream.indirect_vreg.gather [hbm4b:s2+s10], $0x1, v3, vm0, $0x4038;
	[tilespmem:$0x640] =	vst v63  }
0x1b: {  	s15 =	sadd.s32 $0x10, s15;
	(ifvalue) =	ssetifvalue $0x7FFFFFFF  }
0x1c: {  	[tilespmem:s15], [sflag:$0x1] =	stream.indirect_vreg.gather [hbm4b:s2+s10], $0x1, v0, vm0, $0x4038;
	[tilespmem:$0x640] =	vst v63  }
0x1d: {  	_ =	swait.ge [sflag:s4], $0x190  }
0x1e: {  	s30 =	sshrl.u32 s13, $0x3;
	[sflag:s4] =	ssyncset.done $0x0  }
0x1f: {  	s31 =	sand.u32 $0x7, s13;
	s15 =	sadd.s32 s8, s30;
	[sflag:s4] =	ssyncadd.s32 $0xFFFFFE70  }
0x20: {  	[hbm4b:s15+s31] =	stream.linear.scatter [tilespmem:s14], [sflag:$0x3], $0x190, $0x38;
	[tilespmem:$0x640] =	vst v63  }
.LBB2_5:
0x21: {  	s15 =	sadd.s32 $0x3200, s11  }
0x22: {  	p1 =	sgt.s32 s15, $0x4E1F  }
0x23: {  	s15 =	smov.u32 @p1 s5;
	p1 =	sne.s32 s12, s9  }
.Ltmp1:
0x24: {  	p0 =	slt.u32 s12, $0x2;
	(pc) =	sbr.rel @!p1 .LBB2_6-.Ltmp1, $4  }
0x25: {  	s14 =	simm.s32 @!p0 $0x3  }
0x26: {  	_ =	swait.ge @!p0 [sflag:s14], $0x190  }
0x27: {  	s16 =	sadd.s32 $0x1, s12;
	s13 =	smov.u32 s11;
	[sflag:s14] =	ssyncset.done @!p0 $0x0  }
0x28: {  	s12 =	smov.u32 s16;
	s11 =	smov.u32 s15;
	[sflag:s14] =	ssyncadd.s32 @!p0 $0xFFFFFE70  }
.LBB2_1:
0x29: {  	p0 =	sge.u32 s12, s7  }
0x2a: {  	s14 =	sxor.u32 @!p0 $0x1, s12  }
0x2b: {  	s14 =	smul.u32 @!p0 $0x640, s14  }
0x2c: {  	s31 =	sadd.s32 $0xFFFFFFFF, s12;
	s15 =	sshrl.u32 @!p0 s11, $0x3  }
0x2d: {  	s16 =	sand.u32 @!p0 $0x7, s11;
	s15 =	sadd.s32 @!p0 s3, s15;
	s14 =	sshra.s32 @!p0 s14, $0x2  }
0x2e: {  	[tilespmem:s14], [sflag:$0x2] =	stream.linear.gather @!p0 [hbm4b:s15+s16], $0x190, $0x38;
	[tilespmem:$0x640] =	vst v63  }
0x2f: {  	p0 =	sge.u32 s31, s7  }
.Ltmp2:
0x30: {  	_ = 	snop;
	(pc) =	sbr.rel @p0 .LBB2_5-.Ltmp2, $1  }
0x31: {  	_ =	sdelay $0x3  }
0x32: {  	s14 =	sand.u32 $0x1, s12  }
0x33: {  	_ =	swait.ge [sflag:s6], $0x190;
	p0 =	seq.s32 s14, $0x1;
	s14 =	simm.s32 $0x190  }
0x34: {  	[sflag:s6] =	ssyncset.done $0x0;
	s14 =	simm.s32 @!p0 $0x0  }
0x35: {  	[sflag:s6] =	ssyncadd.s32 $0xFFFFFE70;
	(ifvalue) =	ssetifvalue $0x7FFFFFFF;
	v0 =	vld.msk [tilespmem:s14+$0x0 ss:$0x1], $0xffff  }
0x36: {  	s15 =	sadd.s32 $0x10, s14  }
0x37: {  	v1 =	vld.msk [tilespmem:s15+$0x0 ss:$0x1], $0xffff;
	_ =	sdelay $0x2  }
0x38: {  	v2 =	vshrl.u32 v0, $0x5  }
0x39: {  	vm1 =	veq.s32 v0, $0x80000000;
	v0 =	vand.u32 $0x1F, v0;
	v2 =	vand.u32 $0x7FFF, v2  }
0x3a: {  	v0 =	vsel vm1, $0xFFFFFFFF, v0;
	v6 =	vshrl.u32 v1, $0x5;
	v2 =	vsel vm1, $0xFFFFFFFF, v2  }
0x3b: {  	v3 =	vshrl.u32 v0, $0x3;
	v0 =	vshll.u32 v0, $0x7;
	vm1 =	veq.s32 v1, $0x80000000  }
0x3c: {  	s15 =	sadd.s32 $0x10, s15;
	v1 =	vand.u32 $0x1F, v1;
	v4 =	vshll.u32 v2, $0x3;
	v3 =	vmul.u32 $0x27400, v3  }
0x3d: {  	v0 =	vand.u32 $0x380, v0;
	v7 =	vand.u32 $0x7F, v2;
	v5 =	vand.u32 $0xFFFFFC00, v4;
	v4 =	vld.msk [tilespmem:s15+$0x0 ss:$0x1], $0xffff  }
0x3e: {  	v1 =	vsel vm1, $0xFFFFFFFF, v1;
	v2 =	vadd.s32 v3, v5;
	v3 =	vand.u32 $0x7FFF, v6  }
0x3f: {  	v3 =	vsel vm1, $0xFFFFFFFF, v3;
	v0 =	vor.u32 v0, v2;
	v2 =	vshrl.u32 v1, $0x3  }
0x40: {  	v1 =	vshll.u32 v1, $0x7;
	v5 =	vshll.u32 v3, $0x3;
	v8 =	vmul.u32 $0x27400, v2  }
0x41: {  	s18 =	simm.s32 $0x30;
	s14 =	sadd.s32 $0x320, s14;
	s17 =	sadd.s32 $0x10, s15;
	v2 =	vand.u32 $0x380, v1;
	v0 =	vor.u32 v7, v0;
	v5 =	vand.u32 $0xFFFFFC00, v5  }
0x42: {  	s16 =	smov.u32 s14;
	s15 =	smov.u32 s14;
	v1 =	vld.msk [tilespmem:s17+$0x0 ss:$0x1], $0xffff;
	v3 =	vand.u32 $0x7F, v3;
	(ifvalue) =	ssetifvalue $0x7FFFFFFF;
	v6 =	vshrl.u32 v4, $0x5;
	v5 =	vadd.s32 v8, v5  }
.LBB2_3:
0x43: {  	s18 =	sadd.s32 $0x10, s18  }
0x44: {  	vm1 =	veq.s32 v4, $0x80000000;
	v4 =	vand.u32 $0x1F, v4;
	v6 =	vand.u32 $0x7FFF, v6;
	s15 =	sadd.s32 $0x10, s15;
	p0 =	slt.u32 s18, $0x180  }
.Ltmp3:
0x45: {  	v5 =	vor.u32 v2, v5;
	v4 =	vsel vm1, $0xFFFFFFFF, v4;
	v7 =	vsel vm1, $0xFFFFFFFF, v6;
	(pc) =	sbr.rel @p0 .LBB2_3-.Ltmp3, $4  }
0x46: {  	v2 =	vshrl.u32 v4, $0x3;
	v6 =	vshll.u32 v7, $0x3;
	v4 =	vshll.u32 v4, $0x7;
	[tilespmem:s16], [sflag:$0x1] =	stream.indirect_vreg.gather [hbm4b:s2+s10], $0x1, v0, vm0, $0x4038;
	[tilespmem:$0x640] =	vst v63  }
0x47: {  	v0 =	vor.u32 v3, v5;
	s16 =	smov.u32 s15;
	v8 =	vmul.u32 $0x27400, v2;
	v2 =	vand.u32 $0x380, v4  }
0x48: {  	s17 =	sadd.s32 $0x10, s17;
	v9 =	vand.u32 $0xFFFFFC00, v6  }
0x49: {  	v3 =	vand.u32 $0x7F, v7;
	v6 =	vshrl.u32 v1, $0x5;
	v5 =	vadd.s32 v8, v9;
	(ifvalue) =	ssetifvalue $0x7FFFFFFF;
	v4 =	vmovc v1;
	v1 =	vld.msk [tilespmem:s17+$0x0 ss:$0x1], $0xffff  }
.Ltmp4:
0x4a: {  	_ = 	snop;
	(pc) =	sbr.rel .LBB2_4-.Ltmp4, $1  }
0x4b: {  	_ =	sdelay $0x3  }
.LBB2_6:
0x4c: {  	_ =	sfence.sel $0x180000  }
0x4d: {  	s2 =	simm.s32 $0x2;
	[bflag:$0x0] =	sbarrier.arrive $0xFFFF  }
0x4e: {  	s30 =	simm.s32 $0x3;
	[sflag:s2] =	ssyncpa.u1 $0x1  }
0x4f: {  	s31 =	simm.s32 $0x1;
	[sflag:s30] =	ssyncpa.u1 $0x1  }
0x50: {  	[sflag:s31] =	ssyncpa.u1 $0x1  }
0x51: {  	p0 =	sne.s32 s1, $0x0;
	_ =	strace $0x90000056  }
0x52: {  	s0 =	sadd.s32 @!p0 $0x100000, s0;
	[bflag:$0x2] =	sbarrier.arrive $0xFFFF  }
0x53: {  	[sflag:s0] =	ssyncadd.tile.s32 @!p0 $0x1;
	_ =	shalt  }
.Lfunc_end2:
_tile_overlayer_lowered:
.L_overlay_start_2:
0x54: {  	(tag) =	ssettag $0x2  }
0x55: {  	s0 =	rddreg [dreg:$0x0];
	s2 =	stileid.u32  }
0x56: {  	s1 =	rddreg [dreg:$0x1];
	p0 =	sne.s32 s2, $0x0  }
0x57: {  	s3 =	rddreg [dreg:$0x2];
	[bflag:$0x3] =	sbarrier.arrive $0xFFFF;
	s2 =	simm.s32 @!p0 $0x1C01  }
0x58: {  	[timem:s3], [sflag:s2] =	dma.local @!p0 [hbm:s0], s1  }
0x59: {  	s0 =	simm.s32 @!p0 $0x1  }
0x5a: {  	_ =	swait.ge @!p0 [sflag:s0], s1  }
0x5b: {  	s1 =	ssub.s32 @!p0 $0x0, s1;
	[sflag:s0] =	ssyncset.done @!p0 $0x0  }
0x5c: {  	[sflag:s0] =	ssyncadd.s32 @!p0 s1  }
0x5d: {  	[bflag:$0x3] =	sbarrier.arrive $0xFFFF  }
0x5e: {  	_ =	shalt  }

// kernel: gather_offload_async_start.2
scs
__scs_entry_jumppad:
0x0: {  	(pc) =	sbr.rel $0x88, $3  }
0x1: {  	(tag) =	ssettag $0x0;
	lr =	simm.s32 $0x1  }
0x2: {  	[smem:$0x3F9E] =	sst lr;
	_ =	strace $0xD0000000  }
0x3: {  	_ = 	snop  }
0x4: {  	_ = 	snop  }
0x5: {  	_ = 	snop  }
0x6: {  	_ = 	snop  }
0x7: {  	_ = 	snop  }
__scs_overlays_trampoline_lowered:
0x8: {  	[smem:$0x3FAD] =	sst s0  }
0x9: {  	[smem:$0x3FAE] =	sst s1  }
0xa: {  	[smem:$0x3FAF] =	sst s2  }
0xb: {  	[smem:$0x3FB0] =	sst s3  }
0xc: {  	[smem:$0x3FB1] =	sst s4  }
0xd: {  	[smem:$0x3FB2] =	sst s5  }
0xe: {  	[smem:$0x3FB3] =	sst s6  }
0xf: {  	[smem:$0x3FB4] =	sst s7  }
0x10: {  	[smem:$0x3FB5] =	sst s8  }
0x11: {  	[smem:$0x3FB6] =	sst s9;
	s0 =	simm.s32 @!p0 $0x0  }
0x12: {  	s1 =	sld [smem:$0x3F9C];
	s0 =	simm.s32 @p0 $0x1  }
0x13: {  	[smem:$0x3FB7] =	sst s0;
	s0 =	simm.s32 @!p1 $0x0  }
0x14: {  	s2 =	sld [smem:$0x3F9B];
	s0 =	simm.s32 @p1 $0x1  }
0x15: {  	[smem:$0x3FB8] =	sst s0;
	s0 =	simm.s32 @!p2 $0x0  }
0x16: {  	s3 =	sld [smem:$0x3FDB];
	s0 =	simm.s32 @p2 $0x1  }
0x17: {  	s4 =	simm.s32 $0x1BF5;
	[smem:$0x3FBA] =	sst s0  }
0x18: {  	s0 =	sld [smem:$0x3F9D];
	_ =	swait.ge [sflag:s4], $0x0  }
0x19: {  	s7 =	sld [smem:$0x3F9E]  }
0x1a: {  	s8 =	sadd.s32 $0xFFFFE003, lr  }
0x1b: {  	s9 =	sadd.s32 $0xFFFFFEF7, lr;
	s5 =	simm.s32 $0xFFFFFFFF;
	p2 =	slt.u32 s8, $0xFFFFF086  }
0x1c: {  	p1 =	slt.u32 s9, $0xF7A;
	s5 =	simm.s32 @!p2 $0x0  }
0x1d: {  	s5 =	simm.s32 @p1 $0x1;
	p0 =	seq.s32 s7, s2  }
0x1e: {  	s7 =	smul.u32 @!p0 $0xF7A, s2;
	p2 =	seq.s32 @!p0 s5, $0x0  }
0x1f: {  	s9 =	smul.u32 $0xF7A, s1;
	s8 =	simm.s32 @!p0 $0x1BF5;
	p2 =	por !p2, p0  }
0x20: {  	[sflag:s8] =	ssyncset.s32 @!p0 $0xFFFFF086;
	s6 =	sadd.s32 @!p0 s3, s7;
	s7 =	simm.s32 @!p0 $0x108  }
0x21: {  	s3 =	sadd.s32 s3, s9;
	s6 =	sadd.s32 @!p0 $0x88, s6;
	s7 =	simm.s32 @p2 $0x1082  }
0x22: {  	[simem:s7], [sflag:s8] =	dma.local @!p0 [hbm:s6], $0xF7A  }
0x23: {  	s9 =	sor.u32 $0xD0000000, s2;
	s6 =	simm.s32 $0x108;
	_ =	swait.ge @!p0 [sflag:s8], $0x0  }
0x24: {  	s3 =	sadd.s32 $0x88, s3;
	s6 =	simm.s32 @!p1 $0x1082;
	[sflag:s4] =	ssyncset.s32 $0xFFFFF086  }
0x25: {  	[simem:s6], [sflag:s4] =	dma.local [hbm:s3], $0xF7A  }
0x26: {  	[smem:$0x3F9E] =	sst s1;
	(tag) =	ssettag s2;
	_ =	strace s9  }
0x27: {  	s1 =	sld [smem:$0x3FAE]  }
0x28: {  	s2 =	sld [smem:$0x3FAF]  }
0x29: {  	s4 =	sld [smem:$0x3FB1]  }
0x2a: {  	p0 =	seq.s32 s5, $0x0;
	s5 =	sld [smem:$0x3FB2]  }
0x2b: {  	s6 =	sld [smem:$0x3FB3]  }
0x2c: {  	s7 =	sld [smem:$0x3FB4]  }
0x2d: {  	s3 =	simm.s32 $0x108;
	s8 =	sld [smem:$0x3FB5]  }
0x2e: {  	s3 =	simm.s32 @!p0 $0x1082;
	s9 =	sld [smem:$0x3FB6]  }
0x2f: {  	lr =	sadd.s32 s0, s3;
	s0 =	sld [smem:$0x3FAD]  }
0x30: {  	s3 =	sld [smem:$0x3FB0]  }
0x31: {  	[smem:$0x3FB9] =	sst s10  }
0x32: {  	s10 =	sld [smem:$0x3FB7];
	_ =	sdelay $0x3  }
0x33: {  	p0 =	seq.s32 s10, $0x1;
	s10 =	sld [smem:$0x3FB9];
	_ =	sdelay $0x3  }
0x34: {  	[smem:$0x3FB9] =	sst s10  }
0x35: {  	s10 =	sld [smem:$0x3FB8];
	_ =	sdelay $0x3  }
0x36: {  	p1 =	seq.s32 s10, $0x1;
	s10 =	sld [smem:$0x3FB9];
	_ =	sdelay $0x3  }
0x37: {  	[smem:$0x3FB9] =	sst s10  }
0x38: {  	s10 =	sld [smem:$0x3FBA]  }
0x39: {  	_ = 	snop;
	(pc) =	sbr.ind lr, $3  }
0x3a: {  	_ = 	snop  }
0x3b: {  	_ = 	snop  }
0x3c: {  	p2 =	seq.s32 s10, $0x1;
	s10 =	sld [smem:$0x3FB9]  }
0x3d: {  	_ =	shalt  }
0x3e: {  	_ =	shalt  }
0x3f: {  	_ =	shalt  }
0x40: {  	_ =	shalt  }
0x41: {  	_ =	shalt  }
0x42: {  	_ =	shalt  }
0x43: {  	_ =	shalt  }
0x44: {  	_ =	shalt  }
0x45: {  	_ =	shalt  }
0x46: {  	_ =	shalt  }
0x47: {  	_ =	shalt  }
0x48: {  	_ =	shalt  }
0x49: {  	_ =	shalt  }
0x4a: {  	_ =	shalt  }
0x4b: {  	_ =	shalt  }
0x4c: {  	_ =	shalt  }
0x4d: {  	_ =	shalt  }
0x4e: {  	_ =	shalt  }
0x4f: {  	_ =	shalt  }
0x50: {  	_ =	shalt  }
0x51: {  	_ =	shalt  }
0x52: {  	_ =	shalt  }
0x53: {  	_ =	shalt  }
0x54: {  	_ =	shalt  }
0x55: {  	_ =	shalt  }
0x56: {  	_ =	shalt  }
0x57: {  	_ =	shalt  }
0x58: {  	_ =	shalt  }
0x59: {  	_ =	shalt  }
0x5a: {  	_ =	shalt  }
0x5b: {  	_ =	shalt  }
0x5c: {  	_ =	shalt  }
0x5d: {  	_ =	shalt  }
0x5e: {  	_ =	shalt  }
0x5f: {  	_ =	shalt  }
0x60: {  	_ =	shalt  }
0x61: {  	_ =	shalt  }
0x62: {  	_ =	shalt  }
0x63: {  	_ =	shalt  }
0x64: {  	_ =	shalt  }
0x65: {  	_ =	shalt  }
0x66: {  	_ =	shalt  }
0x67: {  	_ =	shalt  }
0x68: {  	_ =	shalt  }
0x69: {  	_ =	shalt  }
0x6a: {  	_ =	shalt  }
0x6b: {  	_ =	shalt  }
0x6c: {  	_ =	shalt  }
0x6d: {  	_ =	shalt  }
0x6e: {  	_ =	shalt  }
0x6f: {  	_ =	shalt  }
0x70: {  	_ =	shalt  }
0x71: {  	_ =	shalt  }
0x72: {  	_ =	shalt  }
0x73: {  	_ =	shalt  }
0x74: {  	_ =	shalt  }
0x75: {  	_ =	shalt  }
0x76: {  	_ =	shalt  }
0x77: {  	_ =	shalt  }
0x78: {  	_ =	shalt  }
0x79: {  	_ =	shalt  }
0x7a: {  	_ =	shalt  }
0x7b: {  	_ =	shalt  }
0x7c: {  	_ =	shalt  }
0x7d: {  	_ =	shalt  }
0x7e: {  	_ =	shalt  }
0x7f: {  	_ =	shalt  }
0x80: {  	_ =	shalt  }
0x81: {  	_ =	shalt  }
0x82: {  	_ =	shalt  }
0x83: {  	_ =	shalt  }
0x84: {  	_ =	shalt  }
0x85: {  	_ =	shalt  }
0x86: {  	_ =	shalt  }
0x87: {  	_ =	shalt  }
.Lfunc_end0:
.L_simem_size_0:
called_computation.2_lowered:
.L_overlay_start_0:
0x88: {  	s2 =	sld [smem:$0x3FD9]  }
0x89: {  	s3 =	sld [smem:$0x3FFE];
	_ =	sdelay $0x1  }
0x8a: {  	s1 =	srdreg.scid  }
0x8b: {  	s0 =	sand.u32 $0x1, s1  }
0x8c: {  	s16 =	sshll.u32 s0, $0xA;
	s2 =	sadd.s32 s3, s2  }
0x8d: {  	s2 =	sadd.s32 s2, s16  }
0x8e: {  	[smem:$0x3FC5] =	sst s2  }
0x8f: {  	_ = 	snop  }
0x90: {  	(tm) =	ssettm $0x1  }
0x91: {  	s17 =	sld [smem:$0x3FFB];
	_ =	sdelay $0x3  }
0x92: {  	_ =	strace s17  }
0x93: {  	s2 =	sld [smem:$0x3FFC];
	_ =	sdelay $0x3  }
0x94: {  	_ =	strace s2  }
0x95: {  	s2 =	sld [smem:$0x3FFD];
	_ =	sdelay $0x3  }
0x96: {  	_ =	strace s2  }
0x97: {  	_ =	strace $0x8FFFFFFF  }
0x98: {  	s18 =	sld [smem:$0x3FDB];
	_ =	sdelay $0x1  }
0x99: {  	s19 =	simm.s32 $_scs_section_size  }
0x9a: {  	s4 =	simm.s32 $_size__tile_overlayer_lowered;
	s5 =	simm.s32 $_tile_overlayer_lowered  }
0x9b: {  	s22 =	simm.s32 $0x1BFF;
	s21 =	sshll.u32 s5, $0x1;
	s2 =	sadd.s32 s19, s18  }
0x9c: {  	s6 =	simm.s32 $0x0;
	s20 =	sshll.u32 s4, $0x1;
	s4 =	sadd.s32 s21, s2  }
0x9d: {  	[timem:s6], [sflag:s22] =	dma.local [hbm:s4], s20  }
0x9e: {  	_ =	swait.ge [sflag:s22], s20  }
0x9f: {  	s3 =	ssub.s32 $0x0, s20;
	[sflag:s22] =	ssyncset.done $0x0  }
0xa0: {  	[sflag:s22] =	ssyncadd.s32 s3;
	_ =	sdelay $0x1  }
0xa1: {  	s23 =	simm.s32 $0x1B8B  }
0xa2: {  	_ =	swait.ge [sflag:s23], $0x1  }
0xa3: {  	[sflag:s23] =	ssyncset.done $0x0  }
0xa4: {  	s25 =	simm.s32 $0x1B8E;
	s24 =	sld [smem:$0x3FFE];
	[sflag:s23] =	ssyncadd.s32 $0xFFFFFFFF  }
0xa5: {  	s26 =	simm.s32 $execute0_lowered;
	[smem:$0x3FD2] =	sst s25  }
0xa6: {  	s4 =	sshll.u32 s26, $0x1;
	_ =	strace $0x80000052;
	[dreg:$0x1] =	wrdreg $0xFFFFFFFF  }
0xa7: {  	s28 =	simm.s32 $_size_execute0_lowered;
	s2 =	sadd.s32 s2, s4;
	[dreg:$0x0] =	wrdreg $0x0  }
0xa8: {  	s4 =	sshll.u32 s28, $0x1;
	[dreg:$0x2] =	wrdreg s2  }
0xa9: {  	[dreg:$0x3] =	wrdreg s4  }
0xaa: {  	[dreg:$0x4] =	wrdreg $0xC0  }
0xab: {  	_ =	task [dreg:s6], $0x5FFFF  }
0xac: {  	[dreg:$0x1] =	wrdreg $0xFFFFFFFF  }
0xad: {  	[dreg:$0x0] =	wrdreg $0x60  }
0xae: {  	[dreg:$0x2] =	wrdreg s24  }
0xaf: {  	[dreg:$0x3] =	wrdreg $0xA  }
0xb0: {  	_ =	task.clear_ibuf [dreg:s6], $0x4FFFF;
	_ =	strace $0x90000052  }
0xb1: {  	s29 =	simm.s32 $0xA;
	_ =	strace $0x80000054  }
0xb2: {  	_ =	swait.ge [sflag:s29], $0x1  }
0xb3: {  	[sflag:s29] =	ssyncadd.s32 $0xFFFFFFFF  }
0xb4: {  	_ =	strace $0x90000054  }
0xb5: {  	_ =	sfence  }
0xb6: {  	s30 =	sld [smem:$0x0];
	_ =	sdelay $0x2  }
0xb7: {  	s31 =	sshll.u32 s1, $0xD;
	s1 =	sshrl.u32 s1, $0x2  }
0xb8: {  	s3 =	sand.u32 $0x4000, s31;
	s1 =	sadd.s32 s1, s30  }
0xb9: {  	s0 =	sor.u32 s3, s0;
	s1 =	sshll.u32 s1, $0x11  }
0xba: {  	s0 =	sor.u32 s1, s0  }
0xbb: {  	s0 =	sadd.s32 $0x8F2B, s0  }
0xbc: {  	[sflag:s0] =	ssyncadd.remote.s32 $0x1  }
0xbd: {  	_ =	sfence.sel $0xFFFF  }
0xbe: {  	[dreg:$0x0] =	wrdreg $0xFFFFFFFF;
	(pc) =	sbr.abs _section_cstart, $3  }
0xbf: {  	[dreg:$0x1] =	wrdreg $0xFFFFFFFF  }
0xc0: {  	_ =	task.clear_ibuf [dreg:s6], $0x2FFFF;
	_ =	strace $0x9FFFFFFF  }
0xc1: {  	(tm) =	ssettm $0x7FFFFFFF  }
tec
execute0_lowered:
.L_overlay_start_1:
0x0: {  	(tag) =	ssettag $0x1  }
0x1: {  	s8 =	rddreg [dreg:$0x0]  }
0x2: {  	s0 =	rddreg [dreg:$0x1];
	_ =	strace $0x80000053;
	s1 =	stileid.u32  }
0x3: {  	s3 =	srdreg.scid;
	s4 =	simm.s32 $0x1;
	s7 =	simm.s32 $0x1  }
0x4: {  	s9 =	simm.s32 $0x1;
	s10 =	simm.s32 $0x3;
	s13 =	simm.s32 $0x0  }
0x5: {  	s12 =	simm.s32 $0x0;
	s5 =	sand.u32 $0x1, s3;
	s6 =	sshll.u32 s1, $0x1  }
0x6: {  	s2 =	sadd.s32 $0x1D800, s8;
	s3 =	sadd.s32 $0x4BE00, s8;
	s5 =	sor.u32 s6, s5  }
.Ltmp0:
0x7: {  	[sflag:s4] =	ssyncpa.u1 $0x0;
	p0 =	slt.u32 s5, $0x13;
	(pc) =	sbr.rel .LBB2_1-.Ltmp0, $4  }
0x8: {  	s6 =	simm.s32 $0x2;
	s7 =	simm.s32 @!p0 $0x0;
	p0 =	sne.s32 s5, $0x12  }
0x9: {  	[sflag:s6] =	ssyncpa.u1 $0x0;
	s5 =	smul.u32 $0x190, s5;
	s9 =	simm.s32 @!p0 $0x0  }
0xa: {  	s8 =	sadd.s32 $0x4C800, s8;
	[sflag:s10] =	ssyncpa.u1 $0x0;
	s7 =	sadd.s32 s9, s7  }
0xb: {  	vm0 =	vmmov $0xffff;
	s10 =	simm.s32 $0x0;
	s11 =	smov.u32 s5;
	s9 =	sadd.s32 $0x1, s7  }
.LBB2_4:
0xc: {  	vm1 =	veq.s32 v4, $0x80000000;
	v56 =	vand.u32 $0x1F, v4;
	v6 =	vand.u32 $0x7FFF, v6  }
0xd: {  	v2 =	vor.u32 v2, v5;
	v59 =	vshrl.u32 v1, $0x5;
	v60 =	vand.u32 $0x1F, v1  }
0xe: {  	v4 =	vsel vm1, $0xFFFFFFFF, v56;
	v6 =	vsel vm1, $0xFFFFFFFF, v6;
	v2 =	vor.u32 v3, v2  }
0xf: {  	vm1 =	veq.s32 v1, $0x80000000;
	v5 =	vand.u32 $0x7FFF, v59;
	v7 =	vshrl.u32 v4, $0x3  }
0x10: {  	v57 =	vshll.u32 v6, $0x3;
	v4 =	vshll.u32 v4, $0x7;
	v1 =	vsel vm1, $0xFFFFFFFF, v60  }
0x11: {  	v5 =	vsel vm1, $0xFFFFFFFF, v5;
	v6 =	vand.u32 $0x7F, v6;
	v7 =	vmul.u32 $0x27400, v7  }
0x12: {  	v58 =	vand.u32 $0xFFFFFC00, v57;
	v4 =	vand.u32 $0x380, v4;
	v61 =	vshrl.u32 v1, $0x3  }
0x13: {  	v62 =	vshll.u32 v5, $0x3;
	v3 =	vadd.s32 v7, v58;
	v7 =	vmul.u32 $0x27400, v61  }
0x14: {  	v1 =	vshll.u32 v1, $0x7;
	v3 =	vor.u32 v4, v3;
	v4 =	vand.u32 $0xFFFFFC00, v62  }
0x15: {  	v1 =	vand.u32 $0x380, v1;
	v3 =	vor.u32 v6, v3;
	v4 =	vadd.s32 v7, v4  }
0x16: {  	[tilespmem:s16], [sflag:$0x1] =	stream.indirect_vreg.gather [hbm4b:s2+s10], $0x1, v0, vm0, $0x4038;
	v63 =	vand.u32 $0x7F, v5;
	v1 =	vor.u32 v1, v4;
	[tilespmem:$0x640] =	vst v63  }
0x17: {  	s15 =	sadd.s32 $0x10, s15;
	(ifvalue) =	ssetifvalue $0x7FFFFFFF;
	v0 =	vor.u32 v63, v1  }
0x18: {  	[tilespmem:s15], [sflag:$0x1] =	stream.indirect_vreg.gather [hbm4b:s2+s10], $0x1, v2, vm0, $0x4038;
	[tilespmem:$0x640] =	vst v63  }
0x19: {  	s15 =	sadd.s32 $0x10, s15;
	(ifvalue) =	ssetifvalue $0x7FFFFFFF  }
0x1a: {  	[tilespmem:s15], [sflag:$0x1] =	stream.indirect_vreg.gather [hbm4b:s2+s10], $0x1, v3, vm0, $0x4038;
	[tilespmem:$0x640] =	vst v63  }
0x1b: {  	s15 =	sadd.s32 $0x10, s15;
	(ifvalue) =	ssetifvalue $0x7FFFFFFF  }
0x1c: {  	[tilespmem:s15], [sflag:$0x1] =	stream.indirect_vreg.gather [hbm4b:s2+s10], $0x1, v0, vm0, $0x4038;
	[tilespmem:$0x640] =	vst v63  }
0x1d: {  	_ =	swait.ge [sflag:s4], $0x190  }
0x1e: {  	s30 =	sshrl.u32 s13, $0x3;
	[sflag:s4] =	ssyncset.done $0x0  }
0x1f: {  	s31 =	sand.u32 $0x7, s13;
	s15 =	sadd.s32 s8, s30;
	[sflag:s4] =	ssyncadd.s32 $0xFFFFFE70  }
0x20: {  	[hbm4b:s15+s31] =	stream.linear.scatter [tilespmem:s14], [sflag:$0x3], $0x190, $0x38;
	[tilespmem:$0x640] =	vst v63  }
.LBB2_5:
0x21: {  	s15 =	sadd.s32 $0x3200, s11  }
0x22: {  	p1 =	sgt.s32 s15, $0x4E1F  }
0x23: {  	s15 =	smov.u32 @p1 s5;
	p1 =	sne.s32 s12, s9  }
.Ltmp1:
0x24: {  	p0 =	slt.u32 s12, $0x2;
	(pc) =	sbr.rel @!p1 .LBB2_6-.Ltmp1, $4  }
0x25: {  	s14 =	simm.s32 @!p0 $0x3  }
0x26: {  	_ =	swait.ge @!p0 [sflag:s14], $0x190  }
0x27: {  	s16 =	sadd.s32 $0x1, s12;
	s13 =	smov.u32 s11;
	[sflag:s14] =	ssyncset.done @!p0 $0x0  }
0x28: {  	s12 =	smov.u32 s16;
	s11 =	smov.u32 s15;
	[sflag:s14] =	ssyncadd.s32 @!p0 $0xFFFFFE70  }
.LBB2_1:
0x29: {  	p0 =	sge.u32 s12, s7  }
0x2a: {  	s14 =	sxor.u32 @!p0 $0x1, s12  }
0x2b: {  	s14 =	smul.u32 @!p0 $0x640, s14  }
0x2c: {  	s31 =	sadd.s32 $0xFFFFFFFF, s12;
	s15 =	sshrl.u32 @!p0 s11, $0x3  }
0x2d: {  	s16 =	sand.u32 @!p0 $0x7, s11;
	s15 =	sadd.s32 @!p0 s3, s15;
	s14 =	sshra.s32 @!p0 s14, $0x2  }
0x2e: {  	[tilespmem:s14], [sflag:$0x2] =	stream.linear.gather @!p0 [hbm4b:s15+s16], $0x190, $0x38;
	[tilespmem:$0x640] =	vst v63  }
0x2f: {  	p0 =	sge.u32 s31, s7  }
.Ltmp2:
0x30: {  	_ = 	snop;
	(pc) =	sbr.rel @p0 .LBB2_5-.Ltmp2, $1  }
0x31: {  	_ =	sdelay $0x3  }
0x32: {  	s14 =	sand.u32 $0x1, s12  }
0x33: {  	_ =	swait.ge [sflag:s6], $0x190;
	p0 =	seq.s32 s14, $0x1;
	s14 =	simm.s32 $0x190  }
0x34: {  	[sflag:s6] =	ssyncset.done $0x0;
	s14 =	simm.s32 @!p0 $0x0  }
0x35: {  	[sflag:s6] =	ssyncadd.s32 $0xFFFFFE70;
	(ifvalue) =	ssetifvalue $0x7FFFFFFF;
	v0 =	vld.msk [tilespmem:s14+$0x0 ss:$0x1], $0xffff  }
0x36: {  	s15 =	sadd.s32 $0x10, s14  }
0x37: {  	v1 =	vld.msk [tilespmem:s15+$0x0 ss:$0x1], $0xffff;
	_ =	sdelay $0x2  }
0x38: {  	v2 =	vshrl.u32 v0, $0x5  }
0x39: {  	vm1 =	veq.s32 v0, $0x80000000;
	v0 =	vand.u32 $0x1F, v0;
	v2 =	vand.u32 $0x7FFF, v2  }
0x3a: {  	v0 =	vsel vm1, $0xFFFFFFFF, v0;
	v6 =	vshrl.u32 v1, $0x5;
	v2 =	vsel vm1, $0xFFFFFFFF, v2  }
0x3b: {  	v3 =	vshrl.u32 v0, $0x3;
	v0 =	vshll.u32 v0, $0x7;
	vm1 =	veq.s32 v1, $0x80000000  }
0x3c: {  	s15 =	sadd.s32 $0x10, s15;
	v1 =	vand.u32 $0x1F, v1;
	v4 =	vshll.u32 v2, $0x3;
	v3 =	vmul.u32 $0x27400, v3  }
0x3d: {  	v0 =	vand.u32 $0x380, v0;
	v7 =	vand.u32 $0x7F, v2;
	v5 =	vand.u32 $0xFFFFFC00, v4;
	v4 =	vld.msk [tilespmem:s15+$0x0 ss:$0x1], $0xffff  }
0x3e: {  	v1 =	vsel vm1, $0xFFFFFFFF, v1;
	v2 =	vadd.s32 v3, v5;
	v3 =	vand.u32 $0x7FFF, v6  }
0x3f: {  	v3 =	vsel vm1, $0xFFFFFFFF, v3;
	v0 =	vor.u32 v0, v2;
	v2 =	vshrl.u32 v1, $0x3  }
0x40: {  	v1 =	vshll.u32 v1, $0x7;
	v5 =	vshll.u32 v3, $0x3;
	v8 =	vmul.u32 $0x27400, v2  }
0x41: {  	s18 =	simm.s32 $0x30;
	s14 =	sadd.s32 $0x320, s14;
	s17 =	sadd.s32 $0x10, s15;
	v2 =	vand.u32 $0x380, v1;
	v0 =	vor.u32 v7, v0;
	v5 =	vand.u32 $0xFFFFFC00, v5  }
0x42: {  	s16 =	smov.u32 s14;
	s15 =	smov.u32 s14;
	v1 =	vld.msk [tilespmem:s17+$0x0 ss:$0x1], $0xffff;
	v3 =	vand.u32 $0x7F, v3;
	(ifvalue) =	ssetifvalue $0x7FFFFFFF;
	v6 =	vshrl.u32 v4, $0x5;
	v5 =	vadd.s32 v8, v5  }
.LBB2_3:
0x43: {  	s18 =	sadd.s32 $0x10, s18  }
0x44: {  	vm1 =	veq.s32 v4, $0x80000000;
	v4 =	vand.u32 $0x1F, v4;
	v6 =	vand.u32 $0x7FFF, v6;
	s15 =	sadd.s32 $0x10, s15;
	p0 =	slt.u32 s18, $0x180  }
.Ltmp3:
0x45: {  	v5 =	vor.u32 v2, v5;
	v4 =	vsel vm1, $0xFFFFFFFF, v4;
	v7 =	vsel vm1, $0xFFFFFFFF, v6;
	(pc) =	sbr.rel @p0 .LBB2_3-.Ltmp3, $4  }
0x46: {  	v2 =	vshrl.u32 v4, $0x3;
	v6 =	vshll.u32 v7, $0x3;
	v4 =	vshll.u32 v4, $0x7;
	[tilespmem:s16], [sflag:$0x1] =	stream.indirect_vreg.gather [hbm4b:s2+s10], $0x1, v0, vm0, $0x4038;
	[tilespmem:$0x640] =	vst v63  }
0x47: {  	v0 =	vor.u32 v3, v5;
	s16 =	smov.u32 s15;
	v8 =	vmul.u32 $0x27400, v2;
	v2 =	vand.u32 $0x380, v4  }
0x48: {  	s17 =	sadd.s32 $0x10, s17;
	v9 =	vand.u32 $0xFFFFFC00, v6  }
0x49: {  	v3 =	vand.u32 $0x7F, v7;
	v6 =	vshrl.u32 v1, $0x5;
	v5 =	vadd.s32 v8, v9;
	(ifvalue) =	ssetifvalue $0x7FFFFFFF;
	v4 =	vmovc v1;
	v1 =	vld.msk [tilespmem:s17+$0x0 ss:$0x1], $0xffff  }
.Ltmp4:
0x4a: {  	_ = 	snop;
	(pc) =	sbr.rel .LBB2_4-.Ltmp4, $1  }
0x4b: {  	_ =	sdelay $0x3  }
.LBB2_6:
0x4c: {  	_ =	sfence.sel $0x180000  }
0x4d: {  	s2 =	simm.s32 $0x2;
	[bflag:$0x0] =	sbarrier.arrive $0xFFFF  }
0x4e: {  	s30 =	simm.s32 $0x3;
	[sflag:s2] =	ssyncpa.u1 $0x1  }
0x4f: {  	s31 =	simm.s32 $0x1;
	[sflag:s30] =	ssyncpa.u1 $0x1  }
0x50: {  	[sflag:s31] =	ssyncpa.u1 $0x1  }
0x51: {  	p0 =	sne.s32 s1, $0x0;
	_ =	strace $0x90000053  }
0x52: {  	s0 =	sadd.s32 @!p0 $0x100000, s0;
	[bflag:$0x2] =	sbarrier.arrive $0xFFFF  }
0x53: {  	[sflag:s0] =	ssyncadd.tile.s32 @!p0 $0x1;
	_ =	shalt  }
.Lfunc_end2:
_tile_overlayer_lowered:
.L_overlay_start_2:
0x54: {  	(tag) =	ssettag $0x2  }
0x55: {  	s0 =	rddreg [dreg:$0x0];
	s2 =	stileid.u32  }
0x56: {  	s1 =	rddreg [dreg:$0x1];
	p0 =	sne.s32 s2, $0x0  }
0x57: {  	s3 =	rddreg [dreg:$0x2];
	[bflag:$0x3] =	sbarrier.arrive $0xFFFF;
	s2 =	simm.s32 @!p0 $0x1C01  }
0x58: {  	[timem:s3], [sflag:s2] =	dma.local @!p0 [hbm:s0], s1  }
0x59: {  	s0 =	simm.s32 @!p0 $0x1  }
0x5a: {  	_ =	swait.ge @!p0 [sflag:s0], s1  }
0x5b: {  	s1 =	ssub.s32 @!p0 $0x0, s1;
	[sflag:s0] =	ssyncset.done @!p0 $0x0  }
0x5c: {  	[sflag:s0] =	ssyncadd.s32 @!p0 s1  }
0x5d: {  	[bflag:$0x3] =	sbarrier.arrive $0xFFFF  }
0x5e: {  	_ =	shalt  }

// kernel: gather_offload_async_start.3
scs
__scs_entry_jumppad:
0x0: {  	(pc) =	sbr.rel $0x88, $3  }
0x1: {  	(tag) =	ssettag $0x0;
	lr =	simm.s32 $0x1  }
0x2: {  	[smem:$0x3F9E] =	sst lr;
	_ =	strace $0xD0000000  }
0x3: {  	_ = 	snop  }
0x4: {  	_ = 	snop  }
0x5: {  	_ = 	snop  }
0x6: {  	_ = 	snop  }
0x7: {  	_ = 	snop  }
__scs_overlays_trampoline_lowered:
0x8: {  	[smem:$0x3FAD] =	sst s0  }
0x9: {  	[smem:$0x3FAE] =	sst s1  }
0xa: {  	[smem:$0x3FAF] =	sst s2  }
0xb: {  	[smem:$0x3FB0] =	sst s3  }
0xc: {  	[smem:$0x3FB1] =	sst s4  }
0xd: {  	[smem:$0x3FB2] =	sst s5  }
0xe: {  	[smem:$0x3FB3] =	sst s6  }
0xf: {  	[smem:$0x3FB4] =	sst s7  }
0x10: {  	[smem:$0x3FB5] =	sst s8  }
0x11: {  	[smem:$0x3FB6] =	sst s9;
	s0 =	simm.s32 @!p0 $0x0  }
0x12: {  	s1 =	sld [smem:$0x3F9C];
	s0 =	simm.s32 @p0 $0x1  }
0x13: {  	[smem:$0x3FB7] =	sst s0;
	s0 =	simm.s32 @!p1 $0x0  }
0x14: {  	s2 =	sld [smem:$0x3F9B];
	s0 =	simm.s32 @p1 $0x1  }
0x15: {  	[smem:$0x3FB8] =	sst s0;
	s0 =	simm.s32 @!p2 $0x0  }
0x16: {  	s3 =	sld [smem:$0x3FDB];
	s0 =	simm.s32 @p2 $0x1  }
0x17: {  	s4 =	simm.s32 $0x1BF5;
	[smem:$0x3FBA] =	sst s0  }
0x18: {  	s0 =	sld [smem:$0x3F9D];
	_ =	swait.ge [sflag:s4], $0x0  }
0x19: {  	s7 =	sld [smem:$0x3F9E]  }
0x1a: {  	s8 =	sadd.s32 $0xFFFFE003, lr  }
0x1b: {  	s9 =	sadd.s32 $0xFFFFFEF7, lr;
	s5 =	simm.s32 $0xFFFFFFFF;
	p2 =	slt.u32 s8, $0xFFFFF086  }
0x1c: {  	p1 =	slt.u32 s9, $0xF7A;
	s5 =	simm.s32 @!p2 $0x0  }
0x1d: {  	s5 =	simm.s32 @p1 $0x1;
	p0 =	seq.s32 s7, s2  }
0x1e: {  	s7 =	smul.u32 @!p0 $0xF7A, s2;
	p2 =	seq.s32 @!p0 s5, $0x0  }
0x1f: {  	s9 =	smul.u32 $0xF7A, s1;
	s8 =	simm.s32 @!p0 $0x1BF5;
	p2 =	por !p2, p0  }
0x20: {  	[sflag:s8] =	ssyncset.s32 @!p0 $0xFFFFF086;
	s6 =	sadd.s32 @!p0 s3, s7;
	s7 =	simm.s32 @!p0 $0x108  }
0x21: {  	s3 =	sadd.s32 s3, s9;
	s6 =	sadd.s32 @!p0 $0x88, s6;
	s7 =	simm.s32 @p2 $0x1082  }
0x22: {  	[simem:s7], [sflag:s8] =	dma.local @!p0 [hbm:s6], $0xF7A  }
0x23: {  	s9 =	sor.u32 $0xD0000000, s2;
	s6 =	simm.s32 $0x108;
	_ =	swait.ge @!p0 [sflag:s8], $0x0  }
0x24: {  	s3 =	sadd.s32 $0x88, s3;
	s6 =	simm.s32 @!p1 $0x1082;
	[sflag:s4] =	ssyncset.s32 $0xFFFFF086  }
0x25: {  	[simem:s6], [sflag:s4] =	dma.local [hbm:s3], $0xF7A  }
0x26: {  	[smem:$0x3F9E] =	sst s1;
	(tag) =	ssettag s2;
	_ =	strace s9  }
0x27: {  	s1 =	sld [smem:$0x3FAE]  }
0x28: {  	s2 =	sld [smem:$0x3FAF]  }
0x29: {  	s4 =	sld [smem:$0x3FB1]  }
0x2a: {  	p0 =	seq.s32 s5, $0x0;
	s5 =	sld [smem:$0x3FB2]  }
0x2b: {  	s6 =	sld [smem:$0x3FB3]  }
0x2c: {  	s7 =	sld [smem:$0x3FB4]  }
0x2d: {  	s3 =	simm.s32 $0x108;
	s8 =	sld [smem:$0x3FB5]  }
0x2e: {  	s3 =	simm.s32 @!p0 $0x1082;
	s9 =	sld [smem:$0x3FB6]  }
0x2f: {  	lr =	sadd.s32 s0, s3;
	s0 =	sld [smem:$0x3FAD]  }
0x30: {  	s3 =	sld [smem:$0x3FB0]  }
0x31: {  	[smem:$0x3FB9] =	sst s10  }
0x32: {  	s10 =	sld [smem:$0x3FB7];
	_ =	sdelay $0x3  }
0x33: {  	p0 =	seq.s32 s10, $0x1;
	s10 =	sld [smem:$0x3FB9];
	_ =	sdelay $0x3  }
0x34: {  	[smem:$0x3FB9] =	sst s10  }
0x35: {  	s10 =	sld [smem:$0x3FB8];
	_ =	sdelay $0x3  }
0x36: {  	p1 =	seq.s32 s10, $0x1;
	s10 =	sld [smem:$0x3FB9];
	_ =	sdelay $0x3  }
0x37: {  	[smem:$0x3FB9] =	sst s10  }
0x38: {  	s10 =	sld [smem:$0x3FBA]  }
0x39: {  	_ = 	snop;
	(pc) =	sbr.ind lr, $3  }
0x3a: {  	_ = 	snop  }
0x3b: {  	_ = 	snop  }
0x3c: {  	p2 =	seq.s32 s10, $0x1;
	s10 =	sld [smem:$0x3FB9]  }
0x3d: {  	_ =	shalt  }
0x3e: {  	_ =	shalt  }
0x3f: {  	_ =	shalt  }
0x40: {  	_ =	shalt  }
0x41: {  	_ =	shalt  }
0x42: {  	_ =	shalt  }
0x43: {  	_ =	shalt  }
0x44: {  	_ =	shalt  }
0x45: {  	_ =	shalt  }
0x46: {  	_ =	shalt  }
0x47: {  	_ =	shalt  }
0x48: {  	_ =	shalt  }
0x49: {  	_ =	shalt  }
0x4a: {  	_ =	shalt  }
0x4b: {  	_ =	shalt  }
0x4c: {  	_ =	shalt  }
0x4d: {  	_ =	shalt  }
0x4e: {  	_ =	shalt  }
0x4f: {  	_ =	shalt  }
0x50: {  	_ =	shalt  }
0x51: {  	_ =	shalt  }
0x52: {  	_ =	shalt  }
0x53: {  	_ =	shalt  }
0x54: {  	_ =	shalt  }
0x55: {  	_ =	shalt  }
0x56: {  	_ =	shalt  }
0x57: {  	_ =	shalt  }
0x58: {  	_ =	shalt  }
0x59: {  	_ =	shalt  }
0x5a: {  	_ =	shalt  }
0x5b: {  	_ =	shalt  }
0x5c: {  	_ =	shalt  }
0x5d: {  	_ =	shalt  }
0x5e: {  	_ =	shalt  }
0x5f: {  	_ =	shalt  }
0x60: {  	_ =	shalt  }
0x61: {  	_ =	shalt  }
0x62: {  	_ =	shalt  }
0x63: {  	_ =	shalt  }
0x64: {  	_ =	shalt  }
0x65: {  	_ =	shalt  }
0x66: {  	_ =	shalt  }
0x67: {  	_ =	shalt  }
0x68: {  	_ =	shalt  }
0x69: {  	_ =	shalt  }
0x6a: {  	_ =	shalt  }
0x6b: {  	_ =	shalt  }
0x6c: {  	_ =	shalt  }
0x6d: {  	_ =	shalt  }
0x6e: {  	_ =	shalt  }
0x6f: {  	_ =	shalt  }
0x70: {  	_ =	shalt  }
0x71: {  	_ =	shalt  }
0x72: {  	_ =	shalt  }
0x73: {  	_ =	shalt  }
0x74: {  	_ =	shalt  }
0x75: {  	_ =	shalt  }
0x76: {  	_ =	shalt  }
0x77: {  	_ =	shalt  }
0x78: {  	_ =	shalt  }
0x79: {  	_ =	shalt  }
0x7a: {  	_ =	shalt  }
0x7b: {  	_ =	shalt  }
0x7c: {  	_ =	shalt  }
0x7d: {  	_ =	shalt  }
0x7e: {  	_ =	shalt  }
0x7f: {  	_ =	shalt  }
0x80: {  	_ =	shalt  }
0x81: {  	_ =	shalt  }
0x82: {  	_ =	shalt  }
0x83: {  	_ =	shalt  }
0x84: {  	_ =	shalt  }
0x85: {  	_ =	shalt  }
0x86: {  	_ =	shalt  }
0x87: {  	_ =	shalt  }
.Lfunc_end0:
.L_simem_size_0:
called_computation.3_lowered:
.L_overlay_start_0:
0x88: {  	s2 =	sld [smem:$0x3FD9]  }
0x89: {  	s3 =	sld [smem:$0x3FFE];
	_ =	sdelay $0x1  }
0x8a: {  	s1 =	srdreg.scid  }
0x8b: {  	s0 =	sand.u32 $0x1, s1  }
0x8c: {  	s16 =	sshll.u32 s0, $0xA;
	s2 =	sadd.s32 s3, s2  }
0x8d: {  	s2 =	sadd.s32 s2, s16  }
0x8e: {  	[smem:$0x3FC5] =	sst s2  }
0x8f: {  	_ = 	snop  }
0x90: {  	(tm) =	ssettm $0x1  }
0x91: {  	s17 =	sld [smem:$0x3FFB];
	_ =	sdelay $0x3  }
0x92: {  	_ =	strace s17  }
0x93: {  	s2 =	sld [smem:$0x3FFC];
	_ =	sdelay $0x3  }
0x94: {  	_ =	strace s2  }
0x95: {  	s2 =	sld [smem:$0x3FFD];
	_ =	sdelay $0x3  }
0x96: {  	_ =	strace s2  }
0x97: {  	_ =	strace $0x8FFFFFFF  }
0x98: {  	s18 =	sld [smem:$0x3FDB];
	_ =	sdelay $0x1  }
0x99: {  	s19 =	simm.s32 $_scs_section_size  }
0x9a: {  	s4 =	simm.s32 $_size__tile_overlayer_lowered;
	s5 =	simm.s32 $_tile_overlayer_lowered  }
0x9b: {  	s22 =	simm.s32 $0x1BFF;
	s21 =	sshll.u32 s5, $0x1;
	s2 =	sadd.s32 s19, s18  }
0x9c: {  	s6 =	simm.s32 $0x0;
	s20 =	sshll.u32 s4, $0x1;
	s4 =	sadd.s32 s21, s2  }
0x9d: {  	[timem:s6], [sflag:s22] =	dma.local [hbm:s4], s20  }
0x9e: {  	_ =	swait.ge [sflag:s22], s20  }
0x9f: {  	s3 =	ssub.s32 $0x0, s20;
	[sflag:s22] =	ssyncset.done $0x0  }
0xa0: {  	[sflag:s22] =	ssyncadd.s32 s3;
	_ =	sdelay $0x1  }
0xa1: {  	s23 =	simm.s32 $0x1B8B  }
0xa2: {  	_ =	swait.ge [sflag:s23], $0x1  }
0xa3: {  	[sflag:s23] =	ssyncset.done $0x0  }
0xa4: {  	s25 =	simm.s32 $0x1B8E;
	s24 =	sld [smem:$0x3FFE];
	[sflag:s23] =	ssyncadd.s32 $0xFFFFFFFF  }
0xa5: {  	s26 =	simm.s32 $execute0_lowered;
	[smem:$0x3FD2] =	sst s25  }
0xa6: {  	s4 =	sshll.u32 s26, $0x1;
	_ =	strace $0x8000004F;
	[dreg:$0x1] =	wrdreg $0xFFFFFFFF  }
0xa7: {  	s28 =	simm.s32 $_size_execute0_lowered;
	s2 =	sadd.s32 s2, s4;
	[dreg:$0x0] =	wrdreg $0x0  }
0xa8: {  	s4 =	sshll.u32 s28, $0x1;
	[dreg:$0x2] =	wrdreg s2  }
0xa9: {  	[dreg:$0x3] =	wrdreg s4  }
0xaa: {  	[dreg:$0x4] =	wrdreg $0xC0  }
0xab: {  	_ =	task [dreg:s6], $0x5FFFF  }
0xac: {  	[dreg:$0x1] =	wrdreg $0xFFFFFFFF  }
0xad: {  	[dreg:$0x0] =	wrdreg $0x60  }
0xae: {  	[dreg:$0x2] =	wrdreg s24  }
0xaf: {  	[dreg:$0x3] =	wrdreg $0x9  }
0xb0: {  	_ =	task.clear_ibuf [dreg:s6], $0x4FFFF;
	_ =	strace $0x9000004F  }
0xb1: {  	s29 =	simm.s32 $0x9;
	_ =	strace $0x80000051  }
0xb2: {  	_ =	swait.ge [sflag:s29], $0x1  }
0xb3: {  	[sflag:s29] =	ssyncadd.s32 $0xFFFFFFFF  }
0xb4: {  	_ =	strace $0x90000051  }
0xb5: {  	_ =	sfence  }
0xb6: {  	s30 =	sld [smem:$0x0];
	_ =	sdelay $0x2  }
0xb7: {  	s31 =	sshll.u32 s1, $0xD;
	s1 =	sshrl.u32 s1, $0x2  }
0xb8: {  	s3 =	sand.u32 $0x4000, s31;
	s1 =	sadd.s32 s1, s30  }
0xb9: {  	s0 =	sor.u32 s3, s0;
	s1 =	sshll.u32 s1, $0x11  }
0xba: {  	s0 =	sor.u32 s1, s0  }
0xbb: {  	s0 =	sadd.s32 $0x8F2B, s0  }
0xbc: {  	[sflag:s0] =	ssyncadd.remote.s32 $0x1  }
0xbd: {  	_ =	sfence.sel $0xFFFF  }
0xbe: {  	[dreg:$0x0] =	wrdreg $0xFFFFFFFF;
	(pc) =	sbr.abs _section_cstart, $3  }
0xbf: {  	[dreg:$0x1] =	wrdreg $0xFFFFFFFF  }
0xc0: {  	_ =	task.clear_ibuf [dreg:s6], $0x2FFFF;
	_ =	strace $0x9FFFFFFF  }
0xc1: {  	(tm) =	ssettm $0x7FFFFFFF  }
tec
execute0_lowered:
.L_overlay_start_1:
0x0: {  	(tag) =	ssettag $0x1  }
0x1: {  	s8 =	rddreg [dreg:$0x0]  }
0x2: {  	s0 =	rddreg [dreg:$0x1];
	_ =	strace $0x80000050;
	s1 =	stileid.u32  }
0x3: {  	s3 =	srdreg.scid;
	s4 =	simm.s32 $0x1;
	s7 =	simm.s32 $0x1  }
0x4: {  	s9 =	simm.s32 $0x1;
	s10 =	simm.s32 $0x3;
	s13 =	simm.s32 $0x0  }
0x5: {  	s12 =	simm.s32 $0x0;
	s5 =	sand.u32 $0x1, s3;
	s6 =	sshll.u32 s1, $0x1  }
0x6: {  	s2 =	sadd.s32 $0x2C400, s8;
	s3 =	sadd.s32 $0x4BE00, s8;
	s5 =	sor.u32 s6, s5  }
.Ltmp0:
0x7: {  	[sflag:s4] =	ssyncpa.u1 $0x0;
	p0 =	slt.u32 s5, $0x13;
	(pc) =	sbr.rel .LBB2_1-.Ltmp0, $4  }
0x8: {  	s6 =	simm.s32 $0x2;
	s7 =	simm.s32 @!p0 $0x0;
	p0 =	sne.s32 s5, $0x12  }
0x9: {  	[sflag:s6] =	ssyncpa.u1 $0x0;
	s5 =	smul.u32 $0x190, s5;
	s9 =	simm.s32 @!p0 $0x0  }
0xa: {  	s8 =	sadd.s32 $0x4C800, s8;
	[sflag:s10] =	ssyncpa.u1 $0x0;
	s7 =	sadd.s32 s9, s7  }
0xb: {  	vm0 =	vmmov $0xffff;
	s10 =	simm.s32 $0x0;
	s11 =	smov.u32 s5;
	s9 =	sadd.s32 $0x1, s7  }
.LBB2_4:
0xc: {  	vm1 =	veq.s32 v4, $0x80000000;
	v56 =	vand.u32 $0x1F, v4;
	v6 =	vand.u32 $0x7FFF, v6  }
0xd: {  	v2 =	vor.u32 v2, v5;
	v59 =	vshrl.u32 v1, $0x5;
	v60 =	vand.u32 $0x1F, v1  }
0xe: {  	v4 =	vsel vm1, $0xFFFFFFFF, v56;
	v6 =	vsel vm1, $0xFFFFFFFF, v6;
	v2 =	vor.u32 v3, v2  }
0xf: {  	vm1 =	veq.s32 v1, $0x80000000;
	v5 =	vand.u32 $0x7FFF, v59;
	v7 =	vshrl.u32 v4, $0x3  }
0x10: {  	v57 =	vshll.u32 v6, $0x3;
	v4 =	vshll.u32 v4, $0x7;
	v1 =	vsel vm1, $0xFFFFFFFF, v60  }
0x11: {  	v5 =	vsel vm1, $0xFFFFFFFF, v5;
	v6 =	vand.u32 $0x7F, v6;
	v7 =	vmul.u32 $0x27400, v7  }
0x12: {  	v58 =	vand.u32 $0xFFFFFC00, v57;
	v4 =	vand.u32 $0x380, v4;
	v61 =	vshrl.u32 v1, $0x3  }
0x13: {  	v62 =	vshll.u32 v5, $0x3;
	v3 =	vadd.s32 v7, v58;
	v7 =	vmul.u32 $0x27400, v61  }
0x14: {  	v1 =	vshll.u32 v1, $0x7;
	v3 =	vor.u32 v4, v3;
	v4 =	vand.u32 $0xFFFFFC00, v62  }
0x15: {  	v1 =	vand.u32 $0x380, v1;
	v3 =	vor.u32 v6, v3;
	v4 =	vadd.s32 v7, v4  }
0x16: {  	[tilespmem:s16], [sflag:$0x1] =	stream.indirect_vreg.gather [hbm4b:s2+s10], $0x1, v0, vm0, $0x4038;
	v63 =	vand.u32 $0x7F, v5;
	v1 =	vor.u32 v1, v4;
	[tilespmem:$0x640] =	vst v63  }
0x17: {  	s15 =	sadd.s32 $0x10, s15;
	(ifvalue) =	ssetifvalue $0x7FFFFFFF;
	v0 =	vor.u32 v63, v1  }
0x18: {  	[tilespmem:s15], [sflag:$0x1] =	stream.indirect_vreg.gather [hbm4b:s2+s10], $0x1, v2, vm0, $0x4038;
	[tilespmem:$0x640] =	vst v63  }
0x19: {  	s15 =	sadd.s32 $0x10, s15;
	(ifvalue) =	ssetifvalue $0x7FFFFFFF  }
0x1a: {  	[tilespmem:s15], [sflag:$0x1] =	stream.indirect_vreg.gather [hbm4b:s2+s10], $0x1, v3, vm0, $0x4038;
	[tilespmem:$0x640] =	vst v63  }
0x1b: {  	s15 =	sadd.s32 $0x10, s15;
	(ifvalue) =	ssetifvalue $0x7FFFFFFF  }
0x1c: {  	[tilespmem:s15], [sflag:$0x1] =	stream.indirect_vreg.gather [hbm4b:s2+s10], $0x1, v0, vm0, $0x4038;
	[tilespmem:$0x640] =	vst v63  }
0x1d: {  	_ =	swait.ge [sflag:s4], $0x190  }
0x1e: {  	s30 =	sshrl.u32 s13, $0x3;
	[sflag:s4] =	ssyncset.done $0x0  }
0x1f: {  	s31 =	sand.u32 $0x7, s13;
	s15 =	sadd.s32 s8, s30;
	[sflag:s4] =	ssyncadd.s32 $0xFFFFFE70  }
0x20: {  	[hbm4b:s15+s31] =	stream.linear.scatter [tilespmem:s14], [sflag:$0x3], $0x190, $0x38;
	[tilespmem:$0x640] =	vst v63  }
.LBB2_5:
0x21: {  	s15 =	sadd.s32 $0x3200, s11  }
0x22: {  	p1 =	sgt.s32 s15, $0x4E1F  }
0x23: {  	s15 =	smov.u32 @p1 s5;
	p1 =	sne.s32 s12, s9  }
.Ltmp1:
0x24: {  	p0 =	slt.u32 s12, $0x2;
	(pc) =	sbr.rel @!p1 .LBB2_6-.Ltmp1, $4  }
0x25: {  	s14 =	simm.s32 @!p0 $0x3  }
0x26: {  	_ =	swait.ge @!p0 [sflag:s14], $0x190  }
0x27: {  	s16 =	sadd.s32 $0x1, s12;
	s13 =	smov.u32 s11;
	[sflag:s14] =	ssyncset.done @!p0 $0x0  }
0x28: {  	s12 =	smov.u32 s16;
	s11 =	smov.u32 s15;
	[sflag:s14] =	ssyncadd.s32 @!p0 $0xFFFFFE70  }
.LBB2_1:
0x29: {  	p0 =	sge.u32 s12, s7  }
0x2a: {  	s14 =	sxor.u32 @!p0 $0x1, s12  }
0x2b: {  	s14 =	smul.u32 @!p0 $0x640, s14  }
0x2c: {  	s31 =	sadd.s32 $0xFFFFFFFF, s12;
	s15 =	sshrl.u32 @!p0 s11, $0x3  }
0x2d: {  	s16 =	sand.u32 @!p0 $0x7, s11;
	s15 =	sadd.s32 @!p0 s3, s15;
	s14 =	sshra.s32 @!p0 s14, $0x2  }
0x2e: {  	[tilespmem:s14], [sflag:$0x2] =	stream.linear.gather @!p0 [hbm4b:s15+s16], $0x190, $0x38;
	[tilespmem:$0x640] =	vst v63  }
0x2f: {  	p0 =	sge.u32 s31, s7  }
.Ltmp2:
0x30: {  	_ = 	snop;
	(pc) =	sbr.rel @p0 .LBB2_5-.Ltmp2, $1  }
0x31: {  	_ =	sdelay $0x3  }
0x32: {  	s14 =	sand.u32 $0x1, s12  }
0x33: {  	_ =	swait.ge [sflag:s6], $0x190;
	p0 =	seq.s32 s14, $0x1;
	s14 =	simm.s32 $0x190  }
0x34: {  	[sflag:s6] =	ssyncset.done $0x0;
	s14 =	simm.s32 @!p0 $0x0  }
0x35: {  	[sflag:s6] =	ssyncadd.s32 $0xFFFFFE70;
	(ifvalue) =	ssetifvalue $0x7FFFFFFF;
	v0 =	vld.msk [tilespmem:s14+$0x0 ss:$0x1], $0xffff  }
0x36: {  	s15 =	sadd.s32 $0x10, s14  }
0x37: {  	v1 =	vld.msk [tilespmem:s15+$0x0 ss:$0x1], $0xffff;
	_ =	sdelay $0x2  }
0x38: {  	v2 =	vshrl.u32 v0, $0x5  }
0x39: {  	vm1 =	veq.s32 v0, $0x80000000;
	v0 =	vand.u32 $0x1F, v0;
	v2 =	vand.u32 $0x7FFF, v2  }
0x3a: {  	v0 =	vsel vm1, $0xFFFFFFFF, v0;
	v6 =	vshrl.u32 v1, $0x5;
	v2 =	vsel vm1, $0xFFFFFFFF, v2  }
0x3b: {  	v3 =	vshrl.u32 v0, $0x3;
	v0 =	vshll.u32 v0, $0x7;
	vm1 =	veq.s32 v1, $0x80000000  }
0x3c: {  	s15 =	sadd.s32 $0x10, s15;
	v1 =	vand.u32 $0x1F, v1;
	v4 =	vshll.u32 v2, $0x3;
	v3 =	vmul.u32 $0x27400, v3  }
0x3d: {  	v0 =	vand.u32 $0x380, v0;
	v7 =	vand.u32 $0x7F, v2;
	v5 =	vand.u32 $0xFFFFFC00, v4;
	v4 =	vld.msk [tilespmem:s15+$0x0 ss:$0x1], $0xffff  }
0x3e: {  	v1 =	vsel vm1, $0xFFFFFFFF, v1;
	v2 =	vadd.s32 v3, v5;
	v3 =	vand.u32 $0x7FFF, v6  }
0x3f: {  	v3 =	vsel vm1, $0xFFFFFFFF, v3;
	v0 =	vor.u32 v0, v2;
	v2 =	vshrl.u32 v1, $0x3  }
0x40: {  	v1 =	vshll.u32 v1, $0x7;
	v5 =	vshll.u32 v3, $0x3;
	v8 =	vmul.u32 $0x27400, v2  }
0x41: {  	s18 =	simm.s32 $0x30;
	s14 =	sadd.s32 $0x320, s14;
	s17 =	sadd.s32 $0x10, s15;
	v2 =	vand.u32 $0x380, v1;
	v0 =	vor.u32 v7, v0;
	v5 =	vand.u32 $0xFFFFFC00, v5  }
0x42: {  	s16 =	smov.u32 s14;
	s15 =	smov.u32 s14;
	v1 =	vld.msk [tilespmem:s17+$0x0 ss:$0x1], $0xffff;
	v3 =	vand.u32 $0x7F, v3;
	(ifvalue) =	ssetifvalue $0x7FFFFFFF;
	v6 =	vshrl.u32 v4, $0x5;
	v5 =	vadd.s32 v8, v5  }
.LBB2_3:
0x43: {  	s18 =	sadd.s32 $0x10, s18  }
0x44: {  	vm1 =	veq.s32 v4, $0x80000000;
	v4 =	vand.u32 $0x1F, v4;
	v6 =	vand.u32 $0x7FFF, v6;
	s15 =	sadd.s32 $0x10, s15;
	p0 =	slt.u32 s18, $0x180  }
.Ltmp3:
0x45: {  	v5 =	vor.u32 v2, v5;
	v4 =	vsel vm1, $0xFFFFFFFF, v4;
	v7 =	vsel vm1, $0xFFFFFFFF, v6;
	(pc) =	sbr.rel @p0 .LBB2_3-.Ltmp3, $4  }
0x46: {  	v2 =	vshrl.u32 v4, $0x3;
	v6 =	vshll.u32 v7, $0x3;
	v4 =	vshll.u32 v4, $0x7;
	[tilespmem:s16], [sflag:$0x1] =	stream.indirect_vreg.gather [hbm4b:s2+s10], $0x1, v0, vm0, $0x4038;
	[tilespmem:$0x640] =	vst v63  }
0x47: {  	v0 =	vor.u32 v3, v5;
	s16 =	smov.u32 s15;
	v8 =	vmul.u32 $0x27400, v2;
	v2 =	vand.u32 $0x380, v4  }
0x48: {  	s17 =	sadd.s32 $0x10, s17;
	v9 =	vand.u32 $0xFFFFFC00, v6  }
0x49: {  	v3 =	vand.u32 $0x7F, v7;
	v6 =	vshrl.u32 v1, $0x5;
	v5 =	vadd.s32 v8, v9;
	(ifvalue) =	ssetifvalue $0x7FFFFFFF;
	v4 =	vmovc v1;
	v1 =	vld.msk [tilespmem:s17+$0x0 ss:$0x1], $0xffff  }
.Ltmp4:
0x4a: {  	_ = 	snop;
	(pc) =	sbr.rel .LBB2_4-.Ltmp4, $1  }
0x4b: {  	_ =	sdelay $0x3  }
.LBB2_6:
0x4c: {  	_ =	sfence.sel $0x180000  }
0x4d: {  	s2 =	simm.s32 $0x2;
	[bflag:$0x0] =	sbarrier.arrive $0xFFFF  }
0x4e: {  	s30 =	simm.s32 $0x3;
	[sflag:s2] =	ssyncpa.u1 $0x1  }
0x4f: {  	s31 =	simm.s32 $0x1;
	[sflag:s30] =	ssyncpa.u1 $0x1  }
0x50: {  	[sflag:s31] =	ssyncpa.u1 $0x1  }
0x51: {  	p0 =	sne.s32 s1, $0x0;
	_ =	strace $0x90000050  }
0x52: {  	s0 =	sadd.s32 @!p0 $0x100000, s0;
	[bflag:$0x2] =	sbarrier.arrive $0xFFFF  }
0x53: {  	[sflag:s0] =	ssyncadd.tile.s32 @!p0 $0x1;
	_ =	shalt  }
.Lfunc_end2:
_tile_overlayer_lowered:
.L_overlay_start_2:
0x54: {  	(tag) =	ssettag $0x2  }
0x55: {  	s0 =	rddreg [dreg:$0x0];
	s2 =	stileid.u32  }
0x56: {  	s1 =	rddreg [dreg:$0x1];
	p0 =	sne.s32 s2, $0x0  }
0x57: {  	s3 =	rddreg [dreg:$0x2];
	[bflag:$0x3] =	sbarrier.arrive $0xFFFF;
	s2 =	simm.s32 @!p0 $0x1C01  }
0x58: {  	[timem:s3], [sflag:s2] =	dma.local @!p0 [hbm:s0], s1  }
0x59: {  	s0 =	simm.s32 @!p0 $0x1  }
0x5a: {  	_ =	swait.ge @!p0 [sflag:s0], s1  }
0x5b: {  	s1 =	ssub.s32 @!p0 $0x0, s1;
	[sflag:s0] =	ssyncset.done @!p0 $0x0  }
0x5c: {  	[sflag:s0] =	ssyncadd.s32 @!p0 s1  }
0x5d: {  	[bflag:$0x3] =	sbarrier.arrive $0xFFFF  }
0x5e: {  	_ =	shalt  }

// kernel: gather_offload_async_start.4
scs
__scs_entry_jumppad:
0x0: {  	(pc) =	sbr.rel $0x88, $3  }
0x1: {  	(tag) =	ssettag $0x0;
	lr =	simm.s32 $0x1  }
0x2: {  	[smem:$0x3F9E] =	sst lr;
	_ =	strace $0xD0000000  }
0x3: {  	_ = 	snop  }
0x4: {  	_ = 	snop  }
0x5: {  	_ = 	snop  }
0x6: {  	_ = 	snop  }
0x7: {  	_ = 	snop  }
__scs_overlays_trampoline_lowered:
0x8: {  	[smem:$0x3FAD] =	sst s0  }
0x9: {  	[smem:$0x3FAE] =	sst s1  }
0xa: {  	[smem:$0x3FAF] =	sst s2  }
0xb: {  	[smem:$0x3FB0] =	sst s3  }
0xc: {  	[smem:$0x3FB1] =	sst s4  }
0xd: {  	[smem:$0x3FB2] =	sst s5  }
0xe: {  	[smem:$0x3FB3] =	sst s6  }
0xf: {  	[smem:$0x3FB4] =	sst s7  }
0x10: {  	[smem:$0x3FB5] =	sst s8  }
0x11: {  	[smem:$0x3FB6] =	sst s9;
	s0 =	simm.s32 @!p0 $0x0  }
0x12: {  	s1 =	sld [smem:$0x3F9C];
	s0 =	simm.s32 @p0 $0x1  }
0x13: {  	[smem:$0x3FB7] =	sst s0;
	s0 =	simm.s32 @!p1 $0x0  }
0x14: {  	s2 =	sld [smem:$0x3F9B];
	s0 =	simm.s32 @p1 $0x1  }
0x15: {  	[smem:$0x3FB8] =	sst s0;
	s0 =	simm.s32 @!p2 $0x0  }
0x16: {  	s3 =	sld [smem:$0x3FDB];
	s0 =	simm.s32 @p2 $0x1  }
0x17: {  	s4 =	simm.s32 $0x1BF5;
	[smem:$0x3FBA] =	sst s0  }
0x18: {  	s0 =	sld [smem:$0x3F9D];
	_ =	swait.ge [sflag:s4], $0x0  }
0x19: {  	s7 =	sld [smem:$0x3F9E]  }
0x1a: {  	s8 =	sadd.s32 $0xFFFFE003, lr  }
0x1b: {  	s9 =	sadd.s32 $0xFFFFFEF7, lr;
	s5 =	simm.s32 $0xFFFFFFFF;
	p2 =	slt.u32 s8, $0xFFFFF086  }
0x1c: {  	p1 =	slt.u32 s9, $0xF7A;
	s5 =	simm.s32 @!p2 $0x0  }
0x1d: {  	s5 =	simm.s32 @p1 $0x1;
	p0 =	seq.s32 s7, s2  }
0x1e: {  	s7 =	smul.u32 @!p0 $0xF7A, s2;
	p2 =	seq.s32 @!p0 s5, $0x0  }
0x1f: {  	s9 =	smul.u32 $0xF7A, s1;
	s8 =	simm.s32 @!p0 $0x1BF5;
	p2 =	por !p2, p0  }
0x20: {  	[sflag:s8] =	ssyncset.s32 @!p0 $0xFFFFF086;
	s6 =	sadd.s32 @!p0 s3, s7;
	s7 =	simm.s32 @!p0 $0x108  }
0x21: {  	s3 =	sadd.s32 s3, s9;
	s6 =	sadd.s32 @!p0 $0x88, s6;
	s7 =	simm.s32 @p2 $0x1082  }
0x22: {  	[simem:s7], [sflag:s8] =	dma.local @!p0 [hbm:s6], $0xF7A  }
0x23: {  	s9 =	sor.u32 $0xD0000000, s2;
	s6 =	simm.s32 $0x108;
	_ =	swait.ge @!p0 [sflag:s8], $0x0  }
0x24: {  	s3 =	sadd.s32 $0x88, s3;
	s6 =	simm.s32 @!p1 $0x1082;
	[sflag:s4] =	ssyncset.s32 $0xFFFFF086  }
0x25: {  	[simem:s6], [sflag:s4] =	dma.local [hbm:s3], $0xF7A  }
0x26: {  	[smem:$0x3F9E] =	sst s1;
	(tag) =	ssettag s2;
	_ =	strace s9  }
0x27: {  	s1 =	sld [smem:$0x3FAE]  }
0x28: {  	s2 =	sld [smem:$0x3FAF]  }
0x29: {  	s4 =	sld [smem:$0x3FB1]  }
0x2a: {  	p0 =	seq.s32 s5, $0x0;
	s5 =	sld [smem:$0x3FB2]  }
0x2b: {  	s6 =	sld [smem:$0x3FB3]  }
0x2c: {  	s7 =	sld [smem:$0x3FB4]  }
0x2d: {  	s3 =	simm.s32 $0x108;
	s8 =	sld [smem:$0x3FB5]  }
0x2e: {  	s3 =	simm.s32 @!p0 $0x1082;
	s9 =	sld [smem:$0x3FB6]  }
0x2f: {  	lr =	sadd.s32 s0, s3;
	s0 =	sld [smem:$0x3FAD]  }
0x30: {  	s3 =	sld [smem:$0x3FB0]  }
0x31: {  	[smem:$0x3FB9] =	sst s10  }
0x32: {  	s10 =	sld [smem:$0x3FB7];
	_ =	sdelay $0x3  }
0x33: {  	p0 =	seq.s32 s10, $0x1;
	s10 =	sld [smem:$0x3FB9];
	_ =	sdelay $0x3  }
0x34: {  	[smem:$0x3FB9] =	sst s10  }
0x35: {  	s10 =	sld [smem:$0x3FB8];
	_ =	sdelay $0x3  }
0x36: {  	p1 =	seq.s32 s10, $0x1;
	s10 =	sld [smem:$0x3FB9];
	_ =	sdelay $0x3  }
0x37: {  	[smem:$0x3FB9] =	sst s10  }
0x38: {  	s10 =	sld [smem:$0x3FBA]  }
0x39: {  	_ = 	snop;
	(pc) =	sbr.ind lr, $3  }
0x3a: {  	_ = 	snop  }
0x3b: {  	_ = 	snop  }
0x3c: {  	p2 =	seq.s32 s10, $0x1;
	s10 =	sld [smem:$0x3FB9]  }
0x3d: {  	_ =	shalt  }
0x3e: {  	_ =	shalt  }
0x3f: {  	_ =	shalt  }
0x40: {  	_ =	shalt  }
0x41: {  	_ =	shalt  }
0x42: {  	_ =	shalt  }
0x43: {  	_ =	shalt  }
0x44: {  	_ =	shalt  }
0x45: {  	_ =	shalt  }
0x46: {  	_ =	shalt  }
0x47: {  	_ =	shalt  }
0x48: {  	_ =	shalt  }
0x49: {  	_ =	shalt  }
0x4a: {  	_ =	shalt  }
0x4b: {  	_ =	shalt  }
0x4c: {  	_ =	shalt  }
0x4d: {  	_ =	shalt  }
0x4e: {  	_ =	shalt  }
0x4f: {  	_ =	shalt  }
0x50: {  	_ =	shalt  }
0x51: {  	_ =	shalt  }
0x52: {  	_ =	shalt  }
0x53: {  	_ =	shalt  }
0x54: {  	_ =	shalt  }
0x55: {  	_ =	shalt  }
0x56: {  	_ =	shalt  }
0x57: {  	_ =	shalt  }
0x58: {  	_ =	shalt  }
0x59: {  	_ =	shalt  }
0x5a: {  	_ =	shalt  }
0x5b: {  	_ =	shalt  }
0x5c: {  	_ =	shalt  }
0x5d: {  	_ =	shalt  }
0x5e: {  	_ =	shalt  }
0x5f: {  	_ =	shalt  }
0x60: {  	_ =	shalt  }
0x61: {  	_ =	shalt  }
0x62: {  	_ =	shalt  }
0x63: {  	_ =	shalt  }
0x64: {  	_ =	shalt  }
0x65: {  	_ =	shalt  }
0x66: {  	_ =	shalt  }
0x67: {  	_ =	shalt  }
0x68: {  	_ =	shalt  }
0x69: {  	_ =	shalt  }
0x6a: {  	_ =	shalt  }
0x6b: {  	_ =	shalt  }
0x6c: {  	_ =	shalt  }
0x6d: {  	_ =	shalt  }
0x6e: {  	_ =	shalt  }
0x6f: {  	_ =	shalt  }
0x70: {  	_ =	shalt  }
0x71: {  	_ =	shalt  }
0x72: {  	_ =	shalt  }
0x73: {  	_ =	shalt  }
0x74: {  	_ =	shalt  }
0x75: {  	_ =	shalt  }
0x76: {  	_ =	shalt  }
0x77: {  	_ =	shalt  }
0x78: {  	_ =	shalt  }
0x79: {  	_ =	shalt  }
0x7a: {  	_ =	shalt  }
0x7b: {  	_ =	shalt  }
0x7c: {  	_ =	shalt  }
0x7d: {  	_ =	shalt  }
0x7e: {  	_ =	shalt  }
0x7f: {  	_ =	shalt  }
0x80: {  	_ =	shalt  }
0x81: {  	_ =	shalt  }
0x82: {  	_ =	shalt  }
0x83: {  	_ =	shalt  }
0x84: {  	_ =	shalt  }
0x85: {  	_ =	shalt  }
0x86: {  	_ =	shalt  }
0x87: {  	_ =	shalt  }
.Lfunc_end0:
.L_simem_size_0:
called_computation.4_lowered:
.L_overlay_start_0:
0x88: {  	s2 =	sld [smem:$0x3FD9]  }
0x89: {  	s3 =	sld [smem:$0x3FFE];
	_ =	sdelay $0x1  }
0x8a: {  	s1 =	srdreg.scid  }
0x8b: {  	s0 =	sand.u32 $0x1, s1  }
0x8c: {  	s16 =	sshll.u32 s0, $0xA;
	s2 =	sadd.s32 s3, s2  }
0x8d: {  	s2 =	sadd.s32 s2, s16  }
0x8e: {  	[smem:$0x3FC5] =	sst s2  }
0x8f: {  	_ = 	snop  }
0x90: {  	(tm) =	ssettm $0x1  }
0x91: {  	s17 =	sld [smem:$0x3FFB];
	_ =	sdelay $0x3  }
0x92: {  	_ =	strace s17  }
0x93: {  	s2 =	sld [smem:$0x3FFC];
	_ =	sdelay $0x3  }
0x94: {  	_ =	strace s2  }
0x95: {  	s2 =	sld [smem:$0x3FFD];
	_ =	sdelay $0x3  }
0x96: {  	_ =	strace s2  }
0x97: {  	_ =	strace $0x8FFFFFFF  }
0x98: {  	s18 =	sld [smem:$0x3FDB];
	_ =	sdelay $0x1  }
0x99: {  	s19 =	simm.s32 $_scs_section_size  }
0x9a: {  	s4 =	simm.s32 $_size__tile_overlayer_lowered;
	s5 =	simm.s32 $_tile_overlayer_lowered  }
0x9b: {  	s22 =	simm.s32 $0x1BFF;
	s21 =	sshll.u32 s5, $0x1;
	s2 =	sadd.s32 s19, s18  }
0x9c: {  	s6 =	simm.s32 $0x0;
	s20 =	sshll.u32 s4, $0x1;
	s4 =	sadd.s32 s21, s2  }
0x9d: {  	[timem:s6], [sflag:s22] =	dma.local [hbm:s4], s20  }
0x9e: {  	_ =	swait.ge [sflag:s22], s20  }
0x9f: {  	s3 =	ssub.s32 $0x0, s20;
	[sflag:s22] =	ssyncset.done $0x0  }
0xa0: {  	[sflag:s22] =	ssyncadd.s32 s3;
	_ =	sdelay $0x1  }
0xa1: {  	s23 =	simm.s32 $0x1B8B  }
0xa2: {  	_ =	swait.ge [sflag:s23], $0x1  }
0xa3: {  	[sflag:s23] =	ssyncset.done $0x0  }
0xa4: {  	s25 =	simm.s32 $0x1B8E;
	s24 =	sld [smem:$0x3FFE];
	[sflag:s23] =	ssyncadd.s32 $0xFFFFFFFF  }
0xa5: {  	s26 =	simm.s32 $execute0_lowered;
	[smem:$0x3FD2] =	sst s25  }
0xa6: {  	s4 =	sshll.u32 s26, $0x1;
	_ =	strace $0x8000004C;
	[dreg:$0x1] =	wrdreg $0xFFFFFFFF  }
0xa7: {  	s28 =	simm.s32 $_size_execute0_lowered;
	s2 =	sadd.s32 s2, s4;
	[dreg:$0x0] =	wrdreg $0x0  }
0xa8: {  	s4 =	sshll.u32 s28, $0x1;
	[dreg:$0x2] =	wrdreg s2  }
0xa9: {  	[dreg:$0x3] =	wrdreg s4  }
0xaa: {  	[dreg:$0x4] =	wrdreg $0xC0  }
0xab: {  	_ =	task [dreg:s6], $0x5FFFF  }
0xac: {  	[dreg:$0x1] =	wrdreg $0xFFFFFFFF  }
0xad: {  	[dreg:$0x0] =	wrdreg $0x60  }
0xae: {  	[dreg:$0x2] =	wrdreg s24  }
0xaf: {  	[dreg:$0x3] =	wrdreg $0x9  }
0xb0: {  	_ =	task.clear_ibuf [dreg:s6], $0x4FFFF;
	_ =	strace $0x9000004C  }
0xb1: {  	s29 =	simm.s32 $0x9;
	_ =	strace $0x8000004E  }
0xb2: {  	_ =	swait.ge [sflag:s29], $0x1  }
0xb3: {  	[sflag:s29] =	ssyncadd.s32 $0xFFFFFFFF  }
0xb4: {  	_ =	strace $0x9000004E  }
0xb5: {  	_ =	sfence  }
0xb6: {  	s30 =	sld [smem:$0x0];
	_ =	sdelay $0x2  }
0xb7: {  	s31 =	sshll.u32 s1, $0xD;
	s1 =	sshrl.u32 s1, $0x2  }
0xb8: {  	s3 =	sand.u32 $0x4000, s31;
	s1 =	sadd.s32 s1, s30  }
0xb9: {  	s0 =	sor.u32 s3, s0;
	s1 =	sshll.u32 s1, $0x11  }
0xba: {  	s0 =	sor.u32 s1, s0  }
0xbb: {  	s0 =	sadd.s32 $0x8F2B, s0  }
0xbc: {  	[sflag:s0] =	ssyncadd.remote.s32 $0x1  }
0xbd: {  	_ =	sfence.sel $0xFFFF  }
0xbe: {  	[dreg:$0x0] =	wrdreg $0xFFFFFFFF;
	(pc) =	sbr.abs _section_cstart, $3  }
0xbf: {  	[dreg:$0x1] =	wrdreg $0xFFFFFFFF  }
0xc0: {  	_ =	task.clear_ibuf [dreg:s6], $0x2FFFF;
	_ =	strace $0x9FFFFFFF  }
0xc1: {  	(tm) =	ssettm $0x7FFFFFFF  }
tec
execute0_lowered:
.L_overlay_start_1:
0x0: {  	(tag) =	ssettag $0x1  }
0x1: {  	s8 =	rddreg [dreg:$0x0]  }
0x2: {  	s0 =	rddreg [dreg:$0x1];
	_ =	strace $0x8000004D;
	s1 =	stileid.u32  }
0x3: {  	s3 =	srdreg.scid;
	s4 =	simm.s32 $0x1;
	s7 =	simm.s32 $0x1  }
0x4: {  	s9 =	simm.s32 $0x1;
	s10 =	simm.s32 $0x3;
	s13 =	simm.s32 $0x0  }
0x5: {  	s12 =	simm.s32 $0x0;
	s5 =	sand.u32 $0x1, s3;
	s6 =	sshll.u32 s1, $0x1  }
0x6: {  	s2 =	sadd.s32 $0x3B000, s8;
	s3 =	sadd.s32 $0x4BE00, s8;
	s5 =	sor.u32 s6, s5  }
.Ltmp0:
0x7: {  	[sflag:s4] =	ssyncpa.u1 $0x0;
	p0 =	slt.u32 s5, $0x13;
	(pc) =	sbr.rel .LBB2_1-.Ltmp0, $4  }
0x8: {  	s6 =	simm.s32 $0x2;
	s7 =	simm.s32 @!p0 $0x0;
	p0 =	sne.s32 s5, $0x12  }
0x9: {  	[sflag:s6] =	ssyncpa.u1 $0x0;
	s5 =	smul.u32 $0x190, s5;
	s9 =	simm.s32 @!p0 $0x0  }
0xa: {  	s8 =	sadd.s32 $0x4C800, s8;
	[sflag:s10] =	ssyncpa.u1 $0x0;
	s7 =	sadd.s32 s9, s7  }
0xb: {  	vm0 =	vmmov $0xffff;
	s10 =	simm.s32 $0x0;
	s11 =	smov.u32 s5;
	s9 =	sadd.s32 $0x1, s7  }
.LBB2_4:
0xc: {  	vm1 =	veq.s32 v4, $0x80000000;
	v56 =	vand.u32 $0x1F, v4;
	v6 =	vand.u32 $0x7FFF, v6  }
0xd: {  	v2 =	vor.u32 v2, v5;
	v59 =	vshrl.u32 v1, $0x5;
	v60 =	vand.u32 $0x1F, v1  }
0xe: {  	v4 =	vsel vm1, $0xFFFFFFFF, v56;
	v6 =	vsel vm1, $0xFFFFFFFF, v6;
	v2 =	vor.u32 v3, v2  }
0xf: {  	vm1 =	veq.s32 v1, $0x80000000;
	v5 =	vand.u32 $0x7FFF, v59;
	v7 =	vshrl.u32 v4, $0x3  }
0x10: {  	v57 =	vshll.u32 v6, $0x3;
	v4 =	vshll.u32 v4, $0x7;
	v1 =	vsel vm1, $0xFFFFFFFF, v60  }
0x11: {  	v5 =	vsel vm1, $0xFFFFFFFF, v5;
	v6 =	vand.u32 $0x7F, v6;
	v7 =	vmul.u32 $0x27400, v7  }
0x12: {  	v58 =	vand.u32 $0xFFFFFC00, v57;
	v4 =	vand.u32 $0x380, v4;
	v61 =	vshrl.u32 v1, $0x3  }
0x13: {  	v62 =	vshll.u32 v5, $0x3;
	v3 =	vadd.s32 v7, v58;
	v7 =	vmul.u32 $0x27400, v61  }
0x14: {  	v1 =	vshll.u32 v1, $0x7;
	v3 =	vor.u32 v4, v3;
	v4 =	vand.u32 $0xFFFFFC00, v62  }
0x15: {  	v1 =	vand.u32 $0x380, v1;
	v3 =	vor.u32 v6, v3;
	v4 =	vadd.s32 v7, v4  }
0x16: {  	[tilespmem:s16], [sflag:$0x1] =	stream.indirect_vreg.gather [hbm4b:s2+s10], $0x1, v0, vm0, $0x4038;
	v63 =	vand.u32 $0x7F, v5;
	v1 =	vor.u32 v1, v4;
	[tilespmem:$0x640] =	vst v63  }
0x17: {  	s15 =	sadd.s32 $0x10, s15;
	(ifvalue) =	ssetifvalue $0x7FFFFFFF;
	v0 =	vor.u32 v63, v1  }
0x18: {  	[tilespmem:s15], [sflag:$0x1] =	stream.indirect_vreg.gather [hbm4b:s2+s10], $0x1, v2, vm0, $0x4038;
	[tilespmem:$0x640] =	vst v63  }
0x19: {  	s15 =	sadd.s32 $0x10, s15;
	(ifvalue) =	ssetifvalue $0x7FFFFFFF  }
0x1a: {  	[tilespmem:s15], [sflag:$0x1] =	stream.indirect_vreg.gather [hbm4b:s2+s10], $0x1, v3, vm0, $0x4038;
	[tilespmem:$0x640] =	vst v63  }
0x1b: {  	s15 =	sadd.s32 $0x10, s15;
	(ifvalue) =	ssetifvalue $0x7FFFFFFF  }
0x1c: {  	[tilespmem:s15], [sflag:$0x1] =	stream.indirect_vreg.gather [hbm4b:s2+s10], $0x1, v0, vm0, $0x4038;
	[tilespmem:$0x640] =	vst v63  }
0x1d: {  	_ =	swait.ge [sflag:s4], $0x190  }
0x1e: {  	s30 =	sshrl.u32 s13, $0x3;
	[sflag:s4] =	ssyncset.done $0x0  }
0x1f: {  	s31 =	sand.u32 $0x7, s13;
	s15 =	sadd.s32 s8, s30;
	[sflag:s4] =	ssyncadd.s32 $0xFFFFFE70  }
0x20: {  	[hbm4b:s15+s31] =	stream.linear.scatter [tilespmem:s14], [sflag:$0x3], $0x190, $0x38;
	[tilespmem:$0x640] =	vst v63  }
.LBB2_5:
0x21: {  	s15 =	sadd.s32 $0x3200, s11  }
0x22: {  	p1 =	sgt.s32 s15, $0x4E1F  }
0x23: {  	s15 =	smov.u32 @p1 s5;
	p1 =	sne.s32 s12, s9  }
.Ltmp1:
0x24: {  	p0 =	slt.u32 s12, $0x2;
	(pc) =	sbr.rel @!p1 .LBB2_6-.Ltmp1, $4  }
0x25: {  	s14 =	simm.s32 @!p0 $0x3  }
0x26: {  	_ =	swait.ge @!p0 [sflag:s14], $0x190  }
0x27: {  	s16 =	sadd.s32 $0x1, s12;
	s13 =	smov.u32 s11;
	[sflag:s14] =	ssyncset.done @!p0 $0x0  }
0x28: {  	s12 =	smov.u32 s16;
	s11 =	smov.u32 s15;
	[sflag:s14] =	ssyncadd.s32 @!p0 $0xFFFFFE70  }
.LBB2_1:
0x29: {  	p0 =	sge.u32 s12, s7  }
0x2a: {  	s14 =	sxor.u32 @!p0 $0x1, s12  }
0x2b: {  	s14 =	smul.u32 @!p0 $0x640, s14  }
0x2c: {  	s31 =	sadd.s32 $0xFFFFFFFF, s12;
	s15 =	sshrl.u32 @!p0 s11, $0x3  }
0x2d: {  	s16 =	sand.u32 @!p0 $0x7, s11;
	s15 =	sadd.s32 @!p0 s3, s15;
	s14 =	sshra.s32 @!p0 s14, $0x2  }
0x2e: {  	[tilespmem:s14], [sflag:$0x2] =	stream.linear.gather @!p0 [hbm4b:s15+s16], $0x190, $0x38;
	[tilespmem:$0x640] =	vst v63  }
0x2f: {  	p0 =	sge.u32 s31, s7  }
.Ltmp2:
0x30: {  	_ = 	snop;
	(pc) =	sbr.rel @p0 .LBB2_5-.Ltmp2, $1  }
0x31: {  	_ =	sdelay $0x3  }
0x32: {  	s14 =	sand.u32 $0x1, s12  }
0x33: {  	_ =	swait.ge [sflag:s6], $0x190;
	p0 =	seq.s32 s14, $0x1;
	s14 =	simm.s32 $0x190  }
0x34: {  	[sflag:s6] =	ssyncset.done $0x0;
	s14 =	simm.s32 @!p0 $0x0  }
0x35: {  	[sflag:s6] =	ssyncadd.s32 $0xFFFFFE70;
	(ifvalue) =	ssetifvalue $0x7FFFFFFF;
	v0 =	vld.msk [tilespmem:s14+$0x0 ss:$0x1], $0xffff  }
0x36: {  	s15 =	sadd.s32 $0x10, s14  }
0x37: {  	v1 =	vld.msk [tilespmem:s15+$0x0 ss:$0x1], $0xffff;
	_ =	sdelay $0x2  }
0x38: {  	v2 =	vshrl.u32 v0, $0x5  }
0x39: {  	vm1 =	veq.s32 v0, $0x80000000;
	v0 =	vand.u32 $0x1F, v0;
	v2 =	vand.u32 $0x7FFF, v2  }
0x3a: {  	v0 =	vsel vm1, $0xFFFFFFFF, v0;
	v6 =	vshrl.u32 v1, $0x5;
	v2 =	vsel vm1, $0xFFFFFFFF, v2  }
0x3b: {  	v3 =	vshrl.u32 v0, $0x3;
	v0 =	vshll.u32 v0, $0x7;
	vm1 =	veq.s32 v1, $0x80000000  }
0x3c: {  	s15 =	sadd.s32 $0x10, s15;
	v1 =	vand.u32 $0x1F, v1;
	v4 =	vshll.u32 v2, $0x3;
	v3 =	vmul.u32 $0x27400, v3  }
0x3d: {  	v0 =	vand.u32 $0x380, v0;
	v7 =	vand.u32 $0x7F, v2;
	v5 =	vand.u32 $0xFFFFFC00, v4;
	v4 =	vld.msk [tilespmem:s15+$0x0 ss:$0x1], $0xffff  }
0x3e: {  	v1 =	vsel vm1, $0xFFFFFFFF, v1;
	v2 =	vadd.s32 v3, v5;
	v3 =	vand.u32 $0x7FFF, v6  }
0x3f: {  	v3 =	vsel vm1, $0xFFFFFFFF, v3;
	v0 =	vor.u32 v0, v2;
	v2 =	vshrl.u32 v1, $0x3  }
0x40: {  	v1 =	vshll.u32 v1, $0x7;
	v5 =	vshll.u32 v3, $0x3;
	v8 =	vmul.u32 $0x27400, v2  }
0x41: {  	s18 =	simm.s32 $0x30;
	s14 =	sadd.s32 $0x320, s14;
	s17 =	sadd.s32 $0x10, s15;
	v2 =	vand.u32 $0x380, v1;
	v0 =	vor.u32 v7, v0;
	v5 =	vand.u32 $0xFFFFFC00, v5  }
0x42: {  	s16 =	smov.u32 s14;
	s15 =	smov.u32 s14;
	v1 =	vld.msk [tilespmem:s17+$0x0 ss:$0x1], $0xffff;
	v3 =	vand.u32 $0x7F, v3;
	(ifvalue) =	ssetifvalue $0x7FFFFFFF;
	v6 =	vshrl.u32 v4, $0x5;
	v5 =	vadd.s32 v8, v5  }
.LBB2_3:
0x43: {  	s18 =	sadd.s32 $0x10, s18  }
0x44: {  	vm1 =	veq.s32 v4, $0x80000000;
	v4 =	vand.u32 $0x1F, v4;
	v6 =	vand.u32 $0x7FFF, v6;
	s15 =	sadd.s32 $0x10, s15;
	p0 =	slt.u32 s18, $0x180  }
.Ltmp3:
0x45: {  	v5 =	vor.u32 v2, v5;
	v4 =	vsel vm1, $0xFFFFFFFF, v4;
	v7 =	vsel vm1, $0xFFFFFFFF, v6;
	(pc) =	sbr.rel @p0 .LBB2_3-.Ltmp3, $4  }
0x46: {  	v2 =	vshrl.u32 v4, $0x3;
	v6 =	vshll.u32 v7, $0x3;
	v4 =	vshll.u32 v4, $0x7;
	[tilespmem:s16], [sflag:$0x1] =	stream.indirect_vreg.gather [hbm4b:s2+s10], $0x1, v0, vm0, $0x4038;
	[tilespmem:$0x640] =	vst v63  }
0x47: {  	v0 =	vor.u32 v3, v5;
	s16 =	smov.u32 s15;
	v8 =	vmul.u32 $0x27400, v2;
	v2 =	vand.u32 $0x380, v4  }
0x48: {  	s17 =	sadd.s32 $0x10, s17;
	v9 =	vand.u32 $0xFFFFFC00, v6  }
0x49: {  	v3 =	vand.u32 $0x7F, v7;
	v6 =	vshrl.u32 v1, $0x5;
	v5 =	vadd.s32 v8, v9;
	(ifvalue) =	ssetifvalue $0x7FFFFFFF;
	v4 =	vmovc v1;
	v1 =	vld.msk [tilespmem:s17+$0x0 ss:$0x1], $0xffff  }
.Ltmp4:
0x4a: {  	_ = 	snop;
	(pc) =	sbr.rel .LBB2_4-.Ltmp4, $1  }
0x4b: {  	_ =	sdelay $0x3  }
.LBB2_6:
0x4c: {  	_ =	sfence.sel $0x180000  }
0x4d: {  	s2 =	simm.s32 $0x2;
	[bflag:$0x0] =	sbarrier.arrive $0xFFFF  }
0x4e: {  	s30 =	simm.s32 $0x3;
	[sflag:s2] =	ssyncpa.u1 $0x1  }
0x4f: {  	s31 =	simm.s32 $0x1;
	[sflag:s30] =	ssyncpa.u1 $0x1  }
0x50: {  	[sflag:s31] =	ssyncpa.u1 $0x1  }
0x51: {  	p0 =	sne.s32 s1, $0x0;
	_ =	strace $0x9000004D  }
0x52: {  	s0 =	sadd.s32 @!p0 $0x100000, s0;
	[bflag:$0x2] =	sbarrier.arrive $0xFFFF  }
0x53: {  	[sflag:s0] =	ssyncadd.tile.s32 @!p0 $0x1;
	_ =	shalt  }
.Lfunc_end2:
_tile_overlayer_lowered:
.L_overlay_start_2:
0x54: {  	(tag) =	ssettag $0x2  }
0x55: {  	s0 =	rddreg [dreg:$0x0];
	s2 =	stileid.u32  }
0x56: {  	s1 =	rddreg [dreg:$0x1];
	p0 =	sne.s32 s2, $0x0  }
0x57: {  	s3 =	rddreg [dreg:$0x2];
	[bflag:$0x3] =	sbarrier.arrive $0xFFFF;
	s2 =	simm.s32 @!p0 $0x1C01  }
0x58: {  	[timem:s3], [sflag:s2] =	dma.local @!p0 [hbm:s0], s1  }
0x59: {  	s0 =	simm.s32 @!p0 $0x1  }
0x5a: {  	_ =	swait.ge @!p0 [sflag:s0], s1  }
0x5b: {  	s1 =	ssub.s32 @!p0 $0x0, s1;
	[sflag:s0] =	ssyncset.done @!p0 $0x0  }
0x5c: {  	[sflag:s0] =	ssyncadd.s32 @!p0 s1  }
0x5d: {  	[bflag:$0x3] =	sbarrier.arrive $0xFFFF  }
0x5e: {  	_ =	shalt  }

// kernel: gather_offload_async_start.5
scs
__scs_entry_jumppad:
0x0: {  	(pc) =	sbr.rel $0x88, $3  }
0x1: {  	(tag) =	ssettag $0x0;
	lr =	simm.s32 $0x1  }
0x2: {  	[smem:$0x3F9E] =	sst lr;
	_ =	strace $0xD0000000  }
0x3: {  	_ = 	snop  }
0x4: {  	_ = 	snop  }
0x5: {  	_ = 	snop  }
0x6: {  	_ = 	snop  }
0x7: {  	_ = 	snop  }
__scs_overlays_trampoline_lowered:
0x8: {  	[smem:$0x3FAD] =	sst s0  }
0x9: {  	[smem:$0x3FAE] =	sst s1  }
0xa: {  	[smem:$0x3FAF] =	sst s2  }
0xb: {  	[smem:$0x3FB0] =	sst s3  }
0xc: {  	[smem:$0x3FB1] =	sst s4  }
0xd: {  	[smem:$0x3FB2] =	sst s5  }
0xe: {  	[smem:$0x3FB3] =	sst s6  }
0xf: {  	[smem:$0x3FB4] =	sst s7  }
0x10: {  	[smem:$0x3FB5] =	sst s8  }
0x11: {  	[smem:$0x3FB6] =	sst s9;
	s0 =	simm.s32 @!p0 $0x0  }
0x12: {  	s1 =	sld [smem:$0x3F9C];
	s0 =	simm.s32 @p0 $0x1  }
0x13: {  	[smem:$0x3FB7] =	sst s0;
	s0 =	simm.s32 @!p1 $0x0  }
0x14: {  	s2 =	sld [smem:$0x3F9B];
	s0 =	simm.s32 @p1 $0x1  }
0x15: {  	[smem:$0x3FB8] =	sst s0;
	s0 =	simm.s32 @!p2 $0x0  }
0x16: {  	s3 =	sld [smem:$0x3FDB];
	s0 =	simm.s32 @p2 $0x1  }
0x17: {  	s4 =	simm.s32 $0x1BF5;
	[smem:$0x3FBA] =	sst s0  }
0x18: {  	s0 =	sld [smem:$0x3F9D];
	_ =	swait.ge [sflag:s4], $0x0  }
0x19: {  	s7 =	sld [smem:$0x3F9E]  }
0x1a: {  	s8 =	sadd.s32 $0xFFFFE003, lr  }
0x1b: {  	s9 =	sadd.s32 $0xFFFFFEF7, lr;
	s5 =	simm.s32 $0xFFFFFFFF;
	p2 =	slt.u32 s8, $0xFFFFF086  }
0x1c: {  	p1 =	slt.u32 s9, $0xF7A;
	s5 =	simm.s32 @!p2 $0x0  }
0x1d: {  	s5 =	simm.s32 @p1 $0x1;
	p0 =	seq.s32 s7, s2  }
0x1e: {  	s7 =	smul.u32 @!p0 $0xF7A, s2;
	p2 =	seq.s32 @!p0 s5, $0x0  }
0x1f: {  	s9 =	smul.u32 $0xF7A, s1;
	s8 =	simm.s32 @!p0 $0x1BF5;
	p2 =	por !p2, p0  }
0x20: {  	[sflag:s8] =	ssyncset.s32 @!p0 $0xFFFFF086;
	s6 =	sadd.s32 @!p0 s3, s7;
	s7 =	simm.s32 @!p0 $0x108  }
0x21: {  	s3 =	sadd.s32 s3, s9;
	s6 =	sadd.s32 @!p0 $0x88, s6;
	s7 =	simm.s32 @p2 $0x1082  }
0x22: {  	[simem:s7], [sflag:s8] =	dma.local @!p0 [hbm:s6], $0xF7A  }
0x23: {  	s9 =	sor.u32 $0xD0000000, s2;
	s6 =	simm.s32 $0x108;
	_ =	swait.ge @!p0 [sflag:s8], $0x0  }
0x24: {  	s3 =	sadd.s32 $0x88, s3;
	s6 =	simm.s32 @!p1 $0x1082;
	[sflag:s4] =	ssyncset.s32 $0xFFFFF086  }
0x25: {  	[simem:s6], [sflag:s4] =	dma.local [hbm:s3], $0xF7A  }
0x26: {  	[smem:$0x3F9E] =	sst s1;
	(tag) =	ssettag s2;
	_ =	strace s9  }
0x27: {  	s1 =	sld [smem:$0x3FAE]  }
0x28: {  	s2 =	sld [smem:$0x3FAF]  }
0x29: {  	s4 =	sld [smem:$0x3FB1]  }
0x2a: {  	p0 =	seq.s32 s5, $0x0;
	s5 =	sld [smem:$0x3FB2]  }
0x2b: {  	s6 =	sld [smem:$0x3FB3]  }
0x2c: {  	s7 =	sld [smem:$0x3FB4]  }
0x2d: {  	s3 =	simm.s32 $0x108;
	s8 =	sld [smem:$0x3FB5]  }
0x2e: {  	s3 =	simm.s32 @!p0 $0x1082;
	s9 =	sld [smem:$0x3FB6]  }
0x2f: {  	lr =	sadd.s32 s0, s3;
	s0 =	sld [smem:$0x3FAD]  }
0x30: {  	s3 =	sld [smem:$0x3FB0]  }
0x31: {  	[smem:$0x3FB9] =	sst s10  }
0x32: {  	s10 =	sld [smem:$0x3FB7];
	_ =	sdelay $0x3  }
0x33: {  	p0 =	seq.s32 s10, $0x1;
	s10 =	sld [smem:$0x3FB9];
	_ =	sdelay $0x3  }
0x34: {  	[smem:$0x3FB9] =	sst s10  }
0x35: {  	s10 =	sld [smem:$0x3FB8];
	_ =	sdelay $0x3  }
0x36: {  	p1 =	seq.s32 s10, $0x1;
	s10 =	sld [smem:$0x3FB9];
	_ =	sdelay $0x3  }
0x37: {  	[smem:$0x3FB9] =	sst s10  }
0x38: {  	s10 =	sld [smem:$0x3FBA]  }
0x39: {  	_ = 	snop;
	(pc) =	sbr.ind lr, $3  }
0x3a: {  	_ = 	snop  }
0x3b: {  	_ = 	snop  }
0x3c: {  	p2 =	seq.s32 s10, $0x1;
	s10 =	sld [smem:$0x3FB9]  }
0x3d: {  	_ =	shalt  }
0x3e: {  	_ =	shalt  }
0x3f: {  	_ =	shalt  }
0x40: {  	_ =	shalt  }
0x41: {  	_ =	shalt  }
0x42: {  	_ =	shalt  }
0x43: {  	_ =	shalt  }
0x44: {  	_ =	shalt  }
0x45: {  	_ =	shalt  }
0x46: {  	_ =	shalt  }
0x47: {  	_ =	shalt  }
0x48: {  	_ =	shalt  }
0x49: {  	_ =	shalt  }
0x4a: {  	_ =	shalt  }
0x4b: {  	_ =	shalt  }
0x4c: {  	_ =	shalt  }
0x4d: {  	_ =	shalt  }
0x4e: {  	_ =	shalt  }
0x4f: {  	_ =	shalt  }
0x50: {  	_ =	shalt  }
0x51: {  	_ =	shalt  }
0x52: {  	_ =	shalt  }
0x53: {  	_ =	shalt  }
0x54: {  	_ =	shalt  }
0x55: {  	_ =	shalt  }
0x56: {  	_ =	shalt  }
0x57: {  	_ =	shalt  }
0x58: {  	_ =	shalt  }
0x59: {  	_ =	shalt  }
0x5a: {  	_ =	shalt  }
0x5b: {  	_ =	shalt  }
0x5c: {  	_ =	shalt  }
0x5d: {  	_ =	shalt  }
0x5e: {  	_ =	shalt  }
0x5f: {  	_ =	shalt  }
0x60: {  	_ =	shalt  }
0x61: {  	_ =	shalt  }
0x62: {  	_ =	shalt  }
0x63: {  	_ =	shalt  }
0x64: {  	_ =	shalt  }
0x65: {  	_ =	shalt  }
0x66: {  	_ =	shalt  }
0x67: {  	_ =	shalt  }
0x68: {  	_ =	shalt  }
0x69: {  	_ =	shalt  }
0x6a: {  	_ =	shalt  }
0x6b: {  	_ =	shalt  }
0x6c: {  	_ =	shalt  }
0x6d: {  	_ =	shalt  }
0x6e: {  	_ =	shalt  }
0x6f: {  	_ =	shalt  }
0x70: {  	_ =	shalt  }
0x71: {  	_ =	shalt  }
0x72: {  	_ =	shalt  }
0x73: {  	_ =	shalt  }
0x74: {  	_ =	shalt  }
0x75: {  	_ =	shalt  }
0x76: {  	_ =	shalt  }
0x77: {  	_ =	shalt  }
0x78: {  	_ =	shalt  }
0x79: {  	_ =	shalt  }
0x7a: {  	_ =	shalt  }
0x7b: {  	_ =	shalt  }
0x7c: {  	_ =	shalt  }
0x7d: {  	_ =	shalt  }
0x7e: {  	_ =	shalt  }
0x7f: {  	_ =	shalt  }
0x80: {  	_ =	shalt  }
0x81: {  	_ =	shalt  }
0x82: {  	_ =	shalt  }
0x83: {  	_ =	shalt  }
0x84: {  	_ =	shalt  }
0x85: {  	_ =	shalt  }
0x86: {  	_ =	shalt  }
0x87: {  	_ =	shalt  }
.Lfunc_end0:
.L_simem_size_0:
called_computation.5_lowered:
.L_overlay_start_0:
0x88: {  	s0 =	sld [smem:$0x3FD9]  }
0x89: {  	s1 =	sld [smem:$0x3FFE];
	_ =	sdelay $0x3  }
0x8a: {  	s0 =	sadd.s32 s1, s0  }
0x8b: {  	[smem:$0x3FC5] =	sst s0  }
0x8c: {  	_ = 	snop  }
0x8d: {  	s0 =	sld [smem:$0x3FD0];
	(tm) =	ssettm $0x1  }
0x8e: {  	s16 =	sld [smem:$0x3FFB];
	_ =	sdelay $0x3  }
0x8f: {  	_ =	strace s16  }
0x90: {  	s1 =	sld [smem:$0x3FFC];
	_ =	sdelay $0x3  }
0x91: {  	_ =	strace s1  }
0x92: {  	s1 =	sld [smem:$0x3FFD];
	_ =	sdelay $0x3  }
0x93: {  	_ =	strace s1  }
0x94: {  	_ =	strace $0x8FFFFFFF  }
0x95: {  	s17 =	sld [smem:$0x3FDB];
	_ =	sdelay $0x1  }
0x96: {  	s2 =	simm.s32 $_scs_section_size  }
0x97: {  	s3 =	simm.s32 $_size__tile_overlayer_lowered;
	s4 =	simm.s32 $_tile_overlayer_lowered  }
0x98: {  	s20 =	simm.s32 $0x1BFF;
	s19 =	sshll.u32 s4, $0x1;
	s1 =	sadd.s32 s2, s17  }
0x99: {  	s5 =	simm.s32 $0x0;
	s18 =	sshll.u32 s3, $0x1;
	s3 =	sadd.s32 s19, s1  }
0x9a: {  	[timem:s5], [sflag:s20] =	dma.local [hbm:s3], s18  }
0x9b: {  	_ =	swait.ge [sflag:s20], s18  }
0x9c: {  	s2 =	ssub.s32 $0x0, s18;
	[sflag:s20] =	ssyncset.done $0x0  }
0x9d: {  	[sflag:s20] =	ssyncadd.s32 s2;
	_ =	sdelay $0x1  }
0x9e: {  	s21 =	simm.s32 $0x1B8B  }
0x9f: {  	_ =	swait.ge [sflag:s21], $0x1  }
0xa0: {  	[sflag:s21] =	ssyncset.done $0x0  }
0xa1: {  	s23 =	simm.s32 $0x1B8E;
	s22 =	sld [smem:$0x3FFE];
	[sflag:s21] =	ssyncadd.s32 $0xFFFFFFFF  }
0xa2: {  	s24 =	simm.s32 $execute0_lowered;
	[smem:$0x3FD2] =	sst s23  }
0xa3: {  	s3 =	sshll.u32 s24, $0x1;
	_ =	strace $0x80000058;
	[dreg:$0x1] =	wrdreg $0xFFFFFFFF  }
0xa4: {  	s25 =	simm.s32 $_size_execute0_lowered;
	s1 =	sadd.s32 s1, s3;
	[dreg:$0x0] =	wrdreg $0x0  }
0xa5: {  	s3 =	sshll.u32 s25, $0x1;
	[dreg:$0x2] =	wrdreg s1  }
0xa6: {  	[dreg:$0x3] =	wrdreg s3  }
0xa7: {  	[dreg:$0x4] =	wrdreg $0xC0  }
0xa8: {  	_ =	task [dreg:s5], $0x5FFFF  }
0xa9: {  	[dreg:$0x1] =	wrdreg $0xFFFFFFFF  }
0xaa: {  	[dreg:$0x0] =	wrdreg $0x60  }
0xab: {  	[dreg:$0x2] =	wrdreg s22  }
0xac: {  	[dreg:$0x3] =	wrdreg s0  }
0xad: {  	[dreg:$0x4] =	wrdreg $0x9  }
0xae: {  	_ =	task.clear_ibuf [dreg:s5], $0x5FFFF;
	_ =	strace $0x90000058  }
0xaf: {  	s26 =	simm.s32 $0x9;
	_ =	strace $0x8000005A  }
0xb0: {  	_ =	swait.ge [sflag:s26], $0x1  }
0xb1: {  	[sflag:s26] =	ssyncadd.s32 $0xFFFFFFFF  }
0xb2: {  	_ =	strace $0x9000005A  }
0xb3: {  	_ =	sfence  }
0xb4: {  	s28 =	sld [smem:$0x0];
	_ =	sdelay $0x1  }
0xb5: {  	s29 =	srdreg.scid  }
0xb6: {  	s30 =	sshll.u32 s29, $0xD;
	s31 =	sshrl.u32 s29, $0x2  }
0xb7: {  	s2 =	sand.u32 $0x4000, s30;
	s1 =	sand.u32 $0x1, s29;
	s0 =	sadd.s32 s31, s28  }
0xb8: {  	s1 =	sor.u32 s2, s1;
	s0 =	sshll.u32 s0, $0x11  }
0xb9: {  	s0 =	sor.u32 s0, s1  }
0xba: {  	s0 =	sadd.s32 $0x8F2B, s0  }
0xbb: {  	[sflag:s0] =	ssyncadd.remote.s32 $0x1  }
0xbc: {  	_ =	sfence.sel $0xFFFF  }
0xbd: {  	[dreg:$0x0] =	wrdreg $0xFFFFFFFF;
	(pc) =	sbr.abs _section_cstart, $3  }
0xbe: {  	[dreg:$0x1] =	wrdreg $0xFFFFFFFF  }
0xbf: {  	_ =	task.clear_ibuf [dreg:s5], $0x2FFFF;
	_ =	strace $0x9FFFFFFF  }
0xc0: {  	(tm) =	ssettm $0x7FFFFFFF  }
0xc1: {  	_ =	shalt  }
tec
execute0_lowered:
.L_overlay_start_1:
0x0: {  	(tag) =	ssettag $0x1  }
0x1: {  	s8 =	rddreg [dreg:$0x0]  }
0x2: {  	s2 =	rddreg [dreg:$0x1]  }
0x3: {  	s0 =	rddreg [dreg:$0x2]  }
0x4: {  	s1 =	stileid.u32;
	_ =	strace $0x80000059;
	s5 =	simm.s32 $0x1  }
0x5: {  	s6 =	simm.s32 $0x500;
	s9 =	simm.s32 $0x1;
	s10 =	simm.s32 $0x3  }
0x6: {  	s13 =	simm.s32 $0x0;
	s12 =	simm.s32 $0x0;
	s4 =	smul.u32 $0x50, s1  }
0x7: {  	s3 =	sadd.s32 $0x4BE00, s8;
	p0 =	slt.u32 s1, $0xA;
	[sflag:s5] =	ssyncpa.u1 $0x0  }
.Ltmp0:
0x8: {  	s6 =	simm.s32 @!p0 $0x0;
	s7 =	ssub.s32 $0x7D0, s4;
	(pc) =	sbr.rel .LBB2_1-.Ltmp0, $4  }
0x9: {  	s9 =	simm.s32 @!p0 $0x0;
	p0 =	sne.s32 s7, s6;
	s7 =	simm.s32 $0x1  }
0xa: {  	s8 =	sadd.s32 $0x4D600, s8;
	s6 =	simm.s32 $0x2;
	s7 =	simm.s32 @!p0 $0x0  }
0xb: {  	s11 =	smov.u32 s4;
	[sflag:s6] =	ssyncpa.u1 $0x0;
	s7 =	sadd.s32 s9, s7  }
0xc: {  	vm0 =	vmmov $0xffff;
	[sflag:s10] =	ssyncpa.u1 $0x0;
	s10 =	simm.s32 $0x0;
	s9 =	sadd.s32 $0x1, s7  }
.LBB2_4:
0xd: {  	vm1 =	veq.s32 v0, $0x80000000;
	v63 =	vand.u32 $0x1F, v0;
	v2 =	vand.u32 $0x3FF, v2  }
0xe: {  	v0 =	vsel vm1, $0xFFFFFFFF, v63;
	v2 =	vsel vm1, $0xFFFFFFFF, v2  }
0xf: {  	v3 =	vshll.u32 v0, $0xA;
	v4 =	vshll.u32 v2, $0x3  }
0x10: {  	v0 =	vshll.u32 v0, $0x7;
	v3 =	vand.u32 $0xFFFFE000, v3;
	v4 =	vand.u32 $0xFFFFFC00, v4  }
0x11: {  	v0 =	vand.u32 $0x380, v0;
	v3 =	vadd.s32 v3, v4  }
0x12: {  	v2 =	vand.u32 $0x7F, v2;
	v0 =	vor.u32 v0, v3  }
0x13: {  	v0 =	vor.u32 v2, v0;
	_ =	sdelay $0x1  }
0x14: {  	(ifvalue) =	ssetifvalue $0x7FFFFFFF;
	s15 =	sadd.s32 $0x10, s15  }
0x15: {  	[tilespmem:s15], [sflag:$0x1] =	stream.indirect_vreg.gather [hbm4b:s3+s10], $0x1, v1, vm0, $0x4038;
	[tilespmem:$0x140] =	vst v63  }
0x16: {  	(ifvalue) =	ssetifvalue $0x7FFFFFFF;
	s15 =	sadd.s32 $0x10, s15  }
0x17: {  	[tilespmem:s15], [sflag:$0x1] =	stream.indirect_vreg.gather [hbm4b:s3+s10], $0x1, v0, vm0, $0x4038;
	[tilespmem:$0x140] =	vst v63  }
0x18: {  	_ =	swait.ge [sflag:s5], $0x50  }
0x19: {  	s30 =	sshrl.u32 s13, $0x3;
	[sflag:s5] =	ssyncset.done $0x0  }
0x1a: {  	s31 =	sand.u32 $0x7, s13;
	s15 =	sadd.s32 s8, s30;
	[sflag:s5] =	ssyncadd.s32 $0xFFFFFFB0  }
0x1b: {  	[hbm4b:s15+s31] =	stream.linear.scatter [tilespmem:s14], [sflag:$0x3], $0x50, $0x38;
	[tilespmem:$0x140] =	vst v63  }
.LBB2_5:
0x1c: {  	s15 =	sadd.s32 $0x500, s11  }
0x1d: {  	p1 =	sgt.s32 s15, $0x7CF  }
0x1e: {  	s15 =	smov.u32 @p1 s4;
	p1 =	sne.s32 s12, s9  }
.Ltmp1:
0x1f: {  	p0 =	slt.u32 s12, $0x2;
	(pc) =	sbr.rel @!p1 .LBB2_6-.Ltmp1, $4  }
0x20: {  	s14 =	simm.s32 @!p0 $0x3  }
0x21: {  	_ =	swait.ge @!p0 [sflag:s14], $0x50  }
0x22: {  	s16 =	sadd.s32 $0x1, s12;
	s13 =	smov.u32 s11;
	[sflag:s14] =	ssyncset.done @!p0 $0x0  }
0x23: {  	s12 =	smov.u32 s16;
	s11 =	smov.u32 s15;
	[sflag:s14] =	ssyncadd.s32 @!p0 $0xFFFFFFB0  }
.LBB2_1:
0x24: {  	p0 =	sge.u32 s12, s7  }
0x25: {  	s14 =	sxor.u32 @!p0 $0x1, s12  }
0x26: {  	s14 =	smul.u32 @!p0 $0x140, s14  }
0x27: {  	s31 =	sadd.s32 $0xFFFFFFFF, s12;
	s15 =	sshrl.u32 @!p0 s11, $0x3  }
0x28: {  	s16 =	sand.u32 @!p0 $0x7, s11;
	s15 =	sadd.s32 @!p0 s2, s15;
	s14 =	sshra.s32 @!p0 s14, $0x2  }
0x29: {  	[tilespmem:s14], [sflag:$0x2] =	stream.linear.gather @!p0 [hbm4b:s15+s16], $0x50, $0x38;
	[tilespmem:$0x140] =	vst v63  }
0x2a: {  	p0 =	sge.u32 s31, s7  }
.Ltmp2:
0x2b: {  	_ = 	snop;
	(pc) =	sbr.rel @p0 .LBB2_5-.Ltmp2, $1  }
0x2c: {  	_ =	sdelay $0x3  }
0x2d: {  	s14 =	sand.u32 $0x1, s12  }
0x2e: {  	_ =	swait.ge [sflag:s6], $0x50;
	p0 =	seq.s32 s14, $0x1;
	s14 =	simm.s32 $0x50  }
0x2f: {  	[sflag:s6] =	ssyncset.done $0x0;
	s14 =	simm.s32 @!p0 $0x0  }
0x30: {  	[sflag:s6] =	ssyncadd.s32 $0xFFFFFFB0;
	(ifvalue) =	ssetifvalue $0x7FFFFFFF;
	v0 =	vld.msk [tilespmem:s14+$0x0 ss:$0x1], $0xffff;
	_ =	sdelay $0x3  }
0x31: {  	s15 =	sadd.s32 $0x10, s14  }
0x32: {  	v2 =	vld.msk [tilespmem:s15+$0x0 ss:$0x1], $0xffff;
	v1 =	vshrl.u32 v0, $0x5  }
0x33: {  	vm1 =	veq.s32 v0, $0x80000000;
	v0 =	vand.u32 $0x1F, v0;
	v1 =	vand.u32 $0x3FF, v1  }
0x34: {  	v0 =	vsel vm1, $0xFFFFFFFF, v0;
	v1 =	vsel vm1, $0xFFFFFFFF, v1  }
0x35: {  	v3 =	vshll.u32 v0, $0xA;
	v4 =	vshll.u32 v1, $0x3  }
0x36: {  	v0 =	vshll.u32 v0, $0x7;
	v3 =	vand.u32 $0xFFFFE000, v3;
	v4 =	vand.u32 $0xFFFFFC00, v4  }
0x37: {  	vm1 =	veq.s32 v2, $0x80000000;
	v0 =	vand.u32 $0x380, v0;
	v3 =	vadd.s32 v3, v4  }
0x38: {  	v1 =	vand.u32 $0x7F, v1;
	v0 =	vor.u32 v0, v3;
	v3 =	vshrl.u32 v2, $0x5  }
0x39: {  	s15 =	sadd.s32 $0x10, s15;
	v2 =	vand.u32 $0x1F, v2;
	v1 =	vor.u32 v1, v0;
	v3 =	vand.u32 $0x3FF, v3  }
0x3a: {  	v0 =	vld.msk [tilespmem:s15+$0x0 ss:$0x1], $0xffff;
	v2 =	vsel vm1, $0xFFFFFFFF, v2;
	v3 =	vsel vm1, $0xFFFFFFFF, v3  }
0x3b: {  	v63 =	vshll.u32 v2, $0xA;
	v5 =	vshll.u32 v3, $0x3  }
0x3c: {  	v2 =	vshll.u32 v2, $0x7;
	v4 =	vand.u32 $0xFFFFE000, v63;
	v5 =	vand.u32 $0xFFFFFC00, v5  }
0x3d: {  	s14 =	sor.u32 $0xA0, s14;
	(ifvalue) =	ssetifvalue $0x7FFFFFFF;
	v2 =	vand.u32 $0x380, v2;
	v4 =	vadd.s32 v4, v5  }
0x3e: {  	[tilespmem:s14], [sflag:$0x1] =	stream.indirect_vreg.gather [hbm4b:s3+s10], $0x1, v1, vm0, $0x4038;
	v1 =	vand.u32 $0x7F, v3;
	v3 =	vor.u32 v2, v4;
	[tilespmem:$0x140] =	vst v63  }
0x3f: {  	s16 =	simm.s32 $0x20;
	s17 =	sadd.s32 $0x10, s15;
	s15 =	smov.u32 s14;
	v2 =	vshrl.u32 v0, $0x5;
	v1 =	vor.u32 v1, v3  }
.LBB2_3:
0x40: {  	s16 =	sadd.s32 $0x10, s16;
	vm1 =	veq.s32 v0, $0x80000000;
	v3 =	vand.u32 $0x1F, v0;
	v0 =	vld.msk [tilespmem:s17+$0x0 ss:$0x1], $0xffff;
	v2 =	vand.u32 $0x3FF, v2  }
0x41: {  	p0 =	slt.u32 s16, $0x40;
	v3 =	vsel vm1, $0xFFFFFFFF, v3;
	v2 =	vsel vm1, $0xFFFFFFFF, v2  }
.Ltmp3:
0x42: {  	v4 =	vshll.u32 v3, $0xA;
	v5 =	vshll.u32 v2, $0x3;
	(pc) =	sbr.rel @p0 .LBB2_3-.Ltmp3, $4  }
0x43: {  	s15 =	sadd.s32 $0x10, s15;
	v3 =	vshll.u32 v3, $0x7;
	v4 =	vand.u32 $0xFFFFE000, v4;
	v5 =	vand.u32 $0xFFFFFC00, v5;
	(ifvalue) =	ssetifvalue $0x7FFFFFFF  }
0x44: {  	v3 =	vand.u32 $0x380, v3;
	v4 =	vadd.s32 v4, v5;
	[tilespmem:s15], [sflag:$0x1] =	stream.indirect_vreg.gather [hbm4b:s3+s10], $0x1, v1, vm0, $0x4038;
	[tilespmem:$0x140] =	vst v63  }
0x45: {  	v1 =	vand.u32 $0x7F, v2;
	v3 =	vor.u32 v3, v4  }
0x46: {  	s17 =	sadd.s32 $0x10, s17;
	v2 =	vshrl.u32 v0, $0x5;
	v1 =	vor.u32 v1, v3  }
.Ltmp4:
0x47: {  	_ = 	snop;
	(pc) =	sbr.rel .LBB2_4-.Ltmp4, $1  }
0x48: {  	_ =	sdelay $0x3  }
.LBB2_6:
0x49: {  	_ =	sfence.sel $0x180000  }
0x4a: {  	s2 =	simm.s32 $0x2;
	[bflag:$0x0] =	sbarrier.arrive $0xFFFF  }
0x4b: {  	s30 =	simm.s32 $0x3;
	[sflag:s2] =	ssyncpa.u1 $0x1  }
0x4c: {  	s31 =	simm.s32 $0x1;
	[sflag:s30] =	ssyncpa.u1 $0x1  }
0x4d: {  	[sflag:s31] =	ssyncpa.u1 $0x1  }
0x4e: {  	p0 =	sne.s32 s1, $0x0;
	_ =	strace $0x90000059  }
0x4f: {  	s0 =	sadd.s32 @!p0 $0x100000, s0;
	[bflag:$0x2] =	sbarrier.arrive $0xFFFF  }
0x50: {  	[sflag:s0] =	ssyncadd.tile.s32 @!p0 $0x1;
	_ =	shalt  }
.Lfunc_end2:
_tile_overlayer_lowered:
.L_overlay_start_2:
0x51: {  	(tag) =	ssettag $0x2  }
0x52: {  	s0 =	rddreg [dreg:$0x0];
	s2 =	stileid.u32  }
0x53: {  	s1 =	rddreg [dreg:$0x1];
	p0 =	sne.s32 s2, $0x0  }
0x54: {  	s3 =	rddreg [dreg:$0x2];
	[bflag:$0x3] =	sbarrier.arrive $0xFFFF;
	s2 =	simm.s32 @!p0 $0x1C01  }
0x55: {  	[timem:s3], [sflag:s2] =	dma.local @!p0 [hbm:s0], s1  }
0x56: {  	s0 =	simm.s32 @!p0 $0x1  }
0x57: {  	_ =	swait.ge @!p0 [sflag:s0], s1  }
0x58: {  	s1 =	ssub.s32 @!p0 $0x0, s1;
	[sflag:s0] =	ssyncset.done @!p0 $0x0  }
0x59: {  	[sflag:s0] =	ssyncadd.s32 @!p0 s1  }
0x5a: {  	[bflag:$0x3] =	sbarrier.arrive $0xFFFF  }
0x5b: {  	_ =	shalt  }

// kernel: gather_offload_async_start.6
scs
__scs_entry_jumppad:
0x0: {  	(pc) =	sbr.rel $0x88, $3  }
0x1: {  	(tag) =	ssettag $0x0;
	lr =	simm.s32 $0x1  }
0x2: {  	[smem:$0x3F9E] =	sst lr;
	_ =	strace $0xD0000000  }
0x3: {  	_ = 	snop  }
0x4: {  	_ = 	snop  }
0x5: {  	_ = 	snop  }
0x6: {  	_ = 	snop  }
0x7: {  	_ = 	snop  }
__scs_overlays_trampoline_lowered:
0x8: {  	[smem:$0x3FAD] =	sst s0  }
0x9: {  	[smem:$0x3FAE] =	sst s1  }
0xa: {  	[smem:$0x3FAF] =	sst s2  }
0xb: {  	[smem:$0x3FB0] =	sst s3  }
0xc: {  	[smem:$0x3FB1] =	sst s4  }
0xd: {  	[smem:$0x3FB2] =	sst s5  }
0xe: {  	[smem:$0x3FB3] =	sst s6  }
0xf: {  	[smem:$0x3FB4] =	sst s7  }
0x10: {  	[smem:$0x3FB5] =	sst s8  }
0x11: {  	[smem:$0x3FB6] =	sst s9;
	s0 =	simm.s32 @!p0 $0x0  }
0x12: {  	s1 =	sld [smem:$0x3F9C];
	s0 =	simm.s32 @p0 $0x1  }
0x13: {  	[smem:$0x3FB7] =	sst s0;
	s0 =	simm.s32 @!p1 $0x0  }
0x14: {  	s2 =	sld [smem:$0x3F9B];
	s0 =	simm.s32 @p1 $0x1  }
0x15: {  	[smem:$0x3FB8] =	sst s0;
	s0 =	simm.s32 @!p2 $0x0  }
0x16: {  	s3 =	sld [smem:$0x3FDB];
	s0 =	simm.s32 @p2 $0x1  }
0x17: {  	s4 =	simm.s32 $0x1BF5;
	[smem:$0x3FBA] =	sst s0  }
0x18: {  	s0 =	sld [smem:$0x3F9D];
	_ =	swait.ge [sflag:s4], $0x0  }
0x19: {  	s7 =	sld [smem:$0x3F9E]  }
0x1a: {  	s8 =	sadd.s32 $0xFFFFE003, lr  }
0x1b: {  	s9 =	sadd.s32 $0xFFFFFEF7, lr;
	s5 =	simm.s32 $0xFFFFFFFF;
	p2 =	slt.u32 s8, $0xFFFFF086  }
0x1c: {  	p1 =	slt.u32 s9, $0xF7A;
	s5 =	simm.s32 @!p2 $0x0  }
0x1d: {  	s5 =	simm.s32 @p1 $0x1;
	p0 =	seq.s32 s7, s2  }
0x1e: {  	s7 =	smul.u32 @!p0 $0xF7A, s2;
	p2 =	seq.s32 @!p0 s5, $0x0  }
0x1f: {  	s9 =	smul.u32 $0xF7A, s1;
	s8 =	simm.s32 @!p0 $0x1BF5;
	p2 =	por !p2, p0  }
0x20: {  	[sflag:s8] =	ssyncset.s32 @!p0 $0xFFFFF086;
	s6 =	sadd.s32 @!p0 s3, s7;
	s7 =	simm.s32 @!p0 $0x108  }
0x21: {  	s3 =	sadd.s32 s3, s9;
	s6 =	sadd.s32 @!p0 $0x88, s6;
	s7 =	simm.s32 @p2 $0x1082  }
0x22: {  	[simem:s7], [sflag:s8] =	dma.local @!p0 [hbm:s6], $0xF7A  }
0x23: {  	s9 =	sor.u32 $0xD0000000, s2;
	s6 =	simm.s32 $0x108;
	_ =	swait.ge @!p0 [sflag:s8], $0x0  }
0x24: {  	s3 =	sadd.s32 $0x88, s3;
	s6 =	simm.s32 @!p1 $0x1082;
	[sflag:s4] =	ssyncset.s32 $0xFFFFF086  }
0x25: {  	[simem:s6], [sflag:s4] =	dma.local [hbm:s3], $0xF7A  }
0x26: {  	[smem:$0x3F9E] =	sst s1;
	(tag) =	ssettag s2;
	_ =	strace s9  }
0x27: {  	s1 =	sld [smem:$0x3FAE]  }
0x28: {  	s2 =	sld [smem:$0x3FAF]  }
0x29: {  	s4 =	sld [smem:$0x3FB1]  }
0x2a: {  	p0 =	seq.s32 s5, $0x0;
	s5 =	sld [smem:$0x3FB2]  }
0x2b: {  	s6 =	sld [smem:$0x3FB3]  }
0x2c: {  	s7 =	sld [smem:$0x3FB4]  }
0x2d: {  	s3 =	simm.s32 $0x108;
	s8 =	sld [smem:$0x3FB5]  }
0x2e: {  	s3 =	simm.s32 @!p0 $0x1082;
	s9 =	sld [smem:$0x3FB6]  }
0x2f: {  	lr =	sadd.s32 s0, s3;
	s0 =	sld [smem:$0x3FAD]  }
0x30: {  	s3 =	sld [smem:$0x3FB0]  }
0x31: {  	[smem:$0x3FB9] =	sst s10  }
0x32: {  	s10 =	sld [smem:$0x3FB7];
	_ =	sdelay $0x3  }
0x33: {  	p0 =	seq.s32 s10, $0x1;
	s10 =	sld [smem:$0x3FB9];
	_ =	sdelay $0x3  }
0x34: {  	[smem:$0x3FB9] =	sst s10  }
0x35: {  	s10 =	sld [smem:$0x3FB8];
	_ =	sdelay $0x3  }
0x36: {  	p1 =	seq.s32 s10, $0x1;
	s10 =	sld [smem:$0x3FB9];
	_ =	sdelay $0x3  }
0x37: {  	[smem:$0x3FB9] =	sst s10  }
0x38: {  	s10 =	sld [smem:$0x3FBA]  }
0x39: {  	_ = 	snop;
	(pc) =	sbr.ind lr, $3  }
0x3a: {  	_ = 	snop  }
0x3b: {  	_ = 	snop  }
0x3c: {  	p2 =	seq.s32 s10, $0x1;
	s10 =	sld [smem:$0x3FB9]  }
0x3d: {  	_ =	shalt  }
0x3e: {  	_ =	shalt  }
0x3f: {  	_ =	shalt  }
0x40: {  	_ =	shalt  }
0x41: {  	_ =	shalt  }
0x42: {  	_ =	shalt  }
0x43: {  	_ =	shalt  }
0x44: {  	_ =	shalt  }
0x45: {  	_ =	shalt  }
0x46: {  	_ =	shalt  }
0x47: {  	_ =	shalt  }
0x48: {  	_ =	shalt  }
0x49: {  	_ =	shalt  }
0x4a: {  	_ =	shalt  }
0x4b: {  	_ =	shalt  }
0x4c: {  	_ =	shalt  }
0x4d: {  	_ =	shalt  }
0x4e: {  	_ =	shalt  }
0x4f: {  	_ =	shalt  }
0x50: {  	_ =	shalt  }
0x51: {  	_ =	shalt  }
0x52: {  	_ =	shalt  }
0x53: {  	_ =	shalt  }
0x54: {  	_ =	shalt  }
0x55: {  	_ =	shalt  }
0x56: {  	_ =	shalt  }
0x57: {  	_ =	shalt  }
0x58: {  	_ =	shalt  }
0x59: {  	_ =	shalt  }
0x5a: {  	_ =	shalt  }
0x5b: {  	_ =	shalt  }
0x5c: {  	_ =	shalt  }
0x5d: {  	_ =	shalt  }
0x5e: {  	_ =	shalt  }
0x5f: {  	_ =	shalt  }
0x60: {  	_ =	shalt  }
0x61: {  	_ =	shalt  }
0x62: {  	_ =	shalt  }
0x63: {  	_ =	shalt  }
0x64: {  	_ =	shalt  }
0x65: {  	_ =	shalt  }
0x66: {  	_ =	shalt  }
0x67: {  	_ =	shalt  }
0x68: {  	_ =	shalt  }
0x69: {  	_ =	shalt  }
0x6a: {  	_ =	shalt  }
0x6b: {  	_ =	shalt  }
0x6c: {  	_ =	shalt  }
0x6d: {  	_ =	shalt  }
0x6e: {  	_ =	shalt  }
0x6f: {  	_ =	shalt  }
0x70: {  	_ =	shalt  }
0x71: {  	_ =	shalt  }
0x72: {  	_ =	shalt  }
0x73: {  	_ =	shalt  }
0x74: {  	_ =	shalt  }
0x75: {  	_ =	shalt  }
0x76: {  	_ =	shalt  }
0x77: {  	_ =	shalt  }
0x78: {  	_ =	shalt  }
0x79: {  	_ =	shalt  }
0x7a: {  	_ =	shalt  }
0x7b: {  	_ =	shalt  }
0x7c: {  	_ =	shalt  }
0x7d: {  	_ =	shalt  }
0x7e: {  	_ =	shalt  }
0x7f: {  	_ =	shalt  }
0x80: {  	_ =	shalt  }
0x81: {  	_ =	shalt  }
0x82: {  	_ =	shalt  }
0x83: {  	_ =	shalt  }
0x84: {  	_ =	shalt  }
0x85: {  	_ =	shalt  }
0x86: {  	_ =	shalt  }
0x87: {  	_ =	shalt  }
.Lfunc_end0:
.L_simem_size_0:
called_computation.6_lowered:
.L_overlay_start_0:
0x88: {  	s0 =	sld [smem:$0x3FD9]  }
0x89: {  	s1 =	sld [smem:$0x3FFE];
	_ =	sdelay $0x3  }
0x8a: {  	s0 =	sadd.s32 s1, s0  }
0x8b: {  	[smem:$0x3FC5] =	sst s0  }
0x8c: {  	_ = 	snop  }
0x8d: {  	s0 =	sld [smem:$0x3FD0];
	(tm) =	ssettm $0x1  }
0x8e: {  	s16 =	sld [smem:$0x3FFB];
	_ =	sdelay $0x3  }
0x8f: {  	_ =	strace s16  }
0x90: {  	s1 =	sld [smem:$0x3FFC];
	_ =	sdelay $0x3  }
0x91: {  	_ =	strace s1  }
0x92: {  	s1 =	sld [smem:$0x3FFD];
	_ =	sdelay $0x3  }
0x93: {  	_ =	strace s1  }
0x94: {  	_ =	strace $0x8FFFFFFF  }
0x95: {  	s17 =	sld [smem:$0x3FDB];
	_ =	sdelay $0x1  }
0x96: {  	s2 =	simm.s32 $_scs_section_size  }
0x97: {  	s3 =	simm.s32 $_size__tile_overlayer_lowered;
	s4 =	simm.s32 $_tile_overlayer_lowered  }
0x98: {  	s20 =	simm.s32 $0x1BFF;
	s19 =	sshll.u32 s4, $0x1;
	s1 =	sadd.s32 s2, s17  }
0x99: {  	s5 =	simm.s32 $0x0;
	s18 =	sshll.u32 s3, $0x1;
	s3 =	sadd.s32 s19, s1  }
0x9a: {  	[timem:s5], [sflag:s20] =	dma.local [hbm:s3], s18  }
0x9b: {  	_ =	swait.ge [sflag:s20], s18  }
0x9c: {  	s2 =	ssub.s32 $0x0, s18;
	[sflag:s20] =	ssyncset.done $0x0  }
0x9d: {  	[sflag:s20] =	ssyncadd.s32 s2;
	_ =	sdelay $0x1  }
0x9e: {  	s21 =	simm.s32 $0x1B8B  }
0x9f: {  	_ =	swait.ge [sflag:s21], $0x1  }
0xa0: {  	[sflag:s21] =	ssyncset.done $0x0  }
0xa1: {  	s23 =	simm.s32 $0x1B8E;
	s22 =	sld [smem:$0x3FFE];
	[sflag:s21] =	ssyncadd.s32 $0xFFFFFFFF  }
0xa2: {  	s24 =	simm.s32 $execute0_lowered;
	[smem:$0x3FD2] =	sst s23  }
0xa3: {  	s3 =	sshll.u32 s24, $0x1;
	_ =	strace $0x8000005B;
	[dreg:$0x1] =	wrdreg $0xFFFFFFFF  }
0xa4: {  	s25 =	simm.s32 $_size_execute0_lowered;
	s1 =	sadd.s32 s1, s3;
	[dreg:$0x0] =	wrdreg $0x0  }
0xa5: {  	s3 =	sshll.u32 s25, $0x1;
	[dreg:$0x2] =	wrdreg s1  }
0xa6: {  	[dreg:$0x3] =	wrdreg s3  }
0xa7: {  	[dreg:$0x4] =	wrdreg $0xC0  }
0xa8: {  	_ =	task [dreg:s5], $0x5FFFF  }
0xa9: {  	[dreg:$0x1] =	wrdreg $0xFFFFFFFF  }
0xaa: {  	[dreg:$0x0] =	wrdreg $0x60  }
0xab: {  	[dreg:$0x2] =	wrdreg s22  }
0xac: {  	[dreg:$0x3] =	wrdreg s0  }
0xad: {  	[dreg:$0x4] =	wrdreg $0xA  }
0xae: {  	_ =	task.clear_ibuf [dreg:s5], $0x5FFFF;
	_ =	strace $0x9000005B  }
0xaf: {  	s26 =	simm.s32 $0xA;
	_ =	strace $0x8000005D  }
0xb0: {  	_ =	swait.ge [sflag:s26], $0x1  }
0xb1: {  	[sflag:s26] =	ssyncadd.s32 $0xFFFFFFFF  }
0xb2: {  	_ =	strace $0x9000005D  }
0xb3: {  	_ =	sfence  }
0xb4: {  	s28 =	sld [smem:$0x0];
	_ =	sdelay $0x1  }
0xb5: {  	s29 =	srdreg.scid  }
0xb6: {  	s30 =	sshll.u32 s29, $0xD;
	s31 =	sshrl.u32 s29, $0x2  }
0xb7: {  	s2 =	sand.u32 $0x4000, s30;
	s1 =	sand.u32 $0x1, s29;
	s0 =	sadd.s32 s31, s28  }
0xb8: {  	s1 =	sor.u32 s2, s1;
	s0 =	sshll.u32 s0, $0x11  }
0xb9: {  	s0 =	sor.u32 s0, s1  }
0xba: {  	s0 =	sadd.s32 $0x8F2B, s0  }
0xbb: {  	[sflag:s0] =	ssyncadd.remote.s32 $0x1  }
0xbc: {  	_ =	sfence.sel $0xFFFF  }
0xbd: {  	[dreg:$0x0] =	wrdreg $0xFFFFFFFF;
	(pc) =	sbr.abs _section_cstart, $3  }
0xbe: {  	[dreg:$0x1] =	wrdreg $0xFFFFFFFF  }
0xbf: {  	_ =	task.clear_ibuf [dreg:s5], $0x2FFFF;
	_ =	strace $0x9FFFFFFF  }
0xc0: {  	(tm) =	ssettm $0x7FFFFFFF  }
0xc1: {  	_ =	shalt  }
tec
execute0_lowered:
.L_overlay_start_1:
0x0: {  	(tag) =	ssettag $0x1  }
0x1: {  	s8 =	rddreg [dreg:$0x0]  }
0x2: {  	s2 =	rddreg [dreg:$0x1]  }
0x3: {  	s0 =	rddreg [dreg:$0x2]  }
0x4: {  	s1 =	stileid.u32;
	_ =	strace $0x8000005C;
	s5 =	simm.s32 $0x1  }
0x5: {  	s6 =	simm.s32 $0x500;
	s9 =	simm.s32 $0x1;
	s10 =	simm.s32 $0x3  }
0x6: {  	s13 =	simm.s32 $0x0;
	s12 =	simm.s32 $0x0;
	s4 =	smul.u32 $0x50, s1  }
0x7: {  	s3 =	sadd.s32 $0x4DE00, s8;
	p0 =	slt.u32 s1, $0xA;
	[sflag:s5] =	ssyncpa.u1 $0x0  }
.Ltmp0:
0x8: {  	s6 =	simm.s32 @!p0 $0x0;
	s7 =	ssub.s32 $0x7D0, s4;
	(pc) =	sbr.rel .LBB2_1-.Ltmp0, $4  }
0x9: {  	s9 =	simm.s32 @!p0 $0x0;
	p0 =	sne.s32 s7, s6;
	s7 =	simm.s32 $0x1  }
0xa: {  	s8 =	sadd.s32 $0x4D600, s8;
	s6 =	simm.s32 $0x2;
	s7 =	simm.s32 @!p0 $0x0  }
0xb: {  	s11 =	smov.u32 s4;
	[sflag:s6] =	ssyncpa.u1 $0x0;
	s7 =	sadd.s32 s9, s7  }
0xc: {  	vm0 =	vmmov $0xffff;
	[sflag:s10] =	ssyncpa.u1 $0x0;
	s10 =	simm.s32 $0x0;
	s9 =	sadd.s32 $0x1, s7  }
.LBB2_4:
0xd: {  	vm1 =	veq.s32 v0, $0x80000000;
	v63 =	vand.u32 $0x1F, v0;
	v2 =	vand.u32 $0x3FF, v2  }
0xe: {  	v0 =	vsel vm1, $0xFFFFFFFF, v63;
	v2 =	vsel vm1, $0xFFFFFFFF, v2  }
0xf: {  	v3 =	vshll.u32 v0, $0xA;
	v4 =	vshll.u32 v2, $0x3  }
0x10: {  	v0 =	vshll.u32 v0, $0x7;
	v3 =	vand.u32 $0xFFFFE000, v3;
	v4 =	vand.u32 $0xFFFFFC00, v4  }
0x11: {  	v0 =	vand.u32 $0x380, v0;
	v3 =	vadd.s32 v3, v4  }
0x12: {  	v2 =	vand.u32 $0x7F, v2;
	v0 =	vor.u32 v0, v3  }
0x13: {  	v0 =	vor.u32 v2, v0;
	_ =	sdelay $0x1  }
0x14: {  	(ifvalue) =	ssetifvalue $0x7FFFFFFF;
	s15 =	sadd.s32 $0x10, s15  }
0x15: {  	[tilespmem:s15], [sflag:$0x1] =	stream.indirect_vreg.gather [hbm4b:s3+s10], $0x1, v1, vm0, $0x4038;
	[tilespmem:$0x140] =	vst v63  }
0x16: {  	(ifvalue) =	ssetifvalue $0x7FFFFFFF;
	s15 =	sadd.s32 $0x10, s15  }
0x17: {  	[tilespmem:s15], [sflag:$0x1] =	stream.indirect_vreg.gather [hbm4b:s3+s10], $0x1, v0, vm0, $0x4038;
	[tilespmem:$0x140] =	vst v63  }
0x18: {  	_ =	swait.ge [sflag:s5], $0x50  }
0x19: {  	s30 =	sshrl.u32 s13, $0x3;
	[sflag:s5] =	ssyncset.done $0x0  }
0x1a: {  	s31 =	sand.u32 $0x7, s13;
	s15 =	sadd.s32 s8, s30;
	[sflag:s5] =	ssyncadd.s32 $0xFFFFFFB0  }
0x1b: {  	[hbm4b:s15+s31] =	stream.linear.scatter [tilespmem:s14], [sflag:$0x3], $0x50, $0x38;
	[tilespmem:$0x140] =	vst v63  }
.LBB2_5:
0x1c: {  	s15 =	sadd.s32 $0x500, s11  }
0x1d: {  	p1 =	sgt.s32 s15, $0x7CF  }
0x1e: {  	s15 =	smov.u32 @p1 s4;
	p1 =	sne.s32 s12, s9  }
.Ltmp1:
0x1f: {  	p0 =	slt.u32 s12, $0x2;
	(pc) =	sbr.rel @!p1 .LBB2_6-.Ltmp1, $4  }
0x20: {  	s14 =	simm.s32 @!p0 $0x3  }
0x21: {  	_ =	swait.ge @!p0 [sflag:s14], $0x50  }
0x22: {  	s16 =	sadd.s32 $0x1, s12;
	s13 =	smov.u32 s11;
	[sflag:s14] =	ssyncset.done @!p0 $0x0  }
0x23: {  	s12 =	smov.u32 s16;
	s11 =	smov.u32 s15;
	[sflag:s14] =	ssyncadd.s32 @!p0 $0xFFFFFFB0  }
.LBB2_1:
0x24: {  	p0 =	sge.u32 s12, s7  }
0x25: {  	s14 =	sxor.u32 @!p0 $0x1, s12  }
0x26: {  	s14 =	smul.u32 @!p0 $0x140, s14  }
0x27: {  	s31 =	sadd.s32 $0xFFFFFFFF, s12;
	s15 =	sshrl.u32 @!p0 s11, $0x3  }
0x28: {  	s16 =	sand.u32 @!p0 $0x7, s11;
	s15 =	sadd.s32 @!p0 s2, s15;
	s14 =	sshra.s32 @!p0 s14, $0x2  }
0x29: {  	[tilespmem:s14], [sflag:$0x2] =	stream.linear.gather @!p0 [hbm4b:s15+s16], $0x50, $0x38;
	[tilespmem:$0x140] =	vst v63  }
0x2a: {  	p0 =	sge.u32 s31, s7  }
.Ltmp2:
0x2b: {  	_ = 	snop;
	(pc) =	sbr.rel @p0 .LBB2_5-.Ltmp2, $1  }
0x2c: {  	_ =	sdelay $0x3  }
0x2d: {  	s14 =	sand.u32 $0x1, s12  }
0x2e: {  	_ =	swait.ge [sflag:s6], $0x50;
	p0 =	seq.s32 s14, $0x1;
	s14 =	simm.s32 $0x50  }
0x2f: {  	[sflag:s6] =	ssyncset.done $0x0;
	s14 =	simm.s32 @!p0 $0x0  }
0x30: {  	[sflag:s6] =	ssyncadd.s32 $0xFFFFFFB0;
	(ifvalue) =	ssetifvalue $0x7FFFFFFF;
	v0 =	vld.msk [tilespmem:s14+$0x0 ss:$0x1], $0xffff;
	_ =	sdelay $0x3  }
0x31: {  	s15 =	sadd.s32 $0x10, s14  }
0x32: {  	v2 =	vld.msk [tilespmem:s15+$0x0 ss:$0x1], $0xffff;
	v1 =	vshrl.u32 v0, $0x5  }
0x33: {  	vm1 =	veq.s32 v0, $0x80000000;
	v0 =	vand.u32 $0x1F, v0;
	v1 =	vand.u32 $0x3FF, v1  }
0x34: {  	v0 =	vsel vm1, $0xFFFFFFFF, v0;
	v1 =	vsel vm1, $0xFFFFFFFF, v1  }
0x35: {  	v3 =	vshll.u32 v0, $0xA;
	v4 =	vshll.u32 v1, $0x3  }
0x36: {  	v0 =	vshll.u32 v0, $0x7;
	v3 =	vand.u32 $0xFFFFE000, v3;
	v4 =	vand.u32 $0xFFFFFC00, v4  }
0x37: {  	vm1 =	veq.s32 v2, $0x80000000;
	v0 =	vand.u32 $0x380, v0;
	v3 =	vadd.s32 v3, v4  }
0x38: {  	v1 =	vand.u32 $0x7F, v1;
	v0 =	vor.u32 v0, v3;
	v3 =	vshrl.u32 v2, $0x5  }
0x39: {  	s15 =	sadd.s32 $0x10, s15;
	v2 =	vand.u32 $0x1F, v2;
	v1 =	vor.u32 v1, v0;
	v3 =	vand.u32 $0x3FF, v3  }
0x3a: {  	v0 =	vld.msk [tilespmem:s15+$0x0 ss:$0x1], $0xffff;
	v2 =	vsel vm1, $0xFFFFFFFF, v2;
	v3 =	vsel vm1, $0xFFFFFFFF, v3  }
0x3b: {  	v63 =	vshll.u32 v2, $0xA;
	v5 =	vshll.u32 v3, $0x3  }
0x3c: {  	v2 =	vshll.u32 v2, $0x7;
	v4 =	vand.u32 $0xFFFFE000, v63;
	v5 =	vand.u32 $0xFFFFFC00, v5  }
0x3d: {  	s14 =	sor.u32 $0xA0, s14;
	(ifvalue) =	ssetifvalue $0x7FFFFFFF;
	v2 =	vand.u32 $0x380, v2;
	v4 =	vadd.s32 v4, v5  }
0x3e: {  	[tilespmem:s14], [sflag:$0x1] =	stream.indirect_vreg.gather [hbm4b:s3+s10], $0x1, v1, vm0, $0x4038;
	v1 =	vand.u32 $0x7F, v3;
	v3 =	vor.u32 v2, v4;
	[tilespmem:$0x140] =	vst v63  }
0x3f: {  	s16 =	simm.s32 $0x20;
	s17 =	sadd.s32 $0x10, s15;
	s15 =	smov.u32 s14;
	v2 =	vshrl.u32 v0, $0x5;
	v1 =	vor.u32 v1, v3  }
.LBB2_3:
0x40: {  	s16 =	sadd.s32 $0x10, s16;
	vm1 =	veq.s32 v0, $0x80000000;
	v3 =	vand.u32 $0x1F, v0;
	v0 =	vld.msk [tilespmem:s17+$0x0 ss:$0x1], $0xffff;
	v2 =	vand.u32 $0x3FF, v2  }
0x41: {  	p0 =	slt.u32 s16, $0x40;
	v3 =	vsel vm1, $0xFFFFFFFF, v3;
	v2 =	vsel vm1, $0xFFFFFFFF, v2  }
.Ltmp3:
0x42: {  	v4 =	vshll.u32 v3, $0xA;
	v5 =	vshll.u32 v2, $0x3;
	(pc) =	sbr.rel @p0 .LBB2_3-.Ltmp3, $4  }
0x43: {  	s15 =	sadd.s32 $0x10, s15;
	v3 =	vshll.u32 v3, $0x7;
	v4 =	vand.u32 $0xFFFFE000, v4;
	v5 =	vand.u32 $0xFFFFFC00, v5;
	(ifvalue) =	ssetifvalue $0x7FFFFFFF  }
0x44: {  	v3 =	vand.u32 $0x380, v3;
	v4 =	vadd.s32 v4, v5;
	[tilespmem:s15], [sflag:$0x1] =	stream.indirect_vreg.gather [hbm4b:s3+s10], $0x1, v1, vm0, $0x4038;
	[tilespmem:$0x140] =	vst v63  }
0x45: {  	v1 =	vand.u32 $0x7F, v2;
	v3 =	vor.u32 v3, v4  }
0x46: {  	s17 =	sadd.s32 $0x10, s17;
	v2 =	vshrl.u32 v0, $0x5;
	v1 =	vor.u32 v1, v3  }
.Ltmp4:
0x47: {  	_ = 	snop;
	(pc) =	sbr.rel .LBB2_4-.Ltmp4, $1  }
0x48: {  	_ =	sdelay $0x3  }
.LBB2_6:
0x49: {  	_ =	sfence.sel $0x180000  }
0x4a: {  	s2 =	simm.s32 $0x2;
	[bflag:$0x0] =	sbarrier.arrive $0xFFFF  }
0x4b: {  	s30 =	simm.s32 $0x3;
	[sflag:s2] =	ssyncpa.u1 $0x1  }
0x4c: {  	s31 =	simm.s32 $0x1;
	[sflag:s30] =	ssyncpa.u1 $0x1  }
0x4d: {  	[sflag:s31] =	ssyncpa.u1 $0x1  }
0x4e: {  	p0 =	sne.s32 s1, $0x0;
	_ =	strace $0x9000005C  }
0x4f: {  	s0 =	sadd.s32 @!p0 $0x100000, s0;
	[bflag:$0x2] =	sbarrier.arrive $0xFFFF  }
0x50: {  	[sflag:s0] =	ssyncadd.tile.s32 @!p0 $0x1;
	_ =	shalt  }
.Lfunc_end2:
_tile_overlayer_lowered:
.L_overlay_start_2:
0x51: {  	(tag) =	ssettag $0x2  }
0x52: {  	s0 =	rddreg [dreg:$0x0];
	s2 =	stileid.u32  }
0x53: {  	s1 =	rddreg [dreg:$0x1];
	p0 =	sne.s32 s2, $0x0  }
0x54: {  	s3 =	rddreg [dreg:$0x2];
	[bflag:$0x3] =	sbarrier.arrive $0xFFFF;
	s2 =	simm.s32 @!p0 $0x1C01  }
0x55: {  	[timem:s3], [sflag:s2] =	dma.local @!p0 [hbm:s0], s1  }
0x56: {  	s0 =	simm.s32 @!p0 $0x1  }
0x57: {  	_ =	swait.ge @!p0 [sflag:s0], s1  }
0x58: {  	s1 =	ssub.s32 @!p0 $0x0, s1;
	[sflag:s0] =	ssyncset.done @!p0 $0x0  }
0x59: {  	[sflag:s0] =	ssyncadd.s32 @!p0 s1  }
0x5a: {  	[bflag:$0x3] =	sbarrier.arrive $0xFFFF  }
0x5b: {  	_ =	shalt  }

// kernel: gather_offload_async_start.7
scs
__scs_entry_jumppad:
0x0: {  	(pc) =	sbr.rel $0x88, $3  }
0x1: {  	(tag) =	ssettag $0x0;
	lr =	simm.s32 $0x1  }
0x2: {  	[smem:$0x3F9E] =	sst lr;
	_ =	strace $0xD0000000  }
0x3: {  	_ = 	snop  }
0x4: {  	_ = 	snop  }
0x5: {  	_ = 	snop  }
0x6: {  	_ = 	snop  }
0x7: {  	_ = 	snop  }
__scs_overlays_trampoline_lowered:
0x8: {  	[smem:$0x3FAD] =	sst s0  }
0x9: {  	[smem:$0x3FAE] =	sst s1  }
0xa: {  	[smem:$0x3FAF] =	sst s2  }
0xb: {  	[smem:$0x3FB0] =	sst s3  }
0xc: {  	[smem:$0x3FB1] =	sst s4  }
0xd: {  	[smem:$0x3FB2] =	sst s5  }
0xe: {  	[smem:$0x3FB3] =	sst s6  }
0xf: {  	[smem:$0x3FB4] =	sst s7  }
0x10: {  	[smem:$0x3FB5] =	sst s8  }
0x11: {  	[smem:$0x3FB6] =	sst s9;
	s0 =	simm.s32 @!p0 $0x0  }
0x12: {  	s1 =	sld [smem:$0x3F9C];
	s0 =	simm.s32 @p0 $0x1  }
0x13: {  	[smem:$0x3FB7] =	sst s0;
	s0 =	simm.s32 @!p1 $0x0  }
0x14: {  	s2 =	sld [smem:$0x3F9B];
	s0 =	simm.s32 @p1 $0x1  }
0x15: {  	[smem:$0x3FB8] =	sst s0;
	s0 =	simm.s32 @!p2 $0x0  }
0x16: {  	s3 =	sld [smem:$0x3FDB];
	s0 =	simm.s32 @p2 $0x1  }
0x17: {  	s4 =	simm.s32 $0x1BF5;
	[smem:$0x3FBA] =	sst s0  }
0x18: {  	s0 =	sld [smem:$0x3F9D];
	_ =	swait.ge [sflag:s4], $0x0  }
0x19: {  	s7 =	sld [smem:$0x3F9E]  }
0x1a: {  	s8 =	sadd.s32 $0xFFFFE003, lr  }
0x1b: {  	s9 =	sadd.s32 $0xFFFFFEF7, lr;
	s5 =	simm.s32 $0xFFFFFFFF;
	p2 =	slt.u32 s8, $0xFFFFF086  }
0x1c: {  	p1 =	slt.u32 s9, $0xF7A;
	s5 =	simm.s32 @!p2 $0x0  }
0x1d: {  	s5 =	simm.s32 @p1 $0x1;
	p0 =	seq.s32 s7, s2  }
0x1e: {  	s7 =	smul.u32 @!p0 $0xF7A, s2;
	p2 =	seq.s32 @!p0 s5, $0x0  }
0x1f: {  	s9 =	smul.u32 $0xF7A, s1;
	s8 =	simm.s32 @!p0 $0x1BF5;
	p2 =	por !p2, p0  }
0x20: {  	[sflag:s8] =	ssyncset.s32 @!p0 $0xFFFFF086;
	s6 =	sadd.s32 @!p0 s3, s7;
	s7 =	simm.s32 @!p0 $0x108  }
0x21: {  	s3 =	sadd.s32 s3, s9;
	s6 =	sadd.s32 @!p0 $0x88, s6;
	s7 =	simm.s32 @p2 $0x1082  }
0x22: {  	[simem:s7], [sflag:s8] =	dma.local @!p0 [hbm:s6], $0xF7A  }
0x23: {  	s9 =	sor.u32 $0xD0000000, s2;
	s6 =	simm.s32 $0x108;
	_ =	swait.ge @!p0 [sflag:s8], $0x0  }
0x24: {  	s3 =	sadd.s32 $0x88, s3;
	s6 =	simm.s32 @!p1 $0x1082;
	[sflag:s4] =	ssyncset.s32 $0xFFFFF086  }
0x25: {  	[simem:s6], [sflag:s4] =	dma.local [hbm:s3], $0xF7A  }
0x26: {  	[smem:$0x3F9E] =	sst s1;
	(tag) =	ssettag s2;
	_ =	strace s9  }
0x27: {  	s1 =	sld [smem:$0x3FAE]  }
0x28: {  	s2 =	sld [smem:$0x3FAF]  }
0x29: {  	s4 =	sld [smem:$0x3FB1]  }
0x2a: {  	p0 =	seq.s32 s5, $0x0;
	s5 =	sld [smem:$0x3FB2]  }
0x2b: {  	s6 =	sld [smem:$0x3FB3]  }
0x2c: {  	s7 =	sld [smem:$0x3FB4]  }
0x2d: {  	s3 =	simm.s32 $0x108;
	s8 =	sld [smem:$0x3FB5]  }
0x2e: {  	s3 =	simm.s32 @!p0 $0x1082;
	s9 =	sld [smem:$0x3FB6]  }
0x2f: {  	lr =	sadd.s32 s0, s3;
	s0 =	sld [smem:$0x3FAD]  }
0x30: {  	s3 =	sld [smem:$0x3FB0]  }
0x31: {  	[smem:$0x3FB9] =	sst s10  }
0x32: {  	s10 =	sld [smem:$0x3FB7];
	_ =	sdelay $0x3  }
0x33: {  	p0 =	seq.s32 s10, $0x1;
	s10 =	sld [smem:$0x3FB9];
	_ =	sdelay $0x3  }
0x34: {  	[smem:$0x3FB9] =	sst s10  }
0x35: {  	s10 =	sld [smem:$0x3FB8];
	_ =	sdelay $0x3  }
0x36: {  	p1 =	seq.s32 s10, $0x1;
	s10 =	sld [smem:$0x3FB9];
	_ =	sdelay $0x3  }
0x37: {  	[smem:$0x3FB9] =	sst s10  }
0x38: {  	s10 =	sld [smem:$0x3FBA]  }
0x39: {  	_ = 	snop;
	(pc) =	sbr.ind lr, $3  }
0x3a: {  	_ = 	snop  }
0x3b: {  	_ = 	snop  }
0x3c: {  	p2 =	seq.s32 s10, $0x1;
	s10 =	sld [smem:$0x3FB9]  }
0x3d: {  	_ =	shalt  }
0x3e: {  	_ =	shalt  }
0x3f: {  	_ =	shalt  }
0x40: {  	_ =	shalt  }
0x41: {  	_ =	shalt  }
0x42: {  	_ =	shalt  }
0x43: {  	_ =	shalt  }
0x44: {  	_ =	shalt  }
0x45: {  	_ =	shalt  }
0x46: {  	_ =	shalt  }
0x47: {  	_ =	shalt  }
0x48: {  	_ =	shalt  }
0x49: {  	_ =	shalt  }
0x4a: {  	_ =	shalt  }
0x4b: {  	_ =	shalt  }
0x4c: {  	_ =	shalt  }
0x4d: {  	_ =	shalt  }
0x4e: {  	_ =	shalt  }
0x4f: {  	_ =	shalt  }
0x50: {  	_ =	shalt  }
0x51: {  	_ =	shalt  }
0x52: {  	_ =	shalt  }
0x53: {  	_ =	shalt  }
0x54: {  	_ =	shalt  }
0x55: {  	_ =	shalt  }
0x56: {  	_ =	shalt  }
0x57: {  	_ =	shalt  }
0x58: {  	_ =	shalt  }
0x59: {  	_ =	shalt  }
0x5a: {  	_ =	shalt  }
0x5b: {  	_ =	shalt  }
0x5c: {  	_ =	shalt  }
0x5d: {  	_ =	shalt  }
0x5e: {  	_ =	shalt  }
0x5f: {  	_ =	shalt  }
0x60: {  	_ =	shalt  }
0x61: {  	_ =	shalt  }
0x62: {  	_ =	shalt  }
0x63: {  	_ =	shalt  }
0x64: {  	_ =	shalt  }
0x65: {  	_ =	shalt  }
0x66: {  	_ =	shalt  }
0x67: {  	_ =	shalt  }
0x68: {  	_ =	shalt  }
0x69: {  	_ =	shalt  }
0x6a: {  	_ =	shalt  }
0x6b: {  	_ =	shalt  }
0x6c: {  	_ =	shalt  }
0x6d: {  	_ =	shalt  }
0x6e: {  	_ =	shalt  }
0x6f: {  	_ =	shalt  }
0x70: {  	_ =	shalt  }
0x71: {  	_ =	shalt  }
0x72: {  	_ =	shalt  }
0x73: {  	_ =	shalt  }
0x74: {  	_ =	shalt  }
0x75: {  	_ =	shalt  }
0x76: {  	_ =	shalt  }
0x77: {  	_ =	shalt  }
0x78: {  	_ =	shalt  }
0x79: {  	_ =	shalt  }
0x7a: {  	_ =	shalt  }
0x7b: {  	_ =	shalt  }
0x7c: {  	_ =	shalt  }
0x7d: {  	_ =	shalt  }
0x7e: {  	_ =	shalt  }
0x7f: {  	_ =	shalt  }
0x80: {  	_ =	shalt  }
0x81: {  	_ =	shalt  }
0x82: {  	_ =	shalt  }
0x83: {  	_ =	shalt  }
0x84: {  	_ =	shalt  }
0x85: {  	_ =	shalt  }
0x86: {  	_ =	shalt  }
0x87: {  	_ =	shalt  }
.Lfunc_end0:
.L_simem_size_0:
called_computation.7_lowered:
.L_overlay_start_0:
0x88: {  	s0 =	sld [smem:$0x3FD9]  }
0x89: {  	s1 =	sld [smem:$0x3FFE];
	_ =	sdelay $0x3  }
0x8a: {  	s0 =	sadd.s32 s1, s0  }
0x8b: {  	[smem:$0x3FC5] =	sst s0  }
0x8c: {  	_ = 	snop  }
0x8d: {  	s0 =	sld [smem:$0x3FD0];
	(tm) =	ssettm $0x1  }
0x8e: {  	s16 =	sld [smem:$0x3FFB];
	_ =	sdelay $0x3  }
0x8f: {  	_ =	strace s16  }
0x90: {  	s1 =	sld [smem:$0x3FFC];
	_ =	sdelay $0x3  }
0x91: {  	_ =	strace s1  }
0x92: {  	s1 =	sld [smem:$0x3FFD];
	_ =	sdelay $0x3  }
0x93: {  	_ =	strace s1  }
0x94: {  	_ =	strace $0x8FFFFFFF  }
0x95: {  	s17 =	sld [smem:$0x3FDB];
	_ =	sdelay $0x1  }
0x96: {  	s2 =	simm.s32 $_scs_section_size  }
0x97: {  	s3 =	simm.s32 $_size__tile_overlayer_lowered;
	s4 =	simm.s32 $_tile_overlayer_lowered  }
0x98: {  	s20 =	simm.s32 $0x1BFF;
	s19 =	sshll.u32 s4, $0x1;
	s1 =	sadd.s32 s2, s17  }
0x99: {  	s5 =	simm.s32 $0x0;
	s18 =	sshll.u32 s3, $0x1;
	s3 =	sadd.s32 s19, s1  }
0x9a: {  	[timem:s5], [sflag:s20] =	dma.local [hbm:s3], s18  }
0x9b: {  	_ =	swait.ge [sflag:s20], s18  }
0x9c: {  	s2 =	ssub.s32 $0x0, s18;
	[sflag:s20] =	ssyncset.done $0x0  }
0x9d: {  	[sflag:s20] =	ssyncadd.s32 s2;
	_ =	sdelay $0x1  }
0x9e: {  	s21 =	simm.s32 $0x1B8B  }
0x9f: {  	_ =	swait.ge [sflag:s21], $0x1  }
0xa0: {  	[sflag:s21] =	ssyncset.done $0x0  }
0xa1: {  	s23 =	simm.s32 $0x1B8E;
	s22 =	sld [smem:$0x3FFE];
	[sflag:s21] =	ssyncadd.s32 $0xFFFFFFFF  }
0xa2: {  	s24 =	simm.s32 $execute0_lowered;
	[smem:$0x3FD2] =	sst s23  }
0xa3: {  	s3 =	sshll.u32 s24, $0x1;
	_ =	strace $0x8000005E;
	[dreg:$0x1] =	wrdreg $0xFFFFFFFF  }
0xa4: {  	s25 =	simm.s32 $_size_execute0_lowered;
	s1 =	sadd.s32 s1, s3;
	[dreg:$0x0] =	wrdreg $0x0  }
0xa5: {  	s3 =	sshll.u32 s25, $0x1;
	[dreg:$0x2] =	wrdreg s1  }
0xa6: {  	[dreg:$0x3] =	wrdreg s3  }
0xa7: {  	[dreg:$0x4] =	wrdreg $0xC0  }
0xa8: {  	_ =	task [dreg:s5], $0x5FFFF  }
0xa9: {  	[dreg:$0x1] =	wrdreg $0xFFFFFFFF  }
0xaa: {  	[dreg:$0x0] =	wrdreg $0x60  }
0xab: {  	[dreg:$0x2] =	wrdreg s22  }
0xac: {  	[dreg:$0x3] =	wrdreg s0  }
0xad: {  	[dreg:$0x4] =	wrdreg $0x9  }
0xae: {  	_ =	task.clear_ibuf [dreg:s5], $0x5FFFF;
	_ =	strace $0x9000005E  }
0xaf: {  	s26 =	simm.s32 $0x9;
	_ =	strace $0x80000060  }
0xb0: {  	_ =	swait.ge [sflag:s26], $0x1  }
0xb1: {  	[sflag:s26] =	ssyncadd.s32 $0xFFFFFFFF  }
0xb2: {  	_ =	strace $0x90000060  }
0xb3: {  	_ =	sfence  }
0xb4: {  	s28 =	sld [smem:$0x0];
	_ =	sdelay $0x1  }
0xb5: {  	s29 =	srdreg.scid  }
0xb6: {  	s30 =	sshll.u32 s29, $0xD;
	s31 =	sshrl.u32 s29, $0x2  }
0xb7: {  	s2 =	sand.u32 $0x4000, s30;
	s1 =	sand.u32 $0x1, s29;
	s0 =	sadd.s32 s31, s28  }
0xb8: {  	s1 =	sor.u32 s2, s1;
	s0 =	sshll.u32 s0, $0x11  }
0xb9: {  	s0 =	sor.u32 s0, s1  }
0xba: {  	s0 =	sadd.s32 $0x8F2B, s0  }
0xbb: {  	[sflag:s0] =	ssyncadd.remote.s32 $0x1  }
0xbc: {  	_ =	sfence.sel $0xFFFF  }
0xbd: {  	[dreg:$0x0] =	wrdreg $0xFFFFFFFF;
	(pc) =	sbr.abs _section_cstart, $3  }
0xbe: {  	[dreg:$0x1] =	wrdreg $0xFFFFFFFF  }
0xbf: {  	_ =	task.clear_ibuf [dreg:s5], $0x2FFFF;
	_ =	strace $0x9FFFFFFF  }
0xc0: {  	(tm) =	ssettm $0x7FFFFFFF  }
0xc1: {  	_ =	shalt  }
tec
execute0_lowered:
.L_overlay_start_1:
0x0: {  	(tag) =	ssettag $0x1  }
0x1: {  	s8 =	rddreg [dreg:$0x0]  }
0x2: {  	s2 =	rddreg [dreg:$0x1]  }
0x3: {  	s0 =	rddreg [dreg:$0x2]  }
0x4: {  	s1 =	stileid.u32;
	_ =	strace $0x8000005F;
	s5 =	simm.s32 $0x1  }
0x5: {  	s6 =	simm.s32 $0x500;
	s9 =	simm.s32 $0x1;
	s10 =	simm.s32 $0x3  }
0x6: {  	s13 =	simm.s32 $0x0;
	s12 =	simm.s32 $0x0;
	s4 =	smul.u32 $0x50, s1  }
0x7: {  	s3 =	sadd.s32 $0x4EA00, s8;
	p0 =	slt.u32 s1, $0xA;
	[sflag:s5] =	ssyncpa.u1 $0x0  }
.Ltmp0:
0x8: {  	s6 =	simm.s32 @!p0 $0x0;
	s7 =	ssub.s32 $0x7D0, s4;
	(pc) =	sbr.rel .LBB2_1-.Ltmp0, $4  }
0x9: {  	s9 =	simm.s32 @!p0 $0x0;
	p0 =	sne.s32 s7, s6;
	s7 =	simm.s32 $0x1  }
0xa: {  	s8 =	sadd.s32 $0x4D800, s8;
	s6 =	simm.s32 $0x2;
	s7 =	simm.s32 @!p0 $0x0  }
0xb: {  	s11 =	smov.u32 s4;
	[sflag:s6] =	ssyncpa.u1 $0x0;
	s7 =	sadd.s32 s9, s7  }
0xc: {  	vm0 =	vmmov $0xffff;
	[sflag:s10] =	ssyncpa.u1 $0x0;
	s10 =	simm.s32 $0x0;
	s9 =	sadd.s32 $0x1, s7  }
.LBB2_4:
0xd: {  	vm1 =	veq.s32 v0, $0x80000000;
	v63 =	vand.u32 $0x1F, v0;
	v2 =	vand.u32 $0x3FF, v2  }
0xe: {  	v0 =	vsel vm1, $0xFFFFFFFF, v63;
	v2 =	vsel vm1, $0xFFFFFFFF, v2  }
0xf: {  	v3 =	vshll.u32 v0, $0xA;
	v4 =	vshll.u32 v2, $0x3  }
0x10: {  	v0 =	vshll.u32 v0, $0x7;
	v3 =	vand.u32 $0xFFFFE000, v3;
	v4 =	vand.u32 $0xFFFFFC00, v4  }
0x11: {  	v0 =	vand.u32 $0x380, v0;
	v3 =	vadd.s32 v3, v4  }
0x12: {  	v2 =	vand.u32 $0x7F, v2;
	v0 =	vor.u32 v0, v3  }
0x13: {  	v0 =	vor.u32 v2, v0;
	_ =	sdelay $0x1  }
0x14: {  	(ifvalue) =	ssetifvalue $0x7FFFFFFF;
	s15 =	sadd.s32 $0x10, s15  }
0x15: {  	[tilespmem:s15], [sflag:$0x1] =	stream.indirect_vreg.gather [hbm4b:s3+s10], $0x1, v1, vm0, $0x4038;
	[tilespmem:$0x140] =	vst v63  }
0x16: {  	(ifvalue) =	ssetifvalue $0x7FFFFFFF;
	s15 =	sadd.s32 $0x10, s15  }
0x17: {  	[tilespmem:s15], [sflag:$0x1] =	stream.indirect_vreg.gather [hbm4b:s3+s10], $0x1, v0, vm0, $0x4038;
	[tilespmem:$0x140] =	vst v63  }
0x18: {  	_ =	swait.ge [sflag:s5], $0x50  }
0x19: {  	s30 =	sshrl.u32 s13, $0x3;
	[sflag:s5] =	ssyncset.done $0x0  }
0x1a: {  	s31 =	sand.u32 $0x7, s13;
	s15 =	sadd.s32 s8, s30;
	[sflag:s5] =	ssyncadd.s32 $0xFFFFFFB0  }
0x1b: {  	[hbm4b:s15+s31] =	stream.linear.scatter [tilespmem:s14], [sflag:$0x3], $0x50, $0x38;
	[tilespmem:$0x140] =	vst v63  }
.LBB2_5:
0x1c: {  	s15 =	sadd.s32 $0x500, s11  }
0x1d: {  	p1 =	sgt.s32 s15, $0x7CF  }
0x1e: {  	s15 =	smov.u32 @p1 s4;
	p1 =	sne.s32 s12, s9  }
.Ltmp1:
0x1f: {  	p0 =	slt.u32 s12, $0x2;
	(pc) =	sbr.rel @!p1 .LBB2_6-.Ltmp1, $4  }
0x20: {  	s14 =	simm.s32 @!p0 $0x3  }
0x21: {  	_ =	swait.ge @!p0 [sflag:s14], $0x50  }
0x22: {  	s16 =	sadd.s32 $0x1, s12;
	s13 =	smov.u32 s11;
	[sflag:s14] =	ssyncset.done @!p0 $0x0  }
0x23: {  	s12 =	smov.u32 s16;
	s11 =	smov.u32 s15;
	[sflag:s14] =	ssyncadd.s32 @!p0 $0xFFFFFFB0  }
.LBB2_1:
0x24: {  	p0 =	sge.u32 s12, s7  }
0x25: {  	s14 =	sxor.u32 @!p0 $0x1, s12  }
0x26: {  	s14 =	smul.u32 @!p0 $0x140, s14  }
0x27: {  	s31 =	sadd.s32 $0xFFFFFFFF, s12;
	s15 =	sshrl.u32 @!p0 s11, $0x3  }
0x28: {  	s16 =	sand.u32 @!p0 $0x7, s11;
	s15 =	sadd.s32 @!p0 s2, s15;
	s14 =	sshra.s32 @!p0 s14, $0x2  }
0x29: {  	[tilespmem:s14], [sflag:$0x2] =	stream.linear.gather @!p0 [hbm4b:s15+s16], $0x50, $0x38;
	[tilespmem:$0x140] =	vst v63  }
0x2a: {  	p0 =	sge.u32 s31, s7  }
.Ltmp2:
0x2b: {  	_ = 	snop;
	(pc) =	sbr.rel @p0 .LBB2_5-.Ltmp2, $1  }
0x2c: {  	_ =	sdelay $0x3  }
0x2d: {  	s14 =	sand.u32 $0x1, s12  }
0x2e: {  	_ =	swait.ge [sflag:s6], $0x50;
	p0 =	seq.s32 s14, $0x1;
	s14 =	simm.s32 $0x50  }
0x2f: {  	[sflag:s6] =	ssyncset.done $0x0;
	s14 =	simm.s32 @!p0 $0x0  }
0x30: {  	[sflag:s6] =	ssyncadd.s32 $0xFFFFFFB0;
	(ifvalue) =	ssetifvalue $0x7FFFFFFF;
	v0 =	vld.msk [tilespmem:s14+$0x0 ss:$0x1], $0xffff;
	_ =	sdelay $0x3  }
0x31: {  	s15 =	sadd.s32 $0x10, s14  }
0x32: {  	v2 =	vld.msk [tilespmem:s15+$0x0 ss:$0x1], $0xffff;
	v1 =	vshrl.u32 v0, $0x5  }
0x33: {  	vm1 =	veq.s32 v0, $0x80000000;
	v0 =	vand.u32 $0x1F, v0;
	v1 =	vand.u32 $0x3FF, v1  }
0x34: {  	v0 =	vsel vm1, $0xFFFFFFFF, v0;
	v1 =	vsel vm1, $0xFFFFFFFF, v1  }
0x35: {  	v3 =	vshll.u32 v0, $0xA;
	v4 =	vshll.u32 v1, $0x3  }
0x36: {  	v0 =	vshll.u32 v0, $0x7;
	v3 =	vand.u32 $0xFFFFE000, v3;
	v4 =	vand.u32 $0xFFFFFC00, v4  }
0x37: {  	vm1 =	veq.s32 v2, $0x80000000;
	v0 =	vand.u32 $0x380, v0;
	v3 =	vadd.s32 v3, v4  }
0x38: {  	v1 =	vand.u32 $0x7F, v1;
	v0 =	vor.u32 v0, v3;
	v3 =	vshrl.u32 v2, $0x5  }
0x39: {  	s15 =	sadd.s32 $0x10, s15;
	v2 =	vand.u32 $0x1F, v2;
	v1 =	vor.u32 v1, v0;
	v3 =	vand.u32 $0x3FF, v3  }
0x3a: {  	v0 =	vld.msk [tilespmem:s15+$0x0 ss:$0x1], $0xffff;
	v2 =	vsel vm1, $0xFFFFFFFF, v2;
	v3 =	vsel vm1, $0xFFFFFFFF, v3  }
0x3b: {  	v63 =	vshll.u32 v2, $0xA;
	v5 =	vshll.u32 v3, $0x3  }
0x3c: {  	v2 =	vshll.u32 v2, $0x7;
	v4 =	vand.u32 $0xFFFFE000, v63;
	v5 =	vand.u32 $0xFFFFFC00, v5  }
0x3d: {  	s14 =	sor.u32 $0xA0, s14;
	(ifvalue) =	ssetifvalue $0x7FFFFFFF;
	v2 =	vand.u32 $0x380, v2;
	v4 =	vadd.s32 v4, v5  }
0x3e: {  	[tilespmem:s14], [sflag:$0x1] =	stream.indirect_vreg.gather [hbm4b:s3+s10], $0x1, v1, vm0, $0x4038;
	v1 =	vand.u32 $0x7F, v3;
	v3 =	vor.u32 v2, v4;
	[tilespmem:$0x140] =	vst v63  }
0x3f: {  	s16 =	simm.s32 $0x20;
	s17 =	sadd.s32 $0x10, s15;
	s15 =	smov.u32 s14;
	v2 =	vshrl.u32 v0, $0x5;
	v1 =	vor.u32 v1, v3  }
.LBB2_3:
0x40: {  	s16 =	sadd.s32 $0x10, s16;
	vm1 =	veq.s32 v0, $0x80000000;
	v3 =	vand.u32 $0x1F, v0;
	v0 =	vld.msk [tilespmem:s17+$0x0 ss:$0x1], $0xffff;
	v2 =	vand.u32 $0x3FF, v2  }
0x41: {  	p0 =	slt.u32 s16, $0x40;
	v3 =	vsel vm1, $0xFFFFFFFF, v3;
	v2 =	vsel vm1, $0xFFFFFFFF, v2  }
.Ltmp3:
0x42: {  	v4 =	vshll.u32 v3, $0xA;
	v5 =	vshll.u32 v2, $0x3;
	(pc) =	sbr.rel @p0 .LBB2_3-.Ltmp3, $4  }
0x43: {  	s15 =	sadd.s32 $0x10, s15;
	v3 =	vshll.u32 v3, $0x7;
	v4 =	vand.u32 $0xFFFFE000, v4;
	v5 =	vand.u32 $0xFFFFFC00, v5;
	(ifvalue) =	ssetifvalue $0x7FFFFFFF  }
0x44: {  	v3 =	vand.u32 $0x380, v3;
	v4 =	vadd.s32 v4, v5;
	[tilespmem:s15], [sflag:$0x1] =	stream.indirect_vreg.gather [hbm4b:s3+s10], $0x1, v1, vm0, $0x4038;
	[tilespmem:$0x140] =	vst v63  }
0x45: {  	v1 =	vand.u32 $0x7F, v2;
	v3 =	vor.u32 v3, v4  }
0x46: {  	s17 =	sadd.s32 $0x10, s17;
	v2 =	vshrl.u32 v0, $0x5;
	v1 =	vor.u32 v1, v3  }
.Ltmp4:
0x47: {  	_ = 	snop;
	(pc) =	sbr.rel .LBB2_4-.Ltmp4, $1  }
0x48: {  	_ =	sdelay $0x3  }
.LBB2_6:
0x49: {  	_ =	sfence.sel $0x180000  }
0x4a: {  	s2 =	simm.s32 $0x2;
	[bflag:$0x0] =	sbarrier.arrive $0xFFFF  }
0x4b: {  	s30 =	simm.s32 $0x3;
	[sflag:s2] =	ssyncpa.u1 $0x1  }
0x4c: {  	s31 =	simm.s32 $0x1;
	[sflag:s30] =	ssyncpa.u1 $0x1  }
0x4d: {  	[sflag:s31] =	ssyncpa.u1 $0x1  }
0x4e: {  	p0 =	sne.s32 s1, $0x0;
	_ =	strace $0x9000005F  }
0x4f: {  	s0 =	sadd.s32 @!p0 $0x100000, s0;
	[bflag:$0x2] =	sbarrier.arrive $0xFFFF  }
0x50: {  	[sflag:s0] =	ssyncadd.tile.s32 @!p0 $0x1;
	_ =	shalt  }
.Lfunc_end2:
_tile_overlayer_lowered:
.L_overlay_start_2:
0x51: {  	(tag) =	ssettag $0x2  }
0x52: {  	s0 =	rddreg [dreg:$0x0];
	s2 =	stileid.u32  }
0x53: {  	s1 =	rddreg [dreg:$0x1];
	p0 =	sne.s32 s2, $0x0  }
0x54: {  	s3 =	rddreg [dreg:$0x2];
	[bflag:$0x3] =	sbarrier.arrive $0xFFFF;
	s2 =	simm.s32 @!p0 $0x1C01  }
0x55: {  	[timem:s3], [sflag:s2] =	dma.local @!p0 [hbm:s0], s1  }
0x56: {  	s0 =	simm.s32 @!p0 $0x1  }
0x57: {  	_ =	swait.ge @!p0 [sflag:s0], s1  }
0x58: {  	s1 =	ssub.s32 @!p0 $0x0, s1;
	[sflag:s0] =	ssyncset.done @!p0 $0x0  }
0x59: {  	[sflag:s0] =	ssyncadd.s32 @!p0 s1  }
0x5a: {  	[bflag:$0x3] =	sbarrier.arrive $0xFFFF  }
0x5b: {  	_ =	shalt  }

// kernel: gather_offload_async_start.8
scs
__scs_entry_jumppad:
0x0: {  	(pc) =	sbr.rel $0x88, $3  }
0x1: {  	(tag) =	ssettag $0x0;
	lr =	simm.s32 $0x1  }
0x2: {  	[smem:$0x3F9E] =	sst lr;
	_ =	strace $0xD0000000  }
0x3: {  	_ = 	snop  }
0x4: {  	_ = 	snop  }
0x5: {  	_ = 	snop  }
0x6: {  	_ = 	snop  }
0x7: {  	_ = 	snop  }
__scs_overlays_trampoline_lowered:
0x8: {  	[smem:$0x3FAD] =	sst s0  }
0x9: {  	[smem:$0x3FAE] =	sst s1  }
0xa: {  	[smem:$0x3FAF] =	sst s2  }
0xb: {  	[smem:$0x3FB0] =	sst s3  }
0xc: {  	[smem:$0x3FB1] =	sst s4  }
0xd: {  	[smem:$0x3FB2] =	sst s5  }
0xe: {  	[smem:$0x3FB3] =	sst s6  }
0xf: {  	[smem:$0x3FB4] =	sst s7  }
0x10: {  	[smem:$0x3FB5] =	sst s8  }
0x11: {  	[smem:$0x3FB6] =	sst s9;
	s0 =	simm.s32 @!p0 $0x0  }
0x12: {  	s1 =	sld [smem:$0x3F9C];
	s0 =	simm.s32 @p0 $0x1  }
0x13: {  	[smem:$0x3FB7] =	sst s0;
	s0 =	simm.s32 @!p1 $0x0  }
0x14: {  	s2 =	sld [smem:$0x3F9B];
	s0 =	simm.s32 @p1 $0x1  }
0x15: {  	[smem:$0x3FB8] =	sst s0;
	s0 =	simm.s32 @!p2 $0x0  }
0x16: {  	s3 =	sld [smem:$0x3FDB];
	s0 =	simm.s32 @p2 $0x1  }
0x17: {  	s4 =	simm.s32 $0x1BF5;
	[smem:$0x3FBA] =	sst s0  }
0x18: {  	s0 =	sld [smem:$0x3F9D];
	_ =	swait.ge [sflag:s4], $0x0  }
0x19: {  	s7 =	sld [smem:$0x3F9E]  }
0x1a: {  	s8 =	sadd.s32 $0xFFFFE003, lr  }
0x1b: {  	s9 =	sadd.s32 $0xFFFFFEF7, lr;
	s5 =	simm.s32 $0xFFFFFFFF;
	p2 =	slt.u32 s8, $0xFFFFF086  }
0x1c: {  	p1 =	slt.u32 s9, $0xF7A;
	s5 =	simm.s32 @!p2 $0x0  }
0x1d: {  	s5 =	simm.s32 @p1 $0x1;
	p0 =	seq.s32 s7, s2  }
0x1e: {  	s7 =	smul.u32 @!p0 $0xF7A, s2;
	p2 =	seq.s32 @!p0 s5, $0x0  }
0x1f: {  	s9 =	smul.u32 $0xF7A, s1;
	s8 =	simm.s32 @!p0 $0x1BF5;
	p2 =	por !p2, p0  }
0x20: {  	[sflag:s8] =	ssyncset.s32 @!p0 $0xFFFFF086;
	s6 =	sadd.s32 @!p0 s3, s7;
	s7 =	simm.s32 @!p0 $0x108  }
0x21: {  	s3 =	sadd.s32 s3, s9;
	s6 =	sadd.s32 @!p0 $0x88, s6;
	s7 =	simm.s32 @p2 $0x1082  }
0x22: {  	[simem:s7], [sflag:s8] =	dma.local @!p0 [hbm:s6], $0xF7A  }
0x23: {  	s9 =	sor.u32 $0xD0000000, s2;
	s6 =	simm.s32 $0x108;
	_ =	swait.ge @!p0 [sflag:s8], $0x0  }
0x24: {  	s3 =	sadd.s32 $0x88, s3;
	s6 =	simm.s32 @!p1 $0x1082;
	[sflag:s4] =	ssyncset.s32 $0xFFFFF086  }
0x25: {  	[simem:s6], [sflag:s4] =	dma.local [hbm:s3], $0xF7A  }
0x26: {  	[smem:$0x3F9E] =	sst s1;
	(tag) =	ssettag s2;
	_ =	strace s9  }
0x27: {  	s1 =	sld [smem:$0x3FAE]  }
0x28: {  	s2 =	sld [smem:$0x3FAF]  }
0x29: {  	s4 =	sld [smem:$0x3FB1]  }
0x2a: {  	p0 =	seq.s32 s5, $0x0;
	s5 =	sld [smem:$0x3FB2]  }
0x2b: {  	s6 =	sld [smem:$0x3FB3]  }
0x2c: {  	s7 =	sld [smem:$0x3FB4]  }
0x2d: {  	s3 =	simm.s32 $0x108;
	s8 =	sld [smem:$0x3FB5]  }
0x2e: {  	s3 =	simm.s32 @!p0 $0x1082;
	s9 =	sld [smem:$0x3FB6]  }
0x2f: {  	lr =	sadd.s32 s0, s3;
	s0 =	sld [smem:$0x3FAD]  }
0x30: {  	s3 =	sld [smem:$0x3FB0]  }
0x31: {  	[smem:$0x3FB9] =	sst s10  }
0x32: {  	s10 =	sld [smem:$0x3FB7];
	_ =	sdelay $0x3  }
0x33: {  	p0 =	seq.s32 s10, $0x1;
	s10 =	sld [smem:$0x3FB9];
	_ =	sdelay $0x3  }
0x34: {  	[smem:$0x3FB9] =	sst s10  }
0x35: {  	s10 =	sld [smem:$0x3FB8];
	_ =	sdelay $0x3  }
0x36: {  	p1 =	seq.s32 s10, $0x1;
	s10 =	sld [smem:$0x3FB9];
	_ =	sdelay $0x3  }
0x37: {  	[smem:$0x3FB9] =	sst s10  }
0x38: {  	s10 =	sld [smem:$0x3FBA]  }
0x39: {  	_ = 	snop;
	(pc) =	sbr.ind lr, $3  }
0x3a: {  	_ = 	snop  }
0x3b: {  	_ = 	snop  }
0x3c: {  	p2 =	seq.s32 s10, $0x1;
	s10 =	sld [smem:$0x3FB9]  }
0x3d: {  	_ =	shalt  }
0x3e: {  	_ =	shalt  }
0x3f: {  	_ =	shalt  }
0x40: {  	_ =	shalt  }
0x41: {  	_ =	shalt  }
0x42: {  	_ =	shalt  }
0x43: {  	_ =	shalt  }
0x44: {  	_ =	shalt  }
0x45: {  	_ =	shalt  }
0x46: {  	_ =	shalt  }
0x47: {  	_ =	shalt  }
0x48: {  	_ =	shalt  }
0x49: {  	_ =	shalt  }
0x4a: {  	_ =	shalt  }
0x4b: {  	_ =	shalt  }
0x4c: {  	_ =	shalt  }
0x4d: {  	_ =	shalt  }
0x4e: {  	_ =	shalt  }
0x4f: {  	_ =	shalt  }
0x50: {  	_ =	shalt  }
0x51: {  	_ =	shalt  }
0x52: {  	_ =	shalt  }
0x53: {  	_ =	shalt  }
0x54: {  	_ =	shalt  }
0x55: {  	_ =	shalt  }
0x56: {  	_ =	shalt  }
0x57: {  	_ =	shalt  }
0x58: {  	_ =	shalt  }
0x59: {  	_ =	shalt  }
0x5a: {  	_ =	shalt  }
0x5b: {  	_ =	shalt  }
0x5c: {  	_ =	shalt  }
0x5d: {  	_ =	shalt  }
0x5e: {  	_ =	shalt  }
0x5f: {  	_ =	shalt  }
0x60: {  	_ =	shalt  }
0x61: {  	_ =	shalt  }
0x62: {  	_ =	shalt  }
0x63: {  	_ =	shalt  }
0x64: {  	_ =	shalt  }
0x65: {  	_ =	shalt  }
0x66: {  	_ =	shalt  }
0x67: {  	_ =	shalt  }
0x68: {  	_ =	shalt  }
0x69: {  	_ =	shalt  }
0x6a: {  	_ =	shalt  }
0x6b: {  	_ =	shalt  }
0x6c: {  	_ =	shalt  }
0x6d: {  	_ =	shalt  }
0x6e: {  	_ =	shalt  }
0x6f: {  	_ =	shalt  }
0x70: {  	_ =	shalt  }
0x71: {  	_ =	shalt  }
0x72: {  	_ =	shalt  }
0x73: {  	_ =	shalt  }
0x74: {  	_ =	shalt  }
0x75: {  	_ =	shalt  }
0x76: {  	_ =	shalt  }
0x77: {  	_ =	shalt  }
0x78: {  	_ =	shalt  }
0x79: {  	_ =	shalt  }
0x7a: {  	_ =	shalt  }
0x7b: {  	_ =	shalt  }
0x7c: {  	_ =	shalt  }
0x7d: {  	_ =	shalt  }
0x7e: {  	_ =	shalt  }
0x7f: {  	_ =	shalt  }
0x80: {  	_ =	shalt  }
0x81: {  	_ =	shalt  }
0x82: {  	_ =	shalt  }
0x83: {  	_ =	shalt  }
0x84: {  	_ =	shalt  }
0x85: {  	_ =	shalt  }
0x86: {  	_ =	shalt  }
0x87: {  	_ =	shalt  }
.Lfunc_end0:
.L_simem_size_0:
called_computation.8_lowered:
.L_overlay_start_0:
0x88: {  	s0 =	sld [smem:$0x3FD9]  }
0x89: {  	s1 =	sld [smem:$0x3FFE];
	_ =	sdelay $0x3  }
0x8a: {  	s0 =	sadd.s32 s1, s0  }
0x8b: {  	[smem:$0x3FC5] =	sst s0  }
0x8c: {  	_ = 	snop  }
0x8d: {  	s0 =	sld [smem:$0x3FD0];
	(tm) =	ssettm $0x1  }
0x8e: {  	s16 =	sld [smem:$0x3FFB];
	_ =	sdelay $0x3  }
0x8f: {  	_ =	strace s16  }
0x90: {  	s1 =	sld [smem:$0x3FFC];
	_ =	sdelay $0x3  }
0x91: {  	_ =	strace s1  }
0x92: {  	s1 =	sld [smem:$0x3FFD];
	_ =	sdelay $0x3  }
0x93: {  	_ =	strace s1  }
0x94: {  	_ =	strace $0x8FFFFFFF  }
0x95: {  	s17 =	sld [smem:$0x3FDB];
	_ =	sdelay $0x1  }
0x96: {  	s2 =	simm.s32 $_scs_section_size  }
0x97: {  	s3 =	simm.s32 $_size__tile_overlayer_lowered;
	s4 =	simm.s32 $_tile_overlayer_lowered  }
0x98: {  	s20 =	simm.s32 $0x1BFF;
	s19 =	sshll.u32 s4, $0x1;
	s1 =	sadd.s32 s2, s17  }
0x99: {  	s5 =	simm.s32 $0x0;
	s18 =	sshll.u32 s3, $0x1;
	s3 =	sadd.s32 s19, s1  }
0x9a: {  	[timem:s5], [sflag:s20] =	dma.local [hbm:s3], s18  }
0x9b: {  	_ =	swait.ge [sflag:s20], s18  }
0x9c: {  	s2 =	ssub.s32 $0x0, s18;
	[sflag:s20] =	ssyncset.done $0x0  }
0x9d: {  	[sflag:s20] =	ssyncadd.s32 s2;
	_ =	sdelay $0x1  }
0x9e: {  	s21 =	simm.s32 $0x1B8B  }
0x9f: {  	_ =	swait.ge [sflag:s21], $0x1  }
0xa0: {  	[sflag:s21] =	ssyncset.done $0x0  }
0xa1: {  	s23 =	simm.s32 $0x1B8E;
	s22 =	sld [smem:$0x3FFE];
	[sflag:s21] =	ssyncadd.s32 $0xFFFFFFFF  }
0xa2: {  	s24 =	simm.s32 $execute0_lowered;
	[smem:$0x3FD2] =	sst s23  }
0xa3: {  	s3 =	sshll.u32 s24, $0x1;
	_ =	strace $0x80000061;
	[dreg:$0x1] =	wrdreg $0xFFFFFFFF  }
0xa4: {  	s25 =	simm.s32 $_size_execute0_lowered;
	s1 =	sadd.s32 s1, s3;
	[dreg:$0x0] =	wrdreg $0x0  }
0xa5: {  	s3 =	sshll.u32 s25, $0x1;
	[dreg:$0x2] =	wrdreg s1  }
0xa6: {  	[dreg:$0x3] =	wrdreg s3  }
0xa7: {  	[dreg:$0x4] =	wrdreg $0xC0  }
0xa8: {  	_ =	task [dreg:s5], $0x5FFFF  }
0xa9: {  	[dreg:$0x1] =	wrdreg $0xFFFFFFFF  }
0xaa: {  	[dreg:$0x0] =	wrdreg $0x60  }
0xab: {  	[dreg:$0x2] =	wrdreg s22  }
0xac: {  	[dreg:$0x3] =	wrdreg s0  }
0xad: {  	[dreg:$0x4] =	wrdreg $0xA  }
0xae: {  	_ =	task.clear_ibuf [dreg:s5], $0x5FFFF;
	_ =	strace $0x90000061  }
0xaf: {  	s26 =	simm.s32 $0xA;
	_ =	strace $0x80000063  }
0xb0: {  	_ =	swait.ge [sflag:s26], $0x1  }
0xb1: {  	[sflag:s26] =	ssyncadd.s32 $0xFFFFFFFF  }
0xb2: {  	_ =	strace $0x90000063  }
0xb3: {  	_ =	sfence  }
0xb4: {  	s28 =	sld [smem:$0x0];
	_ =	sdelay $0x1  }
0xb5: {  	s29 =	srdreg.scid  }
0xb6: {  	s30 =	sshll.u32 s29, $0xD;
	s31 =	sshrl.u32 s29, $0x2  }
0xb7: {  	s2 =	sand.u32 $0x4000, s30;
	s1 =	sand.u32 $0x1, s29;
	s0 =	sadd.s32 s31, s28  }
0xb8: {  	s1 =	sor.u32 s2, s1;
	s0 =	sshll.u32 s0, $0x11  }
0xb9: {  	s0 =	sor.u32 s0, s1  }
0xba: {  	s0 =	sadd.s32 $0x8F2B, s0  }
0xbb: {  	[sflag:s0] =	ssyncadd.remote.s32 $0x1  }
0xbc: {  	_ =	sfence.sel $0xFFFF  }
0xbd: {  	[dreg:$0x0] =	wrdreg $0xFFFFFFFF;
	(pc) =	sbr.abs _section_cstart, $3  }
0xbe: {  	[dreg:$0x1] =	wrdreg $0xFFFFFFFF  }
0xbf: {  	_ =	task.clear_ibuf [dreg:s5], $0x2FFFF;
	_ =	strace $0x9FFFFFFF  }
0xc0: {  	(tm) =	ssettm $0x7FFFFFFF  }
0xc1: {  	_ =	shalt  }
tec
execute0_lowered:
.L_overlay_start_1:
0x0: {  	(tag) =	ssettag $0x1  }
0x1: {  	s8 =	rddreg [dreg:$0x0]  }
0x2: {  	s2 =	rddreg [dreg:$0x1]  }
0x3: {  	s0 =	rddreg [dreg:$0x2]  }
0x4: {  	s1 =	stileid.u32;
	_ =	strace $0x80000062;
	s5 =	simm.s32 $0x1  }
0x5: {  	s6 =	simm.s32 $0x500;
	s9 =	simm.s32 $0x1;
	s10 =	simm.s32 $0x3  }
0x6: {  	s13 =	simm.s32 $0x0;
	s12 =	simm.s32 $0x0;
	s4 =	smul.u32 $0x50, s1  }
0x7: {  	s3 =	sadd.s32 $0x4CA00, s8;
	p0 =	slt.u32 s1, $0xA;
	[sflag:s5] =	ssyncpa.u1 $0x0  }
.Ltmp0:
0x8: {  	s6 =	simm.s32 @!p0 $0x0;
	s7 =	ssub.s32 $0x7D0, s4;
	(pc) =	sbr.rel .LBB2_1-.Ltmp0, $4  }
0x9: {  	s9 =	simm.s32 @!p0 $0x0;
	p0 =	sne.s32 s7, s6;
	s7 =	simm.s32 $0x1  }
0xa: {  	s8 =	sadd.s32 $0x4D600, s8;
	s6 =	simm.s32 $0x2;
	s7 =	simm.s32 @!p0 $0x0  }
0xb: {  	s11 =	smov.u32 s4;
	[sflag:s6] =	ssyncpa.u1 $0x0;
	s7 =	sadd.s32 s9, s7  }
0xc: {  	vm0 =	vmmov $0xffff;
	[sflag:s10] =	ssyncpa.u1 $0x0;
	s10 =	simm.s32 $0x0;
	s9 =	sadd.s32 $0x1, s7  }
.LBB2_4:
0xd: {  	vm1 =	veq.s32 v0, $0x80000000;
	v63 =	vand.u32 $0x1F, v0;
	v2 =	vand.u32 $0x3FF, v2  }
0xe: {  	v0 =	vsel vm1, $0xFFFFFFFF, v63;
	v2 =	vsel vm1, $0xFFFFFFFF, v2  }
0xf: {  	v3 =	vshll.u32 v0, $0xA;
	v4 =	vshll.u32 v2, $0x3  }
0x10: {  	v0 =	vshll.u32 v0, $0x7;
	v3 =	vand.u32 $0xFFFFE000, v3;
	v4 =	vand.u32 $0xFFFFFC00, v4  }
0x11: {  	v0 =	vand.u32 $0x380, v0;
	v3 =	vadd.s32 v3, v4  }
0x12: {  	v2 =	vand.u32 $0x7F, v2;
	v0 =	vor.u32 v0, v3  }
0x13: {  	v0 =	vor.u32 v2, v0;
	_ =	sdelay $0x1  }
0x14: {  	(ifvalue) =	ssetifvalue $0x7FFFFFFF;
	s15 =	sadd.s32 $0x10, s15  }
0x15: {  	[tilespmem:s15], [sflag:$0x1] =	stream.indirect_vreg.gather [hbm4b:s3+s10], $0x1, v1, vm0, $0x4038;
	[tilespmem:$0x140] =	vst v63  }
0x16: {  	(ifvalue) =	ssetifvalue $0x7FFFFFFF;
	s15 =	sadd.s32 $0x10, s15  }
0x17: {  	[tilespmem:s15], [sflag:$0x1] =	stream.indirect_vreg.gather [hbm4b:s3+s10], $0x1, v0, vm0, $0x4038;
	[tilespmem:$0x140] =	vst v63  }
0x18: {  	_ =	swait.ge [sflag:s5], $0x50  }
0x19: {  	s30 =	sshrl.u32 s13, $0x3;
	[sflag:s5] =	ssyncset.done $0x0  }
0x1a: {  	s31 =	sand.u32 $0x7, s13;
	s15 =	sadd.s32 s8, s30;
	[sflag:s5] =	ssyncadd.s32 $0xFFFFFFB0  }
0x1b: {  	[hbm4b:s15+s31] =	stream.linear.scatter [tilespmem:s14], [sflag:$0x3], $0x50, $0x38;
	[tilespmem:$0x140] =	vst v63  }
.LBB2_5:
0x1c: {  	s15 =	sadd.s32 $0x500, s11  }
0x1d: {  	p1 =	sgt.s32 s15, $0x7CF  }
0x1e: {  	s15 =	smov.u32 @p1 s4;
	p1 =	sne.s32 s12, s9  }
.Ltmp1:
0x1f: {  	p0 =	slt.u32 s12, $0x2;
	(pc) =	sbr.rel @!p1 .LBB2_6-.Ltmp1, $4  }
0x20: {  	s14 =	simm.s32 @!p0 $0x3  }
0x21: {  	_ =	swait.ge @!p0 [sflag:s14], $0x50  }
0x22: {  	s16 =	sadd.s32 $0x1, s12;
	s13 =	smov.u32 s11;
	[sflag:s14] =	ssyncset.done @!p0 $0x0  }
0x23: {  	s12 =	smov.u32 s16;
	s11 =	smov.u32 s15;
	[sflag:s14] =	ssyncadd.s32 @!p0 $0xFFFFFFB0  }
.LBB2_1:
0x24: {  	p0 =	sge.u32 s12, s7  }
0x25: {  	s14 =	sxor.u32 @!p0 $0x1, s12  }
0x26: {  	s14 =	smul.u32 @!p0 $0x140, s14  }
0x27: {  	s31 =	sadd.s32 $0xFFFFFFFF, s12;
	s15 =	sshrl.u32 @!p0 s11, $0x3  }
0x28: {  	s16 =	sand.u32 @!p0 $0x7, s11;
	s15 =	sadd.s32 @!p0 s2, s15;
	s14 =	sshra.s32 @!p0 s14, $0x2  }
0x29: {  	[tilespmem:s14], [sflag:$0x2] =	stream.linear.gather @!p0 [hbm4b:s15+s16], $0x50, $0x38;
	[tilespmem:$0x140] =	vst v63  }
0x2a: {  	p0 =	sge.u32 s31, s7  }
.Ltmp2:
0x2b: {  	_ = 	snop;
	(pc) =	sbr.rel @p0 .LBB2_5-.Ltmp2, $1  }
0x2c: {  	_ =	sdelay $0x3  }
0x2d: {  	s14 =	sand.u32 $0x1, s12  }
0x2e: {  	_ =	swait.ge [sflag:s6], $0x50;
	p0 =	seq.s32 s14, $0x1;
	s14 =	simm.s32 $0x50  }
0x2f: {  	[sflag:s6] =	ssyncset.done $0x0;
	s14 =	simm.s32 @!p0 $0x0  }
0x30: {  	[sflag:s6] =	ssyncadd.s32 $0xFFFFFFB0;
	(ifvalue) =	ssetifvalue $0x7FFFFFFF;
	v0 =	vld.msk [tilespmem:s14+$0x0 ss:$0x1], $0xffff;
	_ =	sdelay $0x3  }
0x31: {  	s15 =	sadd.s32 $0x10, s14  }
0x32: {  	v2 =	vld.msk [tilespmem:s15+$0x0 ss:$0x1], $0xffff;
	v1 =	vshrl.u32 v0, $0x5  }
0x33: {  	vm1 =	veq.s32 v0, $0x80000000;
	v0 =	vand.u32 $0x1F, v0;
	v1 =	vand.u32 $0x3FF, v1  }
0x34: {  	v0 =	vsel vm1, $0xFFFFFFFF, v0;
	v1 =	vsel vm1, $0xFFFFFFFF, v1  }
0x35: {  	v3 =	vshll.u32 v0, $0xA;
	v4 =	vshll.u32 v1, $0x3  }
0x36: {  	v0 =	vshll.u32 v0, $0x7;
	v3 =	vand.u32 $0xFFFFE000, v3;
	v4 =	vand.u32 $0xFFFFFC00, v4  }
0x37: {  	vm1 =	veq.s32 v2, $0x80000000;
	v0 =	vand.u32 $0x380, v0;
	v3 =	vadd.s32 v3, v4  }
0x38: {  	v1 =	vand.u32 $0x7F, v1;
	v0 =	vor.u32 v0, v3;
	v3 =	vshrl.u32 v2, $0x5  }
0x39: {  	s15 =	sadd.s32 $0x10, s15;
	v2 =	vand.u32 $0x1F, v2;
	v1 =	vor.u32 v1, v0;
	v3 =	vand.u32 $0x3FF, v3  }
0x3a: {  	v0 =	vld.msk [tilespmem:s15+$0x0 ss:$0x1], $0xffff;
	v2 =	vsel vm1, $0xFFFFFFFF, v2;
	v3 =	vsel vm1, $0xFFFFFFFF, v3  }
0x3b: {  	v63 =	vshll.u32 v2, $0xA;
	v5 =	vshll.u32 v3, $0x3  }
0x3c: {  	v2 =	vshll.u32 v2, $0x7;
	v4 =	vand.u32 $0xFFFFE000, v63;
	v5 =	vand.u32 $0xFFFFFC00, v5  }
0x3d: {  	s14 =	sor.u32 $0xA0, s14;
	(ifvalue) =	ssetifvalue $0x7FFFFFFF;
	v2 =	vand.u32 $0x380, v2;
	v4 =	vadd.s32 v4, v5  }
0x3e: {  	[tilespmem:s14], [sflag:$0x1] =	stream.indirect_vreg.gather [hbm4b:s3+s10], $0x1, v1, vm0, $0x4038;
	v1 =	vand.u32 $0x7F, v3;
	v3 =	vor.u32 v2, v4;
	[tilespmem:$0x140] =	vst v63  }
0x3f: {  	s16 =	simm.s32 $0x20;
	s17 =	sadd.s32 $0x10, s15;
	s15 =	smov.u32 s14;
	v2 =	vshrl.u32 v0, $0x5;
	v1 =	vor.u32 v1, v3  }
.LBB2_3:
0x40: {  	s16 =	sadd.s32 $0x10, s16;
	vm1 =	veq.s32 v0, $0x80000000;
	v3 =	vand.u32 $0x1F, v0;
	v0 =	vld.msk [tilespmem:s17+$0x0 ss:$0x1], $0xffff;
	v2 =	vand.u32 $0x3FF, v2  }
0x41: {  	p0 =	slt.u32 s16, $0x40;
	v3 =	vsel vm1, $0xFFFFFFFF, v3;
	v2 =	vsel vm1, $0xFFFFFFFF, v2  }
.Ltmp3:
0x42: {  	v4 =	vshll.u32 v3, $0xA;
	v5 =	vshll.u32 v2, $0x3;
	(pc) =	sbr.rel @p0 .LBB2_3-.Ltmp3, $4  }
0x43: {  	s15 =	sadd.s32 $0x10, s15;
	v3 =	vshll.u32 v3, $0x7;
	v4 =	vand.u32 $0xFFFFE000, v4;
	v5 =	vand.u32 $0xFFFFFC00, v5;
	(ifvalue) =	ssetifvalue $0x7FFFFFFF  }
0x44: {  	v3 =	vand.u32 $0x380, v3;
	v4 =	vadd.s32 v4, v5;
	[tilespmem:s15], [sflag:$0x1] =	stream.indirect_vreg.gather [hbm4b:s3+s10], $0x1, v1, vm0, $0x4038;
	[tilespmem:$0x140] =	vst v63  }
0x45: {  	v1 =	vand.u32 $0x7F, v2;
	v3 =	vor.u32 v3, v4  }
0x46: {  	s17 =	sadd.s32 $0x10, s17;
	v2 =	vshrl.u32 v0, $0x5;
	v1 =	vor.u32 v1, v3  }
.Ltmp4:
0x47: {  	_ = 	snop;
	(pc) =	sbr.rel .LBB2_4-.Ltmp4, $1  }
0x48: {  	_ =	sdelay $0x3  }
.LBB2_6:
0x49: {  	_ =	sfence.sel $0x180000  }
0x4a: {  	s2 =	simm.s32 $0x2;
	[bflag:$0x0] =	sbarrier.arrive $0xFFFF  }
0x4b: {  	s30 =	simm.s32 $0x3;
	[sflag:s2] =	ssyncpa.u1 $0x1  }
0x4c: {  	s31 =	simm.s32 $0x1;
	[sflag:s30] =	ssyncpa.u1 $0x1  }
0x4d: {  	[sflag:s31] =	ssyncpa.u1 $0x1  }
0x4e: {  	p0 =	sne.s32 s1, $0x0;
	_ =	strace $0x90000062  }
0x4f: {  	s0 =	sadd.s32 @!p0 $0x100000, s0;
	[bflag:$0x2] =	sbarrier.arrive $0xFFFF  }
0x50: {  	[sflag:s0] =	ssyncadd.tile.s32 @!p0 $0x1;
	_ =	shalt  }
.Lfunc_end2:
_tile_overlayer_lowered:
.L_overlay_start_2:
0x51: {  	(tag) =	ssettag $0x2  }
0x52: {  	s0 =	rddreg [dreg:$0x0];
	s2 =	stileid.u32  }
0x53: {  	s1 =	rddreg [dreg:$0x1];
	p0 =	sne.s32 s2, $0x0  }
0x54: {  	s3 =	rddreg [dreg:$0x2];
	[bflag:$0x3] =	sbarrier.arrive $0xFFFF;
	s2 =	simm.s32 @!p0 $0x1C01  }
0x55: {  	[timem:s3], [sflag:s2] =	dma.local @!p0 [hbm:s0], s1  }
0x56: {  	s0 =	simm.s32 @!p0 $0x1  }
0x57: {  	_ =	swait.ge @!p0 [sflag:s0], s1  }
0x58: {  	s1 =	ssub.s32 @!p0 $0x0, s1;
	[sflag:s0] =	ssyncset.done @!p0 $0x0  }
0x59: {  	[sflag:s0] =	ssyncadd.s32 @!p0 s1  }
0x5a: {  	[bflag:$0x3] =	sbarrier.arrive $0xFFFF  }
0x5b: {  	_ =	shalt  }

// kernel: gather_offload_async_start
scs
__scs_entry_jumppad:
0x0: {  	(pc) =	sbr.rel $0x88, $3  }
0x1: {  	(tag) =	ssettag $0x0;
	lr =	simm.s32 $0x1  }
0x2: {  	[smem:$0x3F9E] =	sst lr;
	_ =	strace $0xD0000000  }
0x3: {  	_ = 	snop  }
0x4: {  	_ = 	snop  }
0x5: {  	_ = 	snop  }
0x6: {  	_ = 	snop  }
0x7: {  	_ = 	snop  }
__scs_overlays_trampoline_lowered:
0x8: {  	[smem:$0x3FAD] =	sst s0  }
0x9: {  	[smem:$0x3FAE] =	sst s1  }
0xa: {  	[smem:$0x3FAF] =	sst s2  }
0xb: {  	[smem:$0x3FB0] =	sst s3  }
0xc: {  	[smem:$0x3FB1] =	sst s4  }
0xd: {  	[smem:$0x3FB2] =	sst s5  }
0xe: {  	[smem:$0x3FB3] =	sst s6  }
0xf: {  	[smem:$0x3FB4] =	sst s7  }
0x10: {  	[smem:$0x3FB5] =	sst s8  }
0x11: {  	[smem:$0x3FB6] =	sst s9;
	s0 =	simm.s32 @!p0 $0x0  }
0x12: {  	s1 =	sld [smem:$0x3F9C];
	s0 =	simm.s32 @p0 $0x1  }
0x13: {  	[smem:$0x3FB7] =	sst s0;
	s0 =	simm.s32 @!p1 $0x0  }
0x14: {  	s2 =	sld [smem:$0x3F9B];
	s0 =	simm.s32 @p1 $0x1  }
0x15: {  	[smem:$0x3FB8] =	sst s0;
	s0 =	simm.s32 @!p2 $0x0  }
0x16: {  	s3 =	sld [smem:$0x3FDB];
	s0 =	simm.s32 @p2 $0x1  }
0x17: {  	s4 =	simm.s32 $0x1BF5;
	[smem:$0x3FBA] =	sst s0  }
0x18: {  	s0 =	sld [smem:$0x3F9D];
	_ =	swait.ge [sflag:s4], $0x0  }
0x19: {  	s7 =	sld [smem:$0x3F9E]  }
0x1a: {  	s8 =	sadd.s32 $0xFFFFE003, lr  }
0x1b: {  	s9 =	sadd.s32 $0xFFFFFEF7, lr;
	s5 =	simm.s32 $0xFFFFFFFF;
	p2 =	slt.u32 s8, $0xFFFFF086  }
0x1c: {  	p1 =	slt.u32 s9, $0xF7A;
	s5 =	simm.s32 @!p2 $0x0  }
0x1d: {  	s5 =	simm.s32 @p1 $0x1;
	p0 =	seq.s32 s7, s2  }
0x1e: {  	s7 =	smul.u32 @!p0 $0xF7A, s2;
	p2 =	seq.s32 @!p0 s5, $0x0  }
0x1f: {  	s9 =	smul.u32 $0xF7A, s1;
	s8 =	simm.s32 @!p0 $0x1BF5;
	p2 =	por !p2, p0  }
0x20: {  	[sflag:s8] =	ssyncset.s32 @!p0 $0xFFFFF086;
	s6 =	sadd.s32 @!p0 s3, s7;
	s7 =	simm.s32 @!p0 $0x108  }
0x21: {  	s3 =	sadd.s32 s3, s9;
	s6 =	sadd.s32 @!p0 $0x88, s6;
	s7 =	simm.s32 @p2 $0x1082  }
0x22: {  	[simem:s7], [sflag:s8] =	dma.local @!p0 [hbm:s6], $0xF7A  }
0x23: {  	s9 =	sor.u32 $0xD0000000, s2;
	s6 =	simm.s32 $0x108;
	_ =	swait.ge @!p0 [sflag:s8], $0x0  }
0x24: {  	s3 =	sadd.s32 $0x88, s3;
	s6 =	simm.s32 @!p1 $0x1082;
	[sflag:s4] =	ssyncset.s32 $0xFFFFF086  }
0x25: {  	[simem:s6], [sflag:s4] =	dma.local [hbm:s3], $0xF7A  }
0x26: {  	[smem:$0x3F9E] =	sst s1;
	(tag) =	ssettag s2;
	_ =	strace s9  }
0x27: {  	s1 =	sld [smem:$0x3FAE]  }
0x28: {  	s2 =	sld [smem:$0x3FAF]  }
0x29: {  	s4 =	sld [smem:$0x3FB1]  }
0x2a: {  	p0 =	seq.s32 s5, $0x0;
	s5 =	sld [smem:$0x3FB2]  }
0x2b: {  	s6 =	sld [smem:$0x3FB3]  }
0x2c: {  	s7 =	sld [smem:$0x3FB4]  }
0x2d: {  	s3 =	simm.s32 $0x108;
	s8 =	sld [smem:$0x3FB5]  }
0x2e: {  	s3 =	simm.s32 @!p0 $0x1082;
	s9 =	sld [smem:$0x3FB6]  }
0x2f: {  	lr =	sadd.s32 s0, s3;
	s0 =	sld [smem:$0x3FAD]  }
0x30: {  	s3 =	sld [smem:$0x3FB0]  }
0x31: {  	[smem:$0x3FB9] =	sst s10  }
0x32: {  	s10 =	sld [smem:$0x3FB7];
	_ =	sdelay $0x3  }
0x33: {  	p0 =	seq.s32 s10, $0x1;
	s10 =	sld [smem:$0x3FB9];
	_ =	sdelay $0x3  }
0x34: {  	[smem:$0x3FB9] =	sst s10  }
0x35: {  	s10 =	sld [smem:$0x3FB8];
	_ =	sdelay $0x3  }
0x36: {  	p1 =	seq.s32 s10, $0x1;
	s10 =	sld [smem:$0x3FB9];
	_ =	sdelay $0x3  }
0x37: {  	[smem:$0x3FB9] =	sst s10  }
0x38: {  	s10 =	sld [smem:$0x3FBA]  }
0x39: {  	_ = 	snop;
	(pc) =	sbr.ind lr, $3  }
0x3a: {  	_ = 	snop  }
0x3b: {  	_ = 	snop  }
0x3c: {  	p2 =	seq.s32 s10, $0x1;
	s10 =	sld [smem:$0x3FB9]  }
0x3d: {  	_ =	shalt  }
0x3e: {  	_ =	shalt  }
0x3f: {  	_ =	shalt  }
0x40: {  	_ =	shalt  }
0x41: {  	_ =	shalt  }
0x42: {  	_ =	shalt  }
0x43: {  	_ =	shalt  }
0x44: {  	_ =	shalt  }
0x45: {  	_ =	shalt  }
0x46: {  	_ =	shalt  }
0x47: {  	_ =	shalt  }
0x48: {  	_ =	shalt  }
0x49: {  	_ =	shalt  }
0x4a: {  	_ =	shalt  }
0x4b: {  	_ =	shalt  }
0x4c: {  	_ =	shalt  }
0x4d: {  	_ =	shalt  }
0x4e: {  	_ =	shalt  }
0x4f: {  	_ =	shalt  }
0x50: {  	_ =	shalt  }
0x51: {  	_ =	shalt  }
0x52: {  	_ =	shalt  }
0x53: {  	_ =	shalt  }
0x54: {  	_ =	shalt  }
0x55: {  	_ =	shalt  }
0x56: {  	_ =	shalt  }
0x57: {  	_ =	shalt  }
0x58: {  	_ =	shalt  }
0x59: {  	_ =	shalt  }
0x5a: {  	_ =	shalt  }
0x5b: {  	_ =	shalt  }
0x5c: {  	_ =	shalt  }
0x5d: {  	_ =	shalt  }
0x5e: {  	_ =	shalt  }
0x5f: {  	_ =	shalt  }
0x60: {  	_ =	shalt  }
0x61: {  	_ =	shalt  }
0x62: {  	_ =	shalt  }
0x63: {  	_ =	shalt  }
0x64: {  	_ =	shalt  }
0x65: {  	_ =	shalt  }
0x66: {  	_ =	shalt  }
0x67: {  	_ =	shalt  }
0x68: {  	_ =	shalt  }
0x69: {  	_ =	shalt  }
0x6a: {  	_ =	shalt  }
0x6b: {  	_ =	shalt  }
0x6c: {  	_ =	shalt  }
0x6d: {  	_ =	shalt  }
0x6e: {  	_ =	shalt  }
0x6f: {  	_ =	shalt  }
0x70: {  	_ =	shalt  }
0x71: {  	_ =	shalt  }
0x72: {  	_ =	shalt  }
0x73: {  	_ =	shalt  }
0x74: {  	_ =	shalt  }
0x75: {  	_ =	shalt  }
0x76: {  	_ =	shalt  }
0x77: {  	_ =	shalt  }
0x78: {  	_ =	shalt  }
0x79: {  	_ =	shalt  }
0x7a: {  	_ =	shalt  }
0x7b: {  	_ =	shalt  }
0x7c: {  	_ =	shalt  }
0x7d: {  	_ =	shalt  }
0x7e: {  	_ =	shalt  }
0x7f: {  	_ =	shalt  }
0x80: {  	_ =	shalt  }
0x81: {  	_ =	shalt  }
0x82: {  	_ =	shalt  }
0x83: {  	_ =	shalt  }
0x84: {  	_ =	shalt  }
0x85: {  	_ =	shalt  }
0x86: {  	_ =	shalt  }
0x87: {  	_ =	shalt  }
.Lfunc_end0:
.L_simem_size_0:
called_computation_lowered:
.L_overlay_start_0:
0x88: {  	s2 =	sld [smem:$0x3FD9]  }
0x89: {  	s3 =	sld [smem:$0x3FFE];
	_ =	sdelay $0x1  }
0x8a: {  	s1 =	srdreg.scid  }
0x8b: {  	s0 =	sand.u32 $0x1, s1  }
0x8c: {  	s16 =	sshll.u32 s0, $0xA;
	s2 =	sadd.s32 s3, s2  }
0x8d: {  	s2 =	sadd.s32 s2, s16  }
0x8e: {  	[smem:$0x3FC5] =	sst s2  }
0x8f: {  	_ = 	snop  }
0x90: {  	(tm) =	ssettm $0x1  }
0x91: {  	s17 =	sld [smem:$0x3FFB];
	_ =	sdelay $0x3  }
0x92: {  	_ =	strace s17  }
0x93: {  	s2 =	sld [smem:$0x3FFC];
	_ =	sdelay $0x3  }
0x94: {  	_ =	strace s2  }
0x95: {  	s2 =	sld [smem:$0x3FFD];
	_ =	sdelay $0x3  }
0x96: {  	_ =	strace s2  }
0x97: {  	_ =	strace $0x8FFFFFFF  }
0x98: {  	s18 =	sld [smem:$0x3FDB];
	_ =	sdelay $0x1  }
0x99: {  	s19 =	simm.s32 $_scs_section_size  }
0x9a: {  	s4 =	simm.s32 $_size__tile_overlayer_lowered;
	s5 =	simm.s32 $_tile_overlayer_lowered  }
0x9b: {  	s22 =	simm.s32 $0x1BFF;
	s21 =	sshll.u32 s5, $0x1;
	s2 =	sadd.s32 s19, s18  }
0x9c: {  	s6 =	simm.s32 $0x0;
	s20 =	sshll.u32 s4, $0x1;
	s4 =	sadd.s32 s21, s2  }
0x9d: {  	[timem:s6], [sflag:s22] =	dma.local [hbm:s4], s20  }
0x9e: {  	_ =	swait.ge [sflag:s22], s20  }
0x9f: {  	s3 =	ssub.s32 $0x0, s20;
	[sflag:s22] =	ssyncset.done $0x0  }
0xa0: {  	[sflag:s22] =	ssyncadd.s32 s3;
	_ =	sdelay $0x1  }
0xa1: {  	s23 =	simm.s32 $0x1B8B  }
0xa2: {  	_ =	swait.ge [sflag:s23], $0x1  }
0xa3: {  	[sflag:s23] =	ssyncset.done $0x0  }
0xa4: {  	s25 =	simm.s32 $0x1B8E;
	s24 =	sld [smem:$0x3FFE];
	[sflag:s23] =	ssyncadd.s32 $0xFFFFFFFF  }
0xa5: {  	s26 =	simm.s32 $execute0_lowered;
	[smem:$0x3FD2] =	sst s25  }
0xa6: {  	s4 =	sshll.u32 s26, $0x1;
	_ =	strace $0x80000049;
	[dreg:$0x1] =	wrdreg $0xFFFFFFFF  }
0xa7: {  	s28 =	simm.s32 $_size_execute0_lowered;
	s2 =	sadd.s32 s2, s4;
	[dreg:$0x0] =	wrdreg $0x0  }
0xa8: {  	s4 =	sshll.u32 s28, $0x1;
	[dreg:$0x2] =	wrdreg s2  }
0xa9: {  	[dreg:$0x3] =	wrdreg s4  }
0xaa: {  	[dreg:$0x4] =	wrdreg $0xC0  }
0xab: {  	_ =	task [dreg:s6], $0x5FFFF  }
0xac: {  	[dreg:$0x1] =	wrdreg $0xFFFFFFFF  }
0xad: {  	[dreg:$0x0] =	wrdreg $0x60  }
0xae: {  	[dreg:$0x2] =	wrdreg s24  }
0xaf: {  	[dreg:$0x3] =	wrdreg $0x9  }
0xb0: {  	_ =	task.clear_ibuf [dreg:s6], $0x4FFFF;
	_ =	strace $0x90000049  }
0xb1: {  	s29 =	simm.s32 $0x9;
	_ =	strace $0x8000004B  }
0xb2: {  	_ =	swait.ge [sflag:s29], $0x1  }
0xb3: {  	[sflag:s29] =	ssyncadd.s32 $0xFFFFFFFF  }
0xb4: {  	_ =	strace $0x9000004B  }
0xb5: {  	_ =	sfence  }
0xb6: {  	s30 =	sld [smem:$0x0];
	_ =	sdelay $0x2  }
0xb7: {  	s31 =	sshll.u32 s1, $0xD;
	s1 =	sshrl.u32 s1, $0x2  }
0xb8: {  	s3 =	sand.u32 $0x4000, s31;
	s1 =	sadd.s32 s1, s30  }
0xb9: {  	s0 =	sor.u32 s3, s0;
	s1 =	sshll.u32 s1, $0x11  }
0xba: {  	s0 =	sor.u32 s1, s0  }
0xbb: {  	s0 =	sadd.s32 $0x8F2B, s0  }
0xbc: {  	[sflag:s0] =	ssyncadd.remote.s32 $0x1  }
0xbd: {  	_ =	sfence.sel $0xFFFF  }
0xbe: {  	[dreg:$0x0] =	wrdreg $0xFFFFFFFF;
	(pc) =	sbr.abs _section_cstart, $3  }
0xbf: {  	[dreg:$0x1] =	wrdreg $0xFFFFFFFF  }
0xc0: {  	_ =	task.clear_ibuf [dreg:s6], $0x2FFFF;
	_ =	strace $0x9FFFFFFF  }
0xc1: {  	(tm) =	ssettm $0x7FFFFFFF  }
tec
execute0_lowered:
.L_overlay_start_1:
0x0: {  	(tag) =	ssettag $0x1  }
0x1: {  	s1 =	srdreg.scid  }
0x2: {  	s0 =	stileid.u32;
	s2 =	rddreg [dreg:$0x0];
	s6 =	simm.s32 $0x1  }
0x3: {  	s9 =	simm.s32 $0x1;
	s10 =	simm.s32 $0x3;
	s1 =	sshll.u32 s1, $0xA  }
0x4: {  	s13 =	simm.s32 $0x0;
	s3 =	sshll.u32 s0, $0xB;
	s4 =	sand.u32 $0x400, s1  }
0x5: {  	s12 =	simm.s32 $0x0;
	s5 =	sadd.s32 $0x4CC00, s2;
	s3 =	sor.u32 s3, s4  }
0x6: {  	s1 =	rddreg [dreg:$0x1];
	_ =	strace $0x8000004A;
	s8 =	ssub.s32 $0xA000, s3  }
.Ltmp0:
0x7: {  	s4 =	sadd.s32 $0x4B400, s2;
	s7 =	sand.u32 $0x7C00, s8;
	(pc) =	sbr.rel .LBB2_1-.Ltmp0, $4  }
0x8: {  	[sflag:s6] =	ssyncpa.u1 $0x0;
	s11 =	smov.u32 s3;
	p0 =	sne.s32 s7, $0x0  }
0x9: {  	s8 =	sshrl.u32 s8, $0xF;
	s7 =	simm.s32 $0x2;
	s9 =	simm.s32 @!p0 $0x0  }
0xa: {  	[sflag:s7] =	ssyncpa.u1 $0x0;
	p0 =	por $0x0, $0x0;
	s8 =	sadd.s32 s9, s8  }
0xb: {  	vm0 =	vmmov $0xffff;
	[sflag:s10] =	ssyncpa.u1 $0x0;
	s10 =	simm.s32 $0x0;
	s9 =	sadd.s32 $0x1, s8  }
.LBB2_4:
0xc: {  	vm1 =	veq.s32 v4, $0x80000000;
	v56 =	vand.u32 $0x1F, v4;
	v6 =	vand.u32 $0x7FFF, v6  }
0xd: {  	v2 =	vor.u32 v2, v5;
	v59 =	vshrl.u32 v1, $0x5;
	v60 =	vand.u32 $0x1F, v1  }
0xe: {  	v4 =	vsel vm1, $0xFFFFFFFF, v56;
	v6 =	vsel vm1, $0xFFFFFFFF, v6;
	v2 =	vor.u32 v3, v2  }
0xf: {  	vm1 =	veq.s32 v1, $0x80000000;
	v5 =	vand.u32 $0x7FFF, v59;
	v7 =	vshrl.u32 v4, $0x3  }
0x10: {  	v57 =	vshll.u32 v6, $0x3;
	v4 =	vshll.u32 v4, $0x7;
	v1 =	vsel vm1, $0xFFFFFFFF, v60  }
0x11: {  	v5 =	vsel vm1, $0xFFFFFFFF, v5;
	v6 =	vand.u32 $0x7F, v6;
	v7 =	vmul.u32 $0x27400, v7  }
0x12: {  	v58 =	vand.u32 $0xFFFFFC00, v57;
	v4 =	vand.u32 $0x380, v4;
	v61 =	vshrl.u32 v1, $0x3  }
0x13: {  	v62 =	vshll.u32 v5, $0x3;
	v3 =	vadd.s32 v7, v58;
	v7 =	vmul.u32 $0x27400, v61  }
0x14: {  	v1 =	vshll.u32 v1, $0x7;
	v3 =	vor.u32 v4, v3;
	v4 =	vand.u32 $0xFFFFFC00, v62  }
0x15: {  	v1 =	vand.u32 $0x380, v1;
	v3 =	vor.u32 v6, v3;
	v4 =	vadd.s32 v7, v4  }
0x16: {  	[tilespmem:s16], [sflag:$0x1] =	stream.indirect_vreg.gather [hbm4b:s2+s10], $0x1, v0, vm0, $0x4038;
	v63 =	vand.u32 $0x7F, v5;
	v1 =	vor.u32 v1, v4;
	[tilespmem:$0x1000] =	vst v63  }
0x17: {  	s15 =	sadd.s32 $0x10, s15;
	(ifvalue) =	ssetifvalue $0x7FFFFFFF;
	v0 =	vor.u32 v63, v1  }
0x18: {  	[tilespmem:s15], [sflag:$0x1] =	stream.indirect_vreg.gather [hbm4b:s2+s10], $0x1, v2, vm0, $0x4038;
	[tilespmem:$0x1000] =	vst v63  }
0x19: {  	s15 =	sadd.s32 $0x10, s15;
	(ifvalue) =	ssetifvalue $0x7FFFFFFF  }
0x1a: {  	[tilespmem:s15], [sflag:$0x1] =	stream.indirect_vreg.gather [hbm4b:s2+s10], $0x1, v3, vm0, $0x4038;
	[tilespmem:$0x1000] =	vst v63  }
0x1b: {  	s15 =	sadd.s32 $0x10, s15;
	(ifvalue) =	ssetifvalue $0x7FFFFFFF  }
0x1c: {  	[tilespmem:s15], [sflag:$0x1] =	stream.indirect_vreg.gather [hbm4b:s2+s10], $0x1, v0, vm0, $0x4038;
	[tilespmem:$0x1000] =	vst v63  }
0x1d: {  	_ =	swait.ge [sflag:s6], $0x400  }
0x1e: {  	s30 =	sshrl.u32 s13, $0x3;
	[sflag:s6] =	ssyncset.done $0x0  }
0x1f: {  	s31 =	sand.u32 $0x7, s13;
	s15 =	sadd.s32 s5, s30;
	[sflag:s6] =	ssyncadd.s32 $0xFFFFFC00  }
0x20: {  	[hbm4b:s15+s31] =	stream.linear.scatter [tilespmem:s14], [sflag:$0x3], $0x400, $0x38;
	[tilespmem:$0x1000] =	vst v63  }
.LBB2_5:
0x21: {  	s15 =	sadd.s32 $0x8000, s11  }
0x22: {  	p2 =	sgt.s32 s15, $0x9FFF  }
0x23: {  	s15 =	smov.u32 @p2 s3;
	p2 =	sne.s32 s12, s9  }
.Ltmp1:
0x24: {  	p1 =	slt.u32 s12, $0x2;
	(pc) =	sbr.rel @!p2 .LBB2_6-.Ltmp1, $4  }
0x25: {  	s14 =	simm.s32 @!p1 $0x3  }
0x26: {  	s16 =	sadd.s32 $0x1, s12;
	_ =	swait.ge @!p1 [sflag:s14], $0x400  }
0x27: {  	s13 =	smov.u32 s11;
	p0 =	por !p0, !p0;
	[sflag:s14] =	ssyncset.done @!p1 $0x0  }
0x28: {  	s12 =	smov.u32 s16;
	s11 =	smov.u32 s15;
	[sflag:s14] =	ssyncadd.s32 @!p1 $0xFFFFFC00  }
.LBB2_1:
0x29: {  	p1 =	sge.u32 s12, s8  }
0x2a: {  	s14 =	sxor.u32 @!p1 $0xFFFFFFFF, s12  }
0x2b: {  	s31 =	sadd.s32 $0xFFFFFFFF, s12;
	s15 =	sshrl.u32 @!p1 s11, $0x3;
	s14 =	sshll.u32 @!p1 s14, $0xA  }
0x2c: {  	s16 =	sand.u32 @!p1 $0x7, s11;
	s15 =	sadd.s32 @!p1 s4, s15;
	s14 =	sand.u32 @!p1 $0x400, s14  }
0x2d: {  	[tilespmem:s14], [sflag:$0x2] =	stream.linear.gather @!p1 [hbm4b:s15+s16], $0x400, $0x38;
	[tilespmem:$0x1000] =	vst v63  }
0x2e: {  	p1 =	sge.u32 s31, s8  }
.Ltmp2:
0x2f: {  	_ = 	snop;
	(pc) =	sbr.rel @p1 .LBB2_5-.Ltmp2, $1  }
0x30: {  	_ =	sdelay $0x3  }
0x31: {  	s14 =	simm.s32 $0x1  }
0x32: {  	_ =	swait.ge [sflag:s7], $0x400;
	s14 =	simm.s32 @!p0 $0x0  }
0x33: {  	[sflag:s7] =	ssyncset.done $0x0;
	s14 =	sshll.u32 s14, $0xA  }
0x34: {  	[sflag:s7] =	ssyncadd.s32 $0xFFFFFC00;
	(ifvalue) =	ssetifvalue $0x7FFFFFFF;
	v0 =	vld.msk [tilespmem:s14+$0x0 ss:$0x1], $0xffff  }
0x35: {  	s15 =	sadd.s32 $0x10, s14  }
0x36: {  	v1 =	vld.msk [tilespmem:s15+$0x0 ss:$0x1], $0xffff;
	_ =	sdelay $0x2  }
0x37: {  	v2 =	vshrl.u32 v0, $0x5  }
0x38: {  	vm1 =	veq.s32 v0, $0x80000000;
	v0 =	vand.u32 $0x1F, v0;
	v2 =	vand.u32 $0x7FFF, v2  }
0x39: {  	v0 =	vsel vm1, $0xFFFFFFFF, v0;
	v6 =	vshrl.u32 v1, $0x5;
	v2 =	vsel vm1, $0xFFFFFFFF, v2  }
0x3a: {  	v3 =	vshrl.u32 v0, $0x3;
	v0 =	vshll.u32 v0, $0x7;
	vm1 =	veq.s32 v1, $0x80000000  }
0x3b: {  	s15 =	sadd.s32 $0x10, s15;
	v1 =	vand.u32 $0x1F, v1;
	v4 =	vshll.u32 v2, $0x3;
	v3 =	vmul.u32 $0x27400, v3  }
0x3c: {  	v0 =	vand.u32 $0x380, v0;
	v7 =	vand.u32 $0x7F, v2;
	v5 =	vand.u32 $0xFFFFFC00, v4;
	v4 =	vld.msk [tilespmem:s15+$0x0 ss:$0x1], $0xffff  }
0x3d: {  	v1 =	vsel vm1, $0xFFFFFFFF, v1;
	v2 =	vadd.s32 v3, v5;
	v3 =	vand.u32 $0x7FFF, v6  }
0x3e: {  	v3 =	vsel vm1, $0xFFFFFFFF, v3;
	v0 =	vor.u32 v0, v2;
	v2 =	vshrl.u32 v1, $0x3  }
0x3f: {  	s16 =	sshll.u32 s12, $0xA;
	s18 =	simm.s32 $0x30;
	v1 =	vshll.u32 v1, $0x7;
	v5 =	vshll.u32 v3, $0x3;
	v8 =	vmul.u32 $0x27400, v2  }
0x40: {  	s31 =	sand.u32 $0x400, s16;
	s17 =	sadd.s32 $0x10, s15;
	s15 =	sor.u32 $0x800, s14;
	v2 =	vand.u32 $0x380, v1;
	v0 =	vor.u32 v7, v0;
	v5 =	vand.u32 $0xFFFFFC00, v5  }
0x41: {  	s14 =	sor.u32 $0x800, s31;
	s16 =	smov.u32 s15;
	v1 =	vld.msk [tilespmem:s17+$0x0 ss:$0x1], $0xffff;
	v3 =	vand.u32 $0x7F, v3;
	(ifvalue) =	ssetifvalue $0x7FFFFFFF;
	v6 =	vshrl.u32 v4, $0x5;
	v5 =	vadd.s32 v8, v5  }
.LBB2_3:
0x42: {  	s18 =	sadd.s32 $0x10, s18  }
0x43: {  	vm1 =	veq.s32 v4, $0x80000000;
	v4 =	vand.u32 $0x1F, v4;
	v6 =	vand.u32 $0x7FFF, v6;
	s15 =	sadd.s32 $0x10, s15;
	p1 =	slt.u32 s18, $0x3F0  }
.Ltmp3:
0x44: {  	v5 =	vor.u32 v2, v5;
	v4 =	vsel vm1, $0xFFFFFFFF, v4;
	v7 =	vsel vm1, $0xFFFFFFFF, v6;
	(pc) =	sbr.rel @p1 .LBB2_3-.Ltmp3, $4  }
0x45: {  	v2 =	vshrl.u32 v4, $0x3;
	v6 =	vshll.u32 v7, $0x3;
	v4 =	vshll.u32 v4, $0x7;
	[tilespmem:s16], [sflag:$0x1] =	stream.indirect_vreg.gather [hbm4b:s2+s10], $0x1, v0, vm0, $0x4038;
	[tilespmem:$0x1000] =	vst v63  }
0x46: {  	v0 =	vor.u32 v3, v5;
	s16 =	smov.u32 s15;
	v8 =	vmul.u32 $0x27400, v2;
	v2 =	vand.u32 $0x380, v4  }
0x47: {  	s17 =	sadd.s32 $0x10, s17;
	v9 =	vand.u32 $0xFFFFFC00, v6  }
0x48: {  	v3 =	vand.u32 $0x7F, v7;
	v6 =	vshrl.u32 v1, $0x5;
	v5 =	vadd.s32 v8, v9;
	(ifvalue) =	ssetifvalue $0x7FFFFFFF;
	v4 =	vmovc v1;
	v1 =	vld.msk [tilespmem:s17+$0x0 ss:$0x1], $0xffff  }
.Ltmp4:
0x49: {  	_ = 	snop;
	(pc) =	sbr.rel .LBB2_4-.Ltmp4, $1  }
0x4a: {  	_ =	sdelay $0x3  }
.LBB2_6:
0x4b: {  	_ =	sfence.sel $0x180000  }
0x4c: {  	s2 =	simm.s32 $0x2;
	[bflag:$0x0] =	sbarrier.arrive $0xFFFF  }
0x4d: {  	s30 =	simm.s32 $0x3;
	[sflag:s2] =	ssyncpa.u1 $0x1  }
0x4e: {  	s31 =	simm.s32 $0x1;
	[sflag:s30] =	ssyncpa.u1 $0x1  }
0x4f: {  	[sflag:s31] =	ssyncpa.u1 $0x1  }
0x50: {  	p0 =	sne.s32 s0, $0x0;
	_ =	strace $0x9000004A  }
0x51: {  	s0 =	sadd.s32 @!p0 $0x100000, s1;
	[bflag:$0x2] =	sbarrier.arrive $0xFFFF  }
0x52: {  	[sflag:s0] =	ssyncadd.tile.s32 @!p0 $0x1;
	_ =	shalt  }
.Lfunc_end2:
_tile_overlayer_lowered:
.L_overlay_start_2:
0x53: {  	(tag) =	ssettag $0x2  }
0x54: {  	s0 =	rddreg [dreg:$0x0];
	s2 =	stileid.u32  }
0x55: {  	s1 =	rddreg [dreg:$0x1];
	p0 =	sne.s32 s2, $0x0  }
0x56: {  	s3 =	rddreg [dreg:$0x2];
	[bflag:$0x3] =	sbarrier.arrive $0xFFFF;
	s2 =	simm.s32 @!p0 $0x1C01  }
0x57: {  	[timem:s3], [sflag:s2] =	dma.local @!p0 [hbm:s0], s1  }
0x58: {  	s0 =	simm.s32 @!p0 $0x1  }
0x59: {  	_ =	swait.ge @!p0 [sflag:s0], s1  }
0x5a: {  	s1 =	ssub.s32 @!p0 $0x0, s1;
	[sflag:s0] =	ssyncset.done @!p0 $0x0  }
0x5b: {  	[sflag:s0] =	ssyncadd.s32 @!p0 s1  }
0x5c: {  	[bflag:$0x3] =	sbarrier.arrive $0xFFFF  }
0x5d: {  	_ =	shalt  }

// kernel: kernel.5.cloned.1.call-start
scs
__scs_entry_jumppad:
0x0: {  	(pc) =	sbr.rel $0x88, $3  }
0x1: {  	(tag) =	ssettag $0x0;
	lr =	simm.s32 $0x1  }
0x2: {  	[smem:$0x3F9E] =	sst lr;
	_ =	strace $0xD0000000  }
0x3: {  	_ = 	snop  }
0x4: {  	_ = 	snop  }
0x5: {  	_ = 	snop  }
0x6: {  	_ = 	snop  }
0x7: {  	_ = 	snop  }
__scs_overlays_trampoline_lowered:
0x8: {  	[smem:$0x3FAD] =	sst s0  }
0x9: {  	[smem:$0x3FAE] =	sst s1  }
0xa: {  	[smem:$0x3FAF] =	sst s2  }
0xb: {  	[smem:$0x3FB0] =	sst s3  }
0xc: {  	[smem:$0x3FB1] =	sst s4  }
0xd: {  	[smem:$0x3FB2] =	sst s5  }
0xe: {  	[smem:$0x3FB3] =	sst s6  }
0xf: {  	[smem:$0x3FB4] =	sst s7  }
0x10: {  	[smem:$0x3FB5] =	sst s8  }
0x11: {  	[smem:$0x3FB6] =	sst s9;
	s0 =	simm.s32 @!p0 $0x0  }
0x12: {  	s1 =	sld [smem:$0x3F9C];
	s0 =	simm.s32 @p0 $0x1  }
0x13: {  	[smem:$0x3FB7] =	sst s0;
	s0 =	simm.s32 @!p1 $0x0  }
0x14: {  	s2 =	sld [smem:$0x3F9B];
	s0 =	simm.s32 @p1 $0x1  }
0x15: {  	[smem:$0x3FB8] =	sst s0;
	s0 =	simm.s32 @!p2 $0x0  }
0x16: {  	s3 =	sld [smem:$0x3FDB];
	s0 =	simm.s32 @p2 $0x1  }
0x17: {  	s4 =	simm.s32 $0x1BF5;
	[smem:$0x3FBA] =	sst s0  }
0x18: {  	s0 =	sld [smem:$0x3F9D];
	_ =	swait.ge [sflag:s4], $0x0  }
0x19: {  	s7 =	sld [smem:$0x3F9E]  }
0x1a: {  	s8 =	sadd.s32 $0xFFFFE003, lr  }
0x1b: {  	s9 =	sadd.s32 $0xFFFFFEF7, lr;
	s5 =	simm.s32 $0xFFFFFFFF;
	p2 =	slt.u32 s8, $0xFFFFF086  }
0x1c: {  	p1 =	slt.u32 s9, $0xF7A;
	s5 =	simm.s32 @!p2 $0x0  }
0x1d: {  	s5 =	simm.s32 @p1 $0x1;
	p0 =	seq.s32 s7, s2  }
0x1e: {  	s7 =	smul.u32 @!p0 $0xF7A, s2;
	p2 =	seq.s32 @!p0 s5, $0x0  }
0x1f: {  	s9 =	smul.u32 $0xF7A, s1;
	s8 =	simm.s32 @!p0 $0x1BF5;
	p2 =	por !p2, p0  }
0x20: {  	[sflag:s8] =	ssyncset.s32 @!p0 $0xFFFFF086;
	s6 =	sadd.s32 @!p0 s3, s7;
	s7 =	simm.s32 @!p0 $0x108  }
0x21: {  	s3 =	sadd.s32 s3, s9;
	s6 =	sadd.s32 @!p0 $0x88, s6;
	s7 =	simm.s32 @p2 $0x1082  }
0x22: {  	[simem:s7], [sflag:s8] =	dma.local @!p0 [hbm:s6], $0xF7A  }
0x23: {  	s9 =	sor.u32 $0xD0000000, s2;
	s6 =	simm.s32 $0x108;
	_ =	swait.ge @!p0 [sflag:s8], $0x0  }
0x24: {  	s3 =	sadd.s32 $0x88, s3;
	s6 =	simm.s32 @!p1 $0x1082;
	[sflag:s4] =	ssyncset.s32 $0xFFFFF086  }
0x25: {  	[simem:s6], [sflag:s4] =	dma.local [hbm:s3], $0xF7A  }
0x26: {  	[smem:$0x3F9E] =	sst s1;
	(tag) =	ssettag s2;
	_ =	strace s9  }
0x27: {  	s1 =	sld [smem:$0x3FAE]  }
0x28: {  	s2 =	sld [smem:$0x3FAF]  }
0x29: {  	s4 =	sld [smem:$0x3FB1]  }
0x2a: {  	p0 =	seq.s32 s5, $0x0;
	s5 =	sld [smem:$0x3FB2]  }
0x2b: {  	s6 =	sld [smem:$0x3FB3]  }
0x2c: {  	s7 =	sld [smem:$0x3FB4]  }
0x2d: {  	s3 =	simm.s32 $0x108;
	s8 =	sld [smem:$0x3FB5]  }
0x2e: {  	s3 =	simm.s32 @!p0 $0x1082;
	s9 =	sld [smem:$0x3FB6]  }
0x2f: {  	lr =	sadd.s32 s0, s3;
	s0 =	sld [smem:$0x3FAD]  }
0x30: {  	s3 =	sld [smem:$0x3FB0]  }
0x31: {  	[smem:$0x3FB9] =	sst s10  }
0x32: {  	s10 =	sld [smem:$0x3FB7];
	_ =	sdelay $0x3  }
0x33: {  	p0 =	seq.s32 s10, $0x1;
	s10 =	sld [smem:$0x3FB9];
	_ =	sdelay $0x3  }
0x34: {  	[smem:$0x3FB9] =	sst s10  }
0x35: {  	s10 =	sld [smem:$0x3FB8];
	_ =	sdelay $0x3  }
0x36: {  	p1 =	seq.s32 s10, $0x1;
	s10 =	sld [smem:$0x3FB9];
	_ =	sdelay $0x3  }
0x37: {  	[smem:$0x3FB9] =	sst s10  }
0x38: {  	s10 =	sld [smem:$0x3FBA]  }
0x39: {  	_ = 	snop;
	(pc) =	sbr.ind lr, $3  }
0x3a: {  	_ = 	snop  }
0x3b: {  	_ = 	snop  }
0x3c: {  	p2 =	seq.s32 s10, $0x1;
	s10 =	sld [smem:$0x3FB9]  }
0x3d: {  	_ =	shalt  }
0x3e: {  	_ =	shalt  }
0x3f: {  	_ =	shalt  }
0x40: {  	_ =	shalt  }
0x41: {  	_ =	shalt  }
0x42: {  	_ =	shalt  }
0x43: {  	_ =	shalt  }
0x44: {  	_ =	shalt  }
0x45: {  	_ =	shalt  }
0x46: {  	_ =	shalt  }
0x47: {  	_ =	shalt  }
0x48: {  	_ =	shalt  }
0x49: {  	_ =	shalt  }
0x4a: {  	_ =	shalt  }
0x4b: {  	_ =	shalt  }
0x4c: {  	_ =	shalt  }
0x4d: {  	_ =	shalt  }
0x4e: {  	_ =	shalt  }
0x4f: {  	_ =	shalt  }
0x50: {  	_ =	shalt  }
0x51: {  	_ =	shalt  }
0x52: {  	_ =	shalt  }
0x53: {  	_ =	shalt  }
0x54: {  	_ =	shalt  }
0x55: {  	_ =	shalt  }
0x56: {  	_ =	shalt  }
0x57: {  	_ =	shalt  }
0x58: {  	_ =	shalt  }
0x59: {  	_ =	shalt  }
0x5a: {  	_ =	shalt  }
0x5b: {  	_ =	shalt  }
0x5c: {  	_ =	shalt  }
0x5d: {  	_ =	shalt  }
0x5e: {  	_ =	shalt  }
0x5f: {  	_ =	shalt  }
0x60: {  	_ =	shalt  }
0x61: {  	_ =	shalt  }
0x62: {  	_ =	shalt  }
0x63: {  	_ =	shalt  }
0x64: {  	_ =	shalt  }
0x65: {  	_ =	shalt  }
0x66: {  	_ =	shalt  }
0x67: {  	_ =	shalt  }
0x68: {  	_ =	shalt  }
0x69: {  	_ =	shalt  }
0x6a: {  	_ =	shalt  }
0x6b: {  	_ =	shalt  }
0x6c: {  	_ =	shalt  }
0x6d: {  	_ =	shalt  }
0x6e: {  	_ =	shalt  }
0x6f: {  	_ =	shalt  }
0x70: {  	_ =	shalt  }
0x71: {  	_ =	shalt  }
0x72: {  	_ =	shalt  }
0x73: {  	_ =	shalt  }
0x74: {  	_ =	shalt  }
0x75: {  	_ =	shalt  }
0x76: {  	_ =	shalt  }
0x77: {  	_ =	shalt  }
0x78: {  	_ =	shalt  }
0x79: {  	_ =	shalt  }
0x7a: {  	_ =	shalt  }
0x7b: {  	_ =	shalt  }
0x7c: {  	_ =	shalt  }
0x7d: {  	_ =	shalt  }
0x7e: {  	_ =	shalt  }
0x7f: {  	_ =	shalt  }
0x80: {  	_ =	shalt  }
0x81: {  	_ =	shalt  }
0x82: {  	_ =	shalt  }
0x83: {  	_ =	shalt  }
0x84: {  	_ =	shalt  }
0x85: {  	_ =	shalt  }
0x86: {  	_ =	shalt  }
0x87: {  	_ =	shalt  }
.Lfunc_end0:
.L_simem_size_0:
called_computation.9_lowered:
.L_overlay_start_0:
0x88: {  	s2 =	sld [smem:$0x3FD9]  }
0x89: {  	s3 =	sld [smem:$0x3FFE];
	_ =	sdelay $0x1  }
0x8a: {  	s1 =	srdreg.scid  }
0x8b: {  	s0 =	sand.u32 $0x1, s1  }
0x8c: {  	s17 =	sshll.u32 s0, $0xA;
	s2 =	sadd.s32 s3, s2  }
0x8d: {  	s2 =	sadd.s32 s2, s17  }
0x8e: {  	[smem:$0x3FC5] =	sst s2  }
0x8f: {  	_ = 	snop  }
0x90: {  	s2 =	sld [smem:$0x3FD0];
	(tm) =	ssettm $0x1  }
0x91: {  	s18 =	sld [smem:$0x3FFB];
	_ =	sdelay $0x3  }
0x92: {  	_ =	strace s18  }
0x93: {  	s3 =	sld [smem:$0x3FFC];
	_ =	sdelay $0x3  }
0x94: {  	_ =	strace s3  }
0x95: {  	s3 =	sld [smem:$0x3FFD];
	_ =	sdelay $0x3  }
0x96: {  	_ =	strace s3  }
0x97: {  	_ =	strace $0x8FFFFFFF  }
0x98: {  	s19 =	sld [smem:$0x3FDB];
	_ =	sdelay $0x1  }
0x99: {  	s4 =	simm.s32 $_scs_section_size  }
0x9a: {  	s5 =	simm.s32 $_size__tile_overlayer_lowered;
	s6 =	simm.s32 $_tile_overlayer_lowered  }
0x9b: {  	s22 =	simm.s32 $0x1BFF;
	s21 =	sshll.u32 s6, $0x1;
	s3 =	sadd.s32 s4, s19  }
0x9c: {  	s7 =	simm.s32 $0x0;
	s20 =	sshll.u32 s5, $0x1;
	s5 =	sadd.s32 s21, s3  }
0x9d: {  	[timem:s7], [sflag:s22] =	dma.local [hbm:s5], s20  }
0x9e: {  	_ =	swait.ge [sflag:s22], s20  }
0x9f: {  	s4 =	ssub.s32 $0x0, s20;
	[sflag:s22] =	ssyncset.done $0x0  }
0xa0: {  	[sflag:s22] =	ssyncadd.s32 s4;
	_ =	sdelay $0x1  }
0xa1: {  	s23 =	simm.s32 $0x1B8B  }
0xa2: {  	_ =	swait.ge [sflag:s23], $0x1  }
0xa3: {  	[sflag:s23] =	ssyncset.done $0x0  }
0xa4: {  	s25 =	simm.s32 $0x1B8E;
	s24 =	sld [smem:$0x3FFE];
	[sflag:s23] =	ssyncadd.s32 $0xFFFFFFFF  }
0xa5: {  	s26 =	simm.s32 $execute0_lowered;
	[smem:$0x3FD2] =	sst s25  }
0xa6: {  	s5 =	sshll.u32 s26, $0x1;
	_ =	strace $0x80000046;
	[dreg:$0x1] =	wrdreg $0xFFFFFFFF  }
0xa7: {  	s28 =	simm.s32 $_size_execute0_lowered;
	s3 =	sadd.s32 s3, s5;
	[dreg:$0x0] =	wrdreg $0x0  }
0xa8: {  	s5 =	sshll.u32 s28, $0x1;
	[dreg:$0x2] =	wrdreg s3  }
0xa9: {  	[dreg:$0x3] =	wrdreg s5  }
0xaa: {  	[dreg:$0x4] =	wrdreg $0xC0  }
0xab: {  	_ =	task [dreg:s7], $0x5FFFF  }
0xac: {  	[dreg:$0x1] =	wrdreg $0xFFFFFFFF  }
0xad: {  	[dreg:$0x0] =	wrdreg $0x60  }
0xae: {  	[dreg:$0x2] =	wrdreg s24  }
0xaf: {  	[dreg:$0x3] =	wrdreg s2  }
0xb0: {  	[dreg:$0x4] =	wrdreg $0x9  }
0xb1: {  	_ =	task.clear_ibuf [dreg:s7], $0x5FFFF;
	_ =	strace $0x90000046  }
0xb2: {  	s29 =	simm.s32 $0x9;
	_ =	strace $0x80000048  }
0xb3: {  	_ =	swait.ge [sflag:s29], $0x1  }
0xb4: {  	[sflag:s29] =	ssyncadd.s32 $0xFFFFFFFF  }
0xb5: {  	_ =	strace $0x90000048  }
0xb6: {  	_ =	sfence  }
0xb7: {  	s30 =	sld [smem:$0x0];
	_ =	sdelay $0x2  }
0xb8: {  	s31 =	sshll.u32 s1, $0xD;
	s1 =	sshrl.u32 s1, $0x2  }
0xb9: {  	s3 =	sand.u32 $0x4000, s31;
	s1 =	sadd.s32 s1, s30  }
0xba: {  	s0 =	sor.u32 s3, s0;
	s1 =	sshll.u32 s1, $0x11  }
0xbb: {  	s0 =	sor.u32 s1, s0  }
0xbc: {  	s0 =	sadd.s32 $0x8F2B, s0  }
0xbd: {  	[sflag:s0] =	ssyncadd.remote.s32 $0x1  }
0xbe: {  	_ =	sfence.sel $0xFFFF  }
0xbf: {  	[dreg:$0x0] =	wrdreg $0xFFFFFFFF;
	(pc) =	sbr.abs _section_cstart, $3  }
0xc0: {  	[dreg:$0x1] =	wrdreg $0xFFFFFFFF  }
0xc1: {  	_ =	task.clear_ibuf [dreg:s7], $0x2FFFF;
	_ =	strace $0x9FFFFFFF  }
0xc2: {  	(tm) =	ssettm $0x7FFFFFFF  }
0xc3: {  	_ =	shalt  }
tec
execute0_lowered:
.L_overlay_start_1:
0x0: {  	(tag) =	ssettag $0x1  }
0x1: {  	s1 =	srdreg.scid  }
0x2: {  	s0 =	stileid.u32;
	s4 =	rddreg [dreg:$0x0]  }
0x3: {  	s5 =	rddreg [dreg:$0x1];
	s2 =	simm.s32 $0x0;
	s11 =	simm.s32 $0x4F00  }
0x4: {  	s12 =	simm.s32 $0x5300;
	s3 =	sand.u32 $0x1, s1;
	s31 =	sshll.u32 s0, $0x1  }
0x5: {  	s13 =	simm.s32 $0x5700;
	s14 =	simm.s32 $0x0;
	s1 =	sor.u32 s3, s31  }
0x6: {  	[smem:$0x7FF] =	sst s2;
	s3 =	ssub.s32 $0x2, s3;
	s6 =	smin.u32 s1, $0x13  }
0x7: {  	s1 =	rddreg [dreg:$0x2];
	_ =	strace $0x80000047;
	s9 =	sshrl.u32 s3, $0x1  }
0x8: {  	s7 =	smul.u32 $0x9C4, s6;
	s8 =	sshll.u32 s6, $0x7;
	s6 =	sshll.u32 s6, $0x1  }
0x9: {  	s9 =	ssub.s32 s3, s9;
	s8 =	sadd.s32 s8, s4;
	s10 =	sadd.s32 s6, s4  }
0xa: {  	s7 =	sadd.s32 s7, s4;
	s4 =	sadd.s32 s5, s6;
	s5 =	sadd.s32 $0x56A00, s8  }
0xb: {  	v0 =	vlaneseq.u32;
	s6 =	sadd.s32 $0x56000, s8;
	s8 =	smax.u32 s9, $0x1;
	s9 =	simm.s32 $0x1  }
0xc: {  	v1 =	vimm.s32 $0x0;
	vm0 =	vcmask $0x3F08;
	vm1 =	vmmov $0x1;
	s3 =	sadd.s32 $0x49C00, s7;
	s7 =	sadd.s32 $0x57400, s10;
	s10 =	simm.s32 $0x4E80  }
.LBB2_1:
0xd: {  	[tilespmem:s2], [sflag:$0x1] =	stream.linear.gather [hbm4b:s3+s2], $0x4E20, $0x38;
	[tilespmem:$0x5780] =	vst v63  }
0xe: {  	_ =	swait.ge [sflag:s9], $0x4E20  }
0xf: {  	[sflag:s9] =	ssyncset.done $0x0  }
0x10: {  	[sflag:s9] =	ssyncadd.s32 $0xFFFFB1E0  }
0x11: {  	[tilespmem:s10], [sflag:$0x1] =	stream.linear.gather [hbm4b:s4+s2], $0x10, $0x38;
	[tilespmem:$0x5780] =	vst v63  }
0x12: {  	_ =	swait.ge [sflag:s9], $0x10  }
0x13: {  	[sflag:s9] =	ssyncset.done $0x0  }
0x14: {  	[sflag:s9] =	ssyncadd.s32 $0xFFFFFFF0  }
0x15: {  	v2 =	vld [tilespmem:$0x4E80]  }
0x16: {  	v3 =	vld [tilespmem:s2+$0x0];
	_ =	sdelay $0x4  }
0x17: {  	vm2 =	vgt.s32 v3, v2  }
0x18: {  	v4 =	vsel vm2, $0x1, v1  }
0x19: {  	(xrf0) =	vadd.scan.msk.s32 $0xffff, v4;
	_ =	sdelay $0x1  }
0x1a: {  	vm3 =	veq.s32 v3, v2  }
0x1b: {  	v3 =	vsel vm3, $0x1, v1  }
0x1c: {  	(xrf0) =	vadd.scan.msk.s32 $0xffff, v3;
	_ =	sdelay $0x1  }
0x1d: {  	v3, _, _ =	vpop (xrf0)  }
0x1e: {  	v3 =	vadd.s32 v1, v3;
	_ =	sdelay $0x2  }
0x1f: {  	vm4 =	vlt.s32 v3, $0x401;
	v7 =	vadd.s32 $0xFFFFFFFF, v3;
	v3, _, _ =	vpop (xrf0)  }
0x20: {  	vm4 =	vmand vm2, vm4;
	v6 =	vadd.s32 v1, v3  }
0x21: {  	v3 =	vmpcnt.ones.xlane vm2;
	vm2 =	vlt.s32 v6, $0x401  }
0x22: {  	vm2 =	vmand vm3, vm2  }
0x23: {  	v6 =	vadd.s32 $0xFFFFFFFF, v6  }
0x24: {  	v4 =	vmpcnt.ones.xlane vm3  }
0x25: {  	v5 =	vor.u32 s2, v0  }
0x26: {  	s15 =	simm.s32 $0x10;
	s16 =	simm.s32 $0x0;
	v4 =	vadd.s32 v1, v4;
	v3 =	vadd.s32 v1, v3;
	[tilespmem:v7+s11+$0x0] =	vst.idx.msk vm4, v5  }
.LBB2_2:
0x27: {  	p0 =	sne.s32 s15, $0x4E10  }
0x28: {  	[tilespmem:v6+s12+$0x0] =	vst.idx.msk vm2, v5;
	s16 =	sadd.s32 $0x10, s16;
	v5 =	vmov v3;
	v6 =	vmov v4;
	s17 =	smov.u32 s15;
	s15 =	sadd.s32 $0x10, s15  }
0x29: {  	v7 =	vld [tilespmem:s16+$0x0];
	_ =	sdelay $0x4  }
0x2a: {  	vm2 =	vgt.s32 v7, v2;
	vm3 =	veq.s32 v7, v2  }
0x2b: {  	v7 =	vsel vm2, $0x1, v1;
	v8 =	vsel vm3, $0x1, v1;
	v9 =	vmpcnt.ones.xlane vm2  }
0x2c: {  	v10 =	vmpcnt.ones.xlane vm3;
	(xrf0) =	vadd.scan.msk.s32 $0xffff, v7  }
0x2d: {  	v3 =	vadd.s32 v3, v9;
	(xrf0) =	vadd.scan.msk.s32 $0xffff, v8  }
0x2e: {  	v4 =	vadd.s32 v4, v10;
	_ =	sdelay $0x3  }
0x2f: {  	v7, _, _ =	vpop (xrf0)  }
0x30: {  	v5 =	vadd.s32 v5, v7;
	v7, _, _ =	vpop (xrf0)  }
0x31: {  	v6 =	vadd.s32 v6, v7;
	vm4 =	vlt.s32 v5, $0x401  }
0x32: {  	vm4 =	vmand vm2, vm4;
	vm2 =	vlt.s32 v6, $0x401  }
0x33: {  	v7 =	vadd.s32 $0xFFFFFFFF, v5;
	vm2 =	vmand vm3, vm2  }
.Ltmp0:
0x34: {  	v6 =	vadd.s32 $0xFFFFFFFF, v6;
	(pc) =	sbr.rel @p0 .LBB2_2-.Ltmp0, $3  }
0x35: {  	_ =	sdelay $0x1  }
0x36: {  	v5 =	vor.u32 s17, v0  }
0x37: {  	[tilespmem:v7+s11+$0x0] =	vst.idx.msk vm4, v5  }
0x38: {  	_ =	sdelay $0x3  }
0x39: {  	v2 =	vsel vm0, $0x0, v4  }
0x3a: {  	[tilespmem:v6+s12+$0x0] =	vst.idx.msk vm2, v5;
	v2 =	vsel vm1, v3, v2  }
0x3b: {  	[tilespmem:$0x5700] =	vst v2  }
0x3c: {  	[hbm4b:s5+s2] =	stream.linear.scatter [tilespmem:s11], [sflag:$0x1], $0x400, $0x38;
	[tilespmem:$0x5780] =	vst v63  }
0x3d: {  	_ =	swait.ge [sflag:s9], $0x400  }
0x3e: {  	[sflag:s9] =	ssyncset.done $0x0  }
0x3f: {  	[sflag:s9] =	ssyncadd.s32 $0xFFFFFC00  }
0x40: {  	[hbm4b:s6+s2] =	stream.linear.scatter [tilespmem:s12], [sflag:$0x1], $0x400, $0x38;
	[tilespmem:$0x5780] =	vst v63  }
0x41: {  	s14 =	sadd.s32 $0x1, s14;
	_ =	swait.ge [sflag:s9], $0x400  }
0x42: {  	p0 =	sne.s32 s14, s8;
	[sflag:s9] =	ssyncset.done $0x0  }
.Ltmp1:
0x43: {  	[sflag:s9] =	ssyncadd.s32 $0xFFFFFC00;
	(pc) =	sbr.rel @p0 .LBB2_1-.Ltmp1, $4  }
0x44: {  	[hbm4b:s7+s2] =	stream.linear.scatter [tilespmem:s13], [sflag:$0x1], $0x10, $0x38;
	[tilespmem:$0x5780] =	vst v63  }
0x45: {  	_ =	swait.ge [sflag:s9], $0x10  }
0x46: {  	[sflag:s9] =	ssyncset.done $0x0  }
0x47: {  	[sflag:s9] =	ssyncadd.s32 $0xFFFFFFF0  }
0x48: {  	_ =	sfence.sel $0x180000  }
0x49: {  	[bflag:$0x0] =	sbarrier.arrive $0xFFFF  }
0x4a: {  	p0 =	sne.s32 s0, $0x0;
	_ =	strace $0x90000047  }
0x4b: {  	s0 =	sadd.s32 @!p0 $0x100000, s1;
	[bflag:$0x2] =	sbarrier.arrive $0xFFFF  }
0x4c: {  	[sflag:s0] =	ssyncadd.tile.s32 @!p0 $0x1;
	_ =	shalt  }
.Lfunc_end2:
_tile_overlayer_lowered:
.L_overlay_start_2:
0x4d: {  	(tag) =	ssettag $0x2  }
0x4e: {  	s0 =	rddreg [dreg:$0x0];
	s2 =	stileid.u32  }
0x4f: {  	s1 =	rddreg [dreg:$0x1];
	p0 =	sne.s32 s2, $0x0  }
0x50: {  	s3 =	rddreg [dreg:$0x2];
	[bflag:$0x3] =	sbarrier.arrive $0xFFFF;
	s2 =	simm.s32 @!p0 $0x1C01  }
0x51: {  	[timem:s3], [sflag:s2] =	dma.local @!p0 [hbm:s0], s1  }
0x52: {  	s0 =	simm.s32 @!p0 $0x1  }
0x53: {  	_ =	swait.ge @!p0 [sflag:s0], s1  }
0x54: {  	s1 =	ssub.s32 @!p0 $0x0, s1;
	[sflag:s0] =	ssyncset.done @!p0 $0x0  }
0x55: {  	[sflag:s0] =	ssyncadd.s32 @!p0 s1  }
0x56: {  	[bflag:$0x3] =	sbarrier.arrive $0xFFFF  }
0x57: {  	_ =	shalt  }

</sc_bundles>
